<compile_context>
chip_gen: v7x
topology: tpu7x:2x2x1
jax: 0.10.2.dev20260603
libtpu: 0.0.44.dev20260713+nightly
codegen_flags: <defaults>
</compile_context>

<pallas_src>
import functools

import jax
import jax.numpy as jnp
from jax import lax
from jax.experimental import pallas as pl
from jax.experimental.pallas import tpu as pltpu
from jax.experimental.pallas import tpu_sc as plsc

NN = 10000
DD = 256
TAU = 0.1
NPAD = 10240
NC, NS = 2, 16
RPT = NPAD // NS
GB = 128


def _sc_mesh():
    return plsc.VectorSubcoreMesh(core_axis_name="c", subcore_axis_name="s")


def _hist(dstp, zrows, orows):
    g = dstp.shape[1]

    @functools.partial(
        pl.kernel,
        out_type=jax.ShapeDtypeStruct((NC, NPAD, 128), jnp.float32),
        mesh=_sc_mesh(),
        scratch_types=[
            pltpu.VMEM_SHARED((NPAD, 128), jnp.float32),
            pltpu.VMEM((g, 128), jnp.int32),
            pltpu.VMEM((GB, 128), jnp.float32),
        ],
    )
    def k(dst_hbm, z_hbm, o_hbm, out_hbm, acc, idst, ones_v):
        c = lax.axis_index("c")
        s = lax.axis_index("s")
        w = c * NS + s
        pltpu.sync_copy(z_hbm, acc.at[pl.ds(s * RPT, RPT)])
        pltpu.sync_copy(o_hbm, ones_v)
        pltpu.sync_copy(dst_hbm.at[w], idst)
        plsc.subcore_barrier()

        def body(j, carry):
            pltpu.sync_copy(ones_v, acc.at[idst.at[j]], add=True)
            return carry

        lax.fori_loop(0, g, body, 0)
        plsc.subcore_barrier()
        pltpu.sync_copy(acc.at[pl.ds(s * RPT, RPT)],
                        out_hbm.at[c, pl.ds(s * RPT, RPT)])

    return k(dstp, zrows, orows)


def _segsum(xwh, srcp, dstp):
    g, gb = srcp.shape[1], srcp.shape[2]

    @functools.partial(
        pl.kernel,
        out_type=jax.ShapeDtypeStruct((NC, NPAD, 128), jnp.float32),
        mesh=_sc_mesh(),
        scratch_types=[
            pltpu.VMEM_SHARED((NPAD, 128), jnp.float32),
            pltpu.VMEM((g, gb), jnp.int32),
            pltpu.VMEM((g, gb), jnp.int32),
            pltpu.VMEM((gb, 128), jnp.float32),
            pltpu.SemaphoreType.DMA,
        ],
    )
    def k(xwh_hbm, src_hbm, dst_hbm, out_hbm, acc, isrc, idst, rows, sem):
        c = lax.axis_index("c")
        s = lax.axis_index("s")
        pltpu.sync_copy(xwh_hbm.at[c, pl.ds(s * RPT, RPT)],
                        acc.at[pl.ds(s * RPT, RPT)])
        pltpu.sync_copy(src_hbm.at[s], isrc)
        pltpu.sync_copy(dst_hbm.at[s], idst)
        plsc.subcore_barrier()
        xwc = xwh_hbm.at[c]

        def body(j, carry):
            pltpu.async_copy(xwc.at[isrc.at[j]], rows, sem).wait()
            pltpu.sync_copy(rows, acc.at[idst.at[j]], add=True)
            return carry

        lax.fori_loop(0, g, body, 0)
        plsc.subcore_barrier()
        pltpu.sync_copy(acc.at[pl.ds(s * RPT, RPT)],
                        out_hbm.at[c, pl.ds(s * RPT, RPT)])

    return k(xwh, srcp, dstp)


def _edge_dots(reps2, ea, eb):
    g3, gb = ea.shape[1], ea.shape[2]
    eout = NC * NS * g3 * gb

    @functools.partial(
        pl.kernel,
        out_type=jax.ShapeDtypeStruct((eout,), jnp.float32),
        mesh=_sc_mesh(),
        scratch_types=[
            pltpu.VMEM((g3, gb), jnp.int32),
            pltpu.VMEM((g3, gb), jnp.int32),
            pltpu.VMEM((gb, 256), jnp.float32),
            pltpu.VMEM((gb, 256), jnp.float32),
            pltpu.VMEM((gb, 256), jnp.float32),
            pltpu.VMEM((gb, 256), jnp.float32),
            pltpu.VMEM((gb,), jnp.float32),
            pltpu.VMEM((gb,), jnp.float32),
            pltpu.SemaphoreType.DMA,
            pltpu.SemaphoreType.DMA,
        ],
    )
    def k(reps_hbm, ea_hbm, eb_hbm, out_hbm, ia, ib, raa, rba, rab, rbb,
          dva, dvb, sema, semb):
        c = lax.axis_index("c")
        s = lax.axis_index("s")
        w = c * NS + s
        rc = reps_hbm.at[c]
        pltpu.sync_copy(ea_hbm.at[w], ia)
        pltpu.sync_copy(eb_hbm.at[w], ib)
        pltpu.async_copy(rc.at[ia.at[0]], raa, sema)
        pltpu.async_copy(rc.at[ib.at[0]], rba, sema)
        pltpu.async_copy(rc.at[ia.at[1]], rab, semb)
        pltpu.async_copy(rc.at[ib.at[1]], rbb, semb)

        lanes = lax.iota(jnp.int32, 16)
        _dn = lax.GatherDimensionNumbers(
            offset_dims=(), collapsed_slice_dims=(0,), start_index_map=(0,))

        def _shuf(x, perm):
            return lax.gather(x, perm[:, None], _dn, (1,),
                              mode=lax.GatherScatterMode.PROMISE_IN_BOUNDS)

        def dot_group(ra, rb, dv):
            def sub(sb, carry):
                def edge16(t, vec):
                    e = sb * 16 + t
                    acc = ra[e, pl.ds(0, 16)] * rb[e, pl.ds(0, 16)]
                    for v in range(1, 16):
                        acc = acc + ra[e, pl.ds(v * 16, 16)] * rb[e, pl.ds(v * 16, 16)]
                    for h in (8, 4, 2, 1):
                        acc = acc + _shuf(acc, lanes ^ h)
                    tv = jnp.full((16,), t, jnp.int32)
                    return jnp.where(lanes == tv, acc, vec)

                vec = lax.fori_loop(0, 16, edge16, jnp.zeros((16,), jnp.float32))
                dv[pl.ds(sb * 16, 16)] = vec
                return carry

            lax.fori_loop(0, gb // 16, sub, 0)

        def body(i, carry):
            j = 2 * i
            pltpu.make_async_copy(rc.at[ia.at[0]], raa, sema).wait()
            pltpu.make_async_copy(rc.at[ia.at[0]], rba, sema).wait()
            dot_group(raa, rba, dva)

            @pl.when(j + 2 < g3)
            def _():
                pltpu.async_copy(rc.at[ia.at[j + 2]], raa, sema)
                pltpu.async_copy(rc.at[ib.at[j + 2]], rba, sema)

            pltpu.sync_copy(dva, out_hbm.at[pl.ds((w * g3 + j) * gb, gb)])

            pltpu.make_async_copy(rc.at[ia.at[0]], rab, semb).wait()
            pltpu.make_async_copy(rc.at[ia.at[0]], rbb, semb).wait()
            dot_group(rab, rbb, dvb)

            @pl.when(j + 3 < g3)
            def _():
                pltpu.async_copy(rc.at[ia.at[j + 3]], rab, semb)
                pltpu.async_copy(rc.at[ib.at[j + 3]], rbb, semb)

            pltpu.sync_copy(dvb, out_hbm.at[pl.ds((w * g3 + j + 1) * gb, gb)])
            return carry

        lax.fori_loop(0, g3 // 2, body, 0)

    return k(reps2, ea, eb)


def _dinv_block(hist_ref, i):
    deg = hist_ref[0, :, 0:1] + hist_ref[1, :, 0:1] + 1.0
    row = lax.broadcasted_iota(jnp.int32, (256, 1), 0) + i * 256
    return jnp.where(row < NN, lax.rsqrt(deg), 0.0)


def _mm_scale(x, w, b2d, hist, relu_in):
    nblk = NPAD // 256

    def body(x_ref, w_ref, b_ref, h_ref, out_ref):
        i = pl.program_id(0)
        dv = _dinv_block(h_ref, i)
        if relu_in:
            xin = jnp.concatenate([x_ref[0], x_ref[1]], axis=1)
            xin = jnp.maximum(xin * dv, 0.0)
        else:
            xin = x_ref[...]
        xw = jnp.dot(xin, w_ref[...], preferred_element_type=jnp.float32)
        s = (xw + b_ref[...]) * dv
        out_ref[0] = s[:, :128]
        out_ref[1] = s[:, 128:]

    in_spec0 = (pl.BlockSpec((NC, 256, 128), lambda i: (0, i, 0)) if relu_in
                else pl.BlockSpec((256, 256), lambda i: (i, 0)))
    return pl.pallas_call(
        body,
        grid=(nblk,),
        in_specs=[
            in_spec0,
            pl.BlockSpec((256, 256), lambda i: (0, 0)),
            pl.BlockSpec((1, 256), lambda i: (0, 0)),
            pl.BlockSpec((NC, 256, 128), lambda i: (0, i, 0)),
        ],
        out_specs=pl.BlockSpec((NC, 256, 128), lambda i: (0, i, 0)),
        out_shape=jax.ShapeDtypeStruct((NC, NPAD, 128), jnp.float32),
    )(x, w, b2d, hist)


def _normalize(presum, hist):
    nblk = NPAD // 256

    def body(p_ref, h_ref, out_ref):
        i = pl.program_id(0)
        dv = _dinv_block(h_ref, i)
        r = jnp.concatenate([p_ref[0], p_ref[1]], axis=1) * dv
        nrm = jnp.sqrt(jnp.sum(r * r, axis=1, keepdims=True))
        rn = r / jnp.maximum(nrm, 1e-12)
        out_ref[0] = rn
        out_ref[1] = rn

    return pl.pallas_call(
        body,
        grid=(nblk,),
        in_specs=[
            pl.BlockSpec((NC, 256, 128), lambda i: (0, i, 0)),
            pl.BlockSpec((NC, 256, 128), lambda i: (0, i, 0)),
        ],
        out_specs=pl.BlockSpec((2, 256, 256), lambda i: (0, i, 0)),
        out_shape=jax.ShapeDtypeStruct((2, NPAD, 256), jnp.float32),
    )(presum, hist)


def _loss(posd, negd, e0r, e1r, n0r, n1r):
    nblk, blk = posd.shape[0], posd.shape[2]

    def body(pd_ref, nd_ref, e0_ref, e1_ref, n0_ref, n1_ref, est_ref, acc_ref):
        g = pl.program_id(0)
        pd = pd_ref[0, 0]
        nd = nd_ref[0, 0]
        pm = (e0_ref[0, 0] < e1_ref[0, 0]).astype(jnp.float32)
        nm = (n0_ref[0, 0] < n1_ref[0, 0]).astype(jnp.float32)
        est = jnp.maximum(pd, 0.0)
        est_ref[0, 0] = jnp.where(est < TAU, 0.0, est)

        @pl.when(g == 0)
        def _():
            acc_ref[0] = 0.0
            acc_ref[1] = 0.0
            acc_ref[2] = 0.0
            acc_ref[3] = 0.0

        acc_ref[0] += jnp.sum(pm * (pd - 1.0) ** 2)
        acc_ref[1] += jnp.sum(nm * nd * nd)
        acc_ref[2] += jnp.sum(pm)
        acc_ref[3] += jnp.sum(nm)

    idx_spec = pl.BlockSpec((1, 1, blk), lambda g: (g, 0, 0))
    return pl.pallas_call(
        body,
        grid=(nblk,),
        in_specs=[idx_spec, idx_spec, idx_spec, idx_spec, idx_spec, idx_spec],
        out_specs=[
            pl.BlockSpec((1, 1, blk), lambda g: (g, 0, 0)),
            pl.BlockSpec(memory_space=pltpu.SMEM),
        ],
        out_shape=[
            jax.ShapeDtypeStruct((nblk, 1, blk), jnp.float32),
            jax.ShapeDtypeStruct((4,), jnp.float32),
        ],
    )(posd, negd, e0r, e1r, n0r, n1r)


def _pad_edges(idx, ntiles, group, even=False):
    k = idx.shape[0]
    per = -(-k // (ntiles * group))
    if even:
        per += per % 2
    tot = ntiles * per * group
    pad = jnp.full((tot - k,), NPAD - 1, jnp.int32)
    return jnp.concatenate([idx, pad]).reshape(ntiles, per, group)


def kernel(features, edge_index, neg_edge_index, W1, b1, W2, b2):
    e = edge_index.shape[1]
    src = edge_index[0].astype(jnp.int32)
    dst = edge_index[1].astype(jnp.int32)

    srcp = _pad_edges(src, NS, GB)
    dstp = _pad_edges(dst, NS, GB)
    dstp2 = _pad_edges(dst, NC * NS, GB)
    zrows = jnp.zeros((RPT, 128), jnp.float32)
    orows = jnp.ones((GB, 128), jnp.float32)
    hist = _hist(dstp2, zrows, orows)

    fpad = jnp.zeros((NPAD, DD), jnp.float32).at[:NN].set(features)
    xw1h = _mm_scale(fpad, W1, b1.reshape(1, DD), hist, relu_in=False)

    ps1 = _segsum(xw1h, srcp, dstp)
    xw2h = _mm_scale(ps1, W2, b2.reshape(1, DD), hist, relu_in=True)
    ps2 = _segsum(xw2h, srcp, dstp)

    reps2 = _normalize(ps2, hist)

    nw = NC * NS
    ept = e // nw
    gp = -(-ept // 64)
    gp += gp % 2
    eptp = gp * 64

    def tile_pad(idx):
        blocks = idx.reshape(nw, ept)
        fill = jnp.full((nw, eptp - ept), NPAD - 1, jnp.int32)
        return jnp.concatenate([blocks, fill], axis=1).reshape(nw, gp, 64)

    n0 = neg_edge_index[0].astype(jnp.int32)
    n1 = neg_edge_index[1].astype(jnp.int32)
    ea = jnp.concatenate([tile_pad(src), tile_pad(n0)], axis=1)
    eb = jnp.concatenate([tile_pad(dst), tile_pad(n1)], axis=1)
    dots = _edge_dots(reps2, ea, eb)

    nblk = 20
    blk = e // nblk
    dview = dots.reshape(nw, 2 * gp, 64)
    posd = dview[:, :gp].reshape(nw, eptp)[:, :ept].reshape(nblk, 1, blk)
    negd = dview[:, gp:].reshape(nw, eptp)[:, :ept].reshape(nblk, 1, blk)
    e0r = src.reshape(nblk, 1, blk)
    e1r = dst.reshape(nblk, 1, blk)
    n0r = neg_edge_index[0].astype(jnp.int32).reshape(nblk, 1, blk)
    n1r = neg_edge_index[1].astype(jnp.int32).reshape(nblk, 1, blk)
    est3, accs = _loss(posd, negd, e0r, e1r, n0r, n1r)

    reps = reps2[0, :NN]
    est = est3.reshape(e)
    rec_loss = (accs[1] + accs[0]) * NN / (accs[2] + accs[3])
    return reps, rec_loss, est

# --- scband reference (transcript-rebuilt; emitter-appended) ---
"""Pipeline reference for scband-rtgnn-22960895164563 (READ-ONLY COPY).

The authoritative reference and input builder live on the scoring server;
editing this copy changes nothing except your own understanding.
"""

import jax, jax.numpy as jnp
import numpy as np

N = 10000
E = 160000
D = 256
H = 256
TAU = 0.1


def setup_inputs(seed: int = 0) -> dict:
    key = jax.random.key(seed)
    k1, k2, k3, k4, k5 = jax.random.split(key, 5)
    features = jax.random.normal(k1, (N, D), dtype=jnp.float32)
    edge_index = jax.random.randint(k2, (2, E), 0, N)
    neg_edge_index = jax.random.randint(k3, (2, E), 0, N)
    W1 = jax.random.normal(k4, (D, H), dtype=jnp.float32) * (1.0 / np.sqrt(D))
    b1 = jnp.zeros((H,), dtype=jnp.float32)
    W2 = jax.random.normal(k5, (H, H), dtype=jnp.float32) * (1.0 / np.sqrt(H))
    b2 = jnp.zeros((H,), dtype=jnp.float32)
    return {"features": features, "edge_index": edge_index, "neg_edge_index": neg_edge_index,
            "W1": W1, "b1": b1, "W2": W2, "b2": b2}


def gcn_layer(x, edge_index, edge_weight, W, b):
    # GCNConv with added self-loops and symmetric normalization
    n = x.shape[0]
    loop = jnp.arange(n)
    src = jnp.concatenate([edge_index[0], loop])
    dst = jnp.concatenate([edge_index[1], loop])
    w = jnp.concatenate([edge_weight, jnp.ones((n,), dtype=x.dtype)])
    deg = jnp.zeros((n,), dtype=x.dtype).at[dst].add(w)
    dinv = jnp.where(deg > 0, 1.0 / jnp.sqrt(deg), 0.0)
    norm = dinv[src] * w * dinv[dst]
    xw = x @ W + b
    msg = xw[src] * norm[:, None]
    out = jnp.zeros((n, xw.shape[1]), dtype=x.dtype).at[dst].add(msg)
    return out


def reference(features, edge_index, neg_edge_index, W1, b1, W2, b2):
    num_nodes = features.shape[0]
    ew = jnp.ones((edge_index.shape[1],), dtype=features.dtype)
    # estimator GCN (2 layers, relu in between, dropout=0)
    h = jax.nn.relu(gcn_layer(features, edge_index, ew, W1, b1))
    reps = gcn_layer(h, edge_index, ew, W2, b2)
    # F.normalize(dim=-1)
    nrm = jnp.linalg.norm(reps, axis=-1, keepdims=True)
    reps = reps / jnp.maximum(nrm, 1e-12)
    # get_estimated_weigths: dot product over edges, relu, tau-threshold
    x0 = reps[edge_index[0]]
    x1 = reps[edge_index[1]]
    est = jax.nn.relu(jnp.sum(x0 * x1, axis=1))
    est = jnp.where(est < TAU, 0.0, est)
    # reconstruct_loss with deterministic negatives (masked to src < dst)
    pos_mask = (edge_index[0] < edge_index[1]).astype(reps.dtype)
    neg_mask = (neg_edge_index[0] < neg_edge_index[1]).astype(reps.dtype)
    pos = jnp.sum(reps[edge_index[0]] * reps[edge_index[1]], axis=1)
    neg = jnp.sum(reps[neg_edge_index[0]] * reps[neg_edge_index[1]], axis=1)
    neg_loss = jnp.sum(neg_mask * neg ** 2)
    pos_loss = jnp.sum(pos_mask * (pos - 1.0) ** 2)
    denom = jnp.sum(neg_mask) + jnp.sum(pos_mask)
    rec_loss = (neg_loss + pos_loss) * num_nodes / denom
    return reps, rec_loss, est

if __name__ == "__main__":
    import jax
    _d = setup_inputs()
    print(jax.jit(kernel)(*tuple(_d.values())))

</pallas_src>

<mosaic_0001>
#map = affine_map<(d0, d1) -> (0, 0, 0)>
#map1 = affine_map<(d0, d1) -> (0)>
module attributes {stable_mosaic.version = 14 : i64} {
  func.func @k(%arg0: i32, %arg1: i32, %arg2: memref<2x10240x256xf32, #tpu.memory_space<hbm>>, %arg3: memref<32x160x64xi32, #tpu.memory_space<hbm>>, %arg4: memref<32x160x64xi32, #tpu.memory_space<hbm>>, %arg5: memref<327680xf32, #tpu.memory_space<hbm>>, %arg6: memref<160x64xi32, #tpu.memory_space<vmem>>, %arg7: memref<160x64xi32, #tpu.memory_space<vmem>>, %arg8: memref<64x256xf32, #tpu.memory_space<vmem>>, %arg9: memref<64x256xf32, #tpu.memory_space<vmem>>, %arg10: memref<64x256xf32, #tpu.memory_space<vmem>>, %arg11: memref<64x256xf32, #tpu.memory_space<vmem>>, %arg12: memref<64xf32, #tpu.memory_space<vmem>>, %arg13: memref<64xf32, #tpu.memory_space<vmem>>, %arg14: memref<!tpu.dma_semaphore, #tpu.memory_space<semaphore_mem>>, %arg15: memref<!tpu.dma_semaphore, #tpu.memory_space<semaphore_mem>>) attributes {dimension_semantics = [#tpu.dimension_semantics<core_parallel>, #tpu.dimension_semantics<subcore_parallel>], iteration_bounds = array<i64: 2, 16>, scalar_prefetch = 0 : i64, scratch_operands = 10 : i64, tpu.core_type = #tpu.core_type<sc_vector_subcore>, window_params = [{transform_indices = #map}, {transform_indices = #map}, {transform_indices = #map}, {transform_indices = #map1}]} {
    %mul3A = arith.constant 16 : i32
    %mul3A_0 = arith.muli %arg0, %mul3A : i32
    %add3A = arith.addi %mul3A_0, %arg1 : i32
    "tpu.region"() ({
      %run_scoped3A = tpu.sem_alloc : memref<!tpu.dma_semaphore, #tpu.memory_space<semaphore_mem>>
      %dma_start3A_49 = arith.constant 0 : i32
      %dma_start3A_50 = arith.constant 0 : i32
      %dma_start3A_51 = tpu.memref_slice %arg3[%add3A, %dma_start3A_49, %dma_start3A_50] : memref<32x160x64xi32, #tpu.memory_space<hbm>> -> memref<1x160x64xi32, #tpu.memory_space<hbm>>
      %dma_start3A_52 = tpu.memref_squeeze %dma_start3A_51 : memref<1x160x64xi32, #tpu.memory_space<hbm>> -> memref<160x64xi32, #tpu.memory_space<hbm>>
      %dma_start3A_53 = arith.constant 0 : i32
      %dma_start3A_54 = arith.constant 0 : i32
      %dma_start3A_55 = tpu.memref_slice %arg3[%add3A, %dma_start3A_53, %dma_start3A_54] : memref<32x160x64xi32, #tpu.memory_space<hbm>> -> memref<1x160x64xi32, #tpu.memory_space<hbm>>
      %dma_start3A_56 = tpu.memref_squeeze %dma_start3A_55 : memref<1x160x64xi32, #tpu.memory_space<hbm>> -> memref<160x64xi32, #tpu.memory_space<hbm>>
      tpu.enqueue_dma source(%dma_start3A_56 : memref<160x64xi32, #tpu.memory_space<hbm>>) target(%arg6 : memref<160x64xi32, #tpu.memory_space<vmem>>) target_semaphore(%run_scoped3A : memref<!tpu.dma_semaphore, #tpu.memory_space<semaphore_mem>>)
      %dma_wait3A = arith.constant 0 : i32
      %dma_wait3A_57 = arith.constant 0 : i32
      %dma_wait3A_58 = tpu.memref_slice %arg3[%add3A, %dma_wait3A, %dma_wait3A_57] : memref<32x160x64xi32, #tpu.memory_space<hbm>> -> memref<1x160x64xi32, #tpu.memory_space<hbm>>
      %dma_wait3A_59 = tpu.memref_squeeze %dma_wait3A_58 : memref<1x160x64xi32, #tpu.memory_space<hbm>> -> memref<160x64xi32, #tpu.memory_space<hbm>>
      %dma_wait3A_60 = arith.constant 0 : i32
      %dma_wait3A_61 = arith.constant 0 : i32
      %dma_wait3A_62 = tpu.memref_slice %arg3[%add3A, %dma_wait3A_60, %dma_wait3A_61] : memref<32x160x64xi32, #tpu.memory_space<hbm>> -> memref<1x160x64xi32, #tpu.memory_space<hbm>>
      %dma_wait3A_63 = tpu.memref_squeeze %dma_wait3A_62 : memref<1x160x64xi32, #tpu.memory_space<hbm>> -> memref<160x64xi32, #tpu.memory_space<hbm>>
      tpu.wait_dma2 semaphore(%run_scoped3A : memref<!tpu.dma_semaphore, #tpu.memory_space<semaphore_mem>>) src(%dma_wait3A_63 : memref<160x64xi32, #tpu.memory_space<hbm>>) dst(%arg6 : memref<160x64xi32, #tpu.memory_space<vmem>>)
      tpu.yield
    }) : () -> ()
    "tpu.region"() ({
      %run_scoped3A = tpu.sem_alloc : memref<!tpu.dma_semaphore, #tpu.memory_space<semaphore_mem>>
      %dma_start3A_49 = arith.constant 0 : i32
      %dma_start3A_50 = arith.constant 0 : i32
      %dma_start3A_51 = tpu.memref_slice %arg4[%add3A, %dma_start3A_49, %dma_start3A_50] : memref<32x160x64xi32, #tpu.memory_space<hbm>> -> memref<1x160x64xi32, #tpu.memory_space<hbm>>
      %dma_start3A_52 = tpu.memref_squeeze %dma_start3A_51 : memref<1x160x64xi32, #tpu.memory_space<hbm>> -> memref<160x64xi32, #tpu.memory_space<hbm>>
      %dma_start3A_53 = arith.constant 0 : i32
      %dma_start3A_54 = arith.constant 0 : i32
      %dma_start3A_55 = tpu.memref_slice %arg4[%add3A, %dma_start3A_53, %dma_start3A_54] : memref<32x160x64xi32, #tpu.memory_space<hbm>> -> memref<1x160x64xi32, #tpu.memory_space<hbm>>
      %dma_start3A_56 = tpu.memref_squeeze %dma_start3A_55 : memref<1x160x64xi32, #tpu.memory_space<hbm>> -> memref<160x64xi32, #tpu.memory_space<hbm>>
      tpu.enqueue_dma source(%dma_start3A_56 : memref<160x64xi32, #tpu.memory_space<hbm>>) target(%arg7 : memref<160x64xi32, #tpu.memory_space<vmem>>) target_semaphore(%run_scoped3A : memref<!tpu.dma_semaphore, #tpu.memory_space<semaphore_mem>>)
      %dma_wait3A = arith.constant 0 : i32
      %dma_wait3A_57 = arith.constant 0 : i32
      %dma_wait3A_58 = tpu.memref_slice %arg4[%add3A, %dma_wait3A, %dma_wait3A_57] : memref<32x160x64xi32, #tpu.memory_space<hbm>> -> memref<1x160x64xi32, #tpu.memory_space<hbm>>
      %dma_wait3A_59 = tpu.memref_squeeze %dma_wait3A_58 : memref<1x160x64xi32, #tpu.memory_space<hbm>> -> memref<160x64xi32, #tpu.memory_space<hbm>>
      %dma_wait3A_60 = arith.constant 0 : i32
      %dma_wait3A_61 = arith.constant 0 : i32
      %dma_wait3A_62 = tpu.memref_slice %arg4[%add3A, %dma_wait3A_60, %dma_wait3A_61] : memref<32x160x64xi32, #tpu.memory_space<hbm>> -> memref<1x160x64xi32, #tpu.memory_space<hbm>>
      %dma_wait3A_63 = tpu.memref_squeeze %dma_wait3A_62 : memref<1x160x64xi32, #tpu.memory_space<hbm>> -> memref<160x64xi32, #tpu.memory_space<hbm>>
      tpu.wait_dma2 semaphore(%run_scoped3A : memref<!tpu.dma_semaphore, #tpu.memory_space<semaphore_mem>>) src(%dma_wait3A_63 : memref<160x64xi32, #tpu.memory_space<hbm>>) dst(%arg7 : memref<160x64xi32, #tpu.memory_space<vmem>>)
      tpu.yield
    }) : () -> ()
    %dma_start3A = arith.constant 0 : i32
    %dma_start3A_1 = arith.constant 0 : i32
    %dma_start3A_2 = tpu.memref_slice %arg6[%dma_start3A, %dma_start3A_1] : memref<160x64xi32, #tpu.memory_space<vmem>> -> memref<1x64xi32, #tpu.memory_space<vmem>>
    %dma_start3A_3 = tpu.memref_squeeze %dma_start3A_2 : memref<1x64xi32, #tpu.memory_space<vmem>> -> memref<64xi32, #tpu.memory_space<vmem>>
    %dma_start3A_4 = arith.constant 0 : i32
    %dma_start3A_5 = arith.constant 0 : i32
    %dma_start3A_6 = tpu.memref_slice %arg2[%arg0, %dma_start3A_4, %dma_start3A_5] : memref<2x10240x256xf32, #tpu.memory_space<hbm>> -> memref<1x10240x256xf32, #tpu.memory_space<hbm>>
    %dma_start3A_7 = tpu.memref_squeeze %dma_start3A_6 : memref<1x10240x256xf32, #tpu.memory_space<hbm>> -> memref<10240x256xf32, #tpu.memory_space<hbm>>
    %dma_start3A_8 = arith.constant 0 : i32
    %dma_start3A_9 = arith.constant 0 : i32
    %dma_start3A_10 = tpu.memref_slice %dma_start3A_7[%dma_start3A_8, %dma_start3A_9] : memref<10240x256xf32, #tpu.memory_space<hbm>> -> memref<10240x256xf32, #tpu.memory_space<hbm>>
    tpu.enqueue_indirect_dma source(%dma_start3A_10 : memref<10240x256xf32, #tpu.memory_space<hbm>>) target(%arg8 : memref<64x256xf32, #tpu.memory_space<vmem>>) offsets(%dma_start3A_3 : memref<64xi32, #tpu.memory_space<vmem>>) semaphore(%arg14 : memref<!tpu.dma_semaphore, #tpu.memory_space<semaphore_mem>>)
    %dma_start3A_11 = arith.constant 0 : i32
    %dma_start3A_12 = arith.constant 0 : i32
    %dma_start3A_13 = tpu.memref_slice %arg7[%dma_start3A_11, %dma_start3A_12] : memref<160x64xi32, #tpu.memory_space<vmem>> -> memref<1x64xi32, #tpu.memory_space<vmem>>
    %dma_start3A_14 = tpu.memref_squeeze %dma_start3A_13 : memref<1x64xi32, #tpu.memory_space<vmem>> -> memref<64xi32, #tpu.memory_space<vmem>>
    %dma_start3A_15 = arith.constant 0 : i32
    %dma_start3A_16 = arith.constant 0 : i32
    %dma_start3A_17 = tpu.memref_slice %arg2[%arg0, %dma_start3A_15, %dma_start3A_16] : memref<2x10240x256xf32, #tpu.memory_space<hbm>> -> memref<1x10240x256xf32, #tpu.memory_space<hbm>>
    %dma_start3A_18 = tpu.memref_squeeze %dma_start3A_17 : memref<1x10240x256xf32, #tpu.memory_space<hbm>> -> memref<10240x256xf32, #tpu.memory_space<hbm>>
    %dma_start3A_19 = arith.constant 0 : i32
    %dma_start3A_20 = arith.constant 0 : i32
    %dma_start3A_21 = tpu.memref_slice %dma_start3A_18[%dma_start3A_19, %dma_start3A_20] : memref<10240x256xf32, #tpu.memory_space<hbm>> -> memref<10240x256xf32, #tpu.memory_space<hbm>>
    tpu.enqueue_indirect_dma source(%dma_start3A_21 : memref<10240x256xf32, #tpu.memory_space<hbm>>) target(%arg9 : memref<64x256xf32, #tpu.memory_space<vmem>>) offsets(%dma_start3A_14 : memref<64xi32, #tpu.memory_space<vmem>>) semaphore(%arg14 : memref<!tpu.dma_semaphore, #tpu.memory_space<semaphore_mem>>)
    %dma_start3A_22 = arith.constant 1 : i32
    %dma_start3A_23 = arith.constant 0 : i32
    %dma_start3A_24 = tpu.memref_slice %arg6[%dma_start3A_22, %dma_start3A_23] : memref<160x64xi32, #tpu.memory_space<vmem>> -> memref<1x64xi32, #tpu.memory_space<vmem>>
    %dma_start3A_25 = tpu.memref_squeeze %dma_start3A_24 : memref<1x64xi32, #tpu.memory_space<vmem>> -> memref<64xi32, #tpu.memory_space<vmem>>
    %dma_start3A_26 = arith.constant 0 : i32
    %dma_start3A_27 = arith.constant 0 : i32
    %dma_start3A_28 = tpu.memref_slice %arg2[%arg0, %dma_start3A_26, %dma_start3A_27] : memref<2x10240x256xf32, #tpu.memory_space<hbm>> -> memref<1x10240x256xf32, #tpu.memory_space<hbm>>
    %dma_start3A_29 = tpu.memref_squeeze %dma_start3A_28 : memref<1x10240x256xf32, #tpu.memory_space<hbm>> -> memref<10240x256xf32, #tpu.memory_space<hbm>>
    %dma_start3A_30 = arith.constant 0 : i32
    %dma_start3A_31 = arith.constant 0 : i32
    %dma_start3A_32 = tpu.memref_slice %dma_start3A_29[%dma_start3A_30, %dma_start3A_31] : memref<10240x256xf32, #tpu.memory_space<hbm>> -> memref<10240x256xf32, #tpu.memory_space<hbm>>
    tpu.enqueue_indirect_dma source(%dma_start3A_32 : memref<10240x256xf32, #tpu.memory_space<hbm>>) target(%arg10 : memref<64x256xf32, #tpu.memory_space<vmem>>) offsets(%dma_start3A_25 : memref<64xi32, #tpu.memory_space<vmem>>) semaphore(%arg15 : memref<!tpu.dma_semaphore, #tpu.memory_space<semaphore_mem>>)
    %dma_start3A_33 = arith.constant 1 : i32
    %dma_start3A_34 = arith.constant 0 : i32
    %dma_start3A_35 = tpu.memref_slice %arg7[%dma_start3A_33, %dma_start3A_34] : memref<160x64xi32, #tpu.memory_space<vmem>> -> memref<1x64xi32, #tpu.memory_space<vmem>>
    %dma_start3A_36 = tpu.memref_squeeze %dma_start3A_35 : memref<1x64xi32, #tpu.memory_space<vmem>> -> memref<64xi32, #tpu.memory_space<vmem>>
    %dma_start3A_37 = arith.constant 0 : i32
    %dma_start3A_38 = arith.constant 0 : i32
    %dma_start3A_39 = tpu.memref_slice %arg2[%arg0, %dma_start3A_37, %dma_start3A_38] : memref<2x10240x256xf32, #tpu.memory_space<hbm>> -> memref<1x10240x256xf32, #tpu.memory_space<hbm>>
    %dma_start3A_40 = tpu.memref_squeeze %dma_start3A_39 : memref<1x10240x256xf32, #tpu.memory_space<hbm>> -> memref<10240x256xf32, #tpu.memory_space<hbm>>
    %dma_start3A_41 = arith.constant 0 : i32
    %dma_start3A_42 = arith.constant 0 : i32
    %dma_start3A_43 = tpu.memref_slice %dma_start3A_40[%dma_start3A_41, %dma_start3A_42] : memref<10240x256xf32, #tpu.memory_space<hbm>> -> memref<10240x256xf32, #tpu.memory_space<hbm>>
    tpu.enqueue_indirect_dma source(%dma_start3A_43 : memref<10240x256xf32, #tpu.memory_space<hbm>>) target(%arg11 : memref<64x256xf32, #tpu.memory_space<vmem>>) offsets(%dma_start3A_36 : memref<64xi32, #tpu.memory_space<vmem>>) semaphore(%arg15 : memref<!tpu.dma_semaphore, #tpu.memory_space<semaphore_mem>>)
    %iota3A = tpu.iota {dimensions = array<i32: 0>} : vector<16xi32>
    %scan3A = arith.constant 0 : i32
    %scan3A_44 = arith.constant 0 : i32
    %scan3A_45 = arith.constant 80 : i32
    %scan3A_46 = arith.addi %scan3A_44, %scan3A_45 : i32
    %scan3A_47 = arith.constant 1 : i32
    scf.for %scan3A_49 = %scan3A_44 to %scan3A_46 step %scan3A_47  : i32 {
      %mul3A_50 = arith.constant 2 : i32
      %mul3A_51 = arith.muli %mul3A_50, %scan3A_49 : i32
      %dma_wait3A = arith.constant 0 : i32
      %dma_wait3A_52 = arith.constant 0 : i32
      %dma_wait3A_53 = tpu.memref_slice %arg6[%dma_wait3A, %dma_wait3A_52] : memref<160x64xi32, #tpu.memory_space<vmem>> -> memref<1x64xi32, #tpu.memory_space<vmem>>
      %dma_wait3A_54 = tpu.memref_squeeze %dma_wait3A_53 : memref<1x64xi32, #tpu.memory_space<vmem>> -> memref<64xi32, #tpu.memory_space<vmem>>
      %dma_wait3A_55 = arith.constant 0 : i32
      %dma_wait3A_56 = arith.constant 0 : i32
      %dma_wait3A_57 = tpu.memref_slice %arg2[%arg0, %dma_wait3A_55, %dma_wait3A_56] : memref<2x10240x256xf32, #tpu.memory_space<hbm>> -> memref<1x10240x256xf32, #tpu.memory_space<hbm>>
      %dma_wait3A_58 = tpu.memref_squeeze %dma_wait3A_57 : memref<1x10240x256xf32, #tpu.memory_space<hbm>> -> memref<10240x256xf32, #tpu.memory_space<hbm>>
      %dma_wait3A_59 = arith.constant 0 : i32
      %dma_wait3A_60 = arith.constant 0 : i32
      %dma_wait3A_61 = tpu.memref_slice %dma_wait3A_58[%dma_wait3A_59, %dma_wait3A_60] : memref<10240x256xf32, #tpu.memory_space<hbm>> -> memref<10240x256xf32, #tpu.memory_space<hbm>>
      tpu.wait_indirect_dma semaphore(%arg14 : memref<!tpu.dma_semaphore, #tpu.memory_space<semaphore_mem>>) src(%dma_wait3A_61 : memref<10240x256xf32, #tpu.memory_space<hbm>>) dst(%arg8 : memref<64x256xf32, #tpu.memory_space<vmem>>)
      %dma_wait3A_62 = arith.constant 0 : i32
      %dma_wait3A_63 = arith.constant 0 : i32
      %dma_wait3A_64 = tpu.memref_slice %arg6[%dma_wait3A_62, %dma_wait3A_63] : memref<160x64xi32, #tpu.memory_space<vmem>> -> memref<1x64xi32, #tpu.memory_space<vmem>>
      %dma_wait3A_65 = tpu.memref_squeeze %dma_wait3A_64 : memref<1x64xi32, #tpu.memory_space<vmem>> -> memref<64xi32, #tpu.memory_space<vmem>>
      %dma_wait3A_66 = arith.constant 0 : i32
      %dma_wait3A_67 = arith.constant 0 : i32
      %dma_wait3A_68 = tpu.memref_slice %arg2[%arg0, %dma_wait3A_66, %dma_wait3A_67] : memref<2x10240x256xf32, #tpu.memory_space<hbm>> -> memref<1x10240x256xf32, #tpu.memory_space<hbm>>
      %dma_wait3A_69 = tpu.memref_squeeze %dma_wait3A_68 : memref<1x10240x256xf32, #tpu.memory_space<hbm>> -> memref<10240x256xf32, #tpu.memory_space<hbm>>
      %dma_wait3A_70 = arith.constant 0 : i32
      %dma_wait3A_71 = arith.constant 0 : i32
      %dma_wait3A_72 = tpu.memref_slice %dma_wait3A_69[%dma_wait3A_70, %dma_wait3A_71] : memref<10240x256xf32, #tpu.memory_space<hbm>> -> memref<10240x256xf32, #tpu.memory_space<hbm>>
      tpu.wait_indirect_dma semaphore(%arg14 : memref<!tpu.dma_semaphore, #tpu.memory_space<semaphore_mem>>) src(%dma_wait3A_72 : memref<10240x256xf32, #tpu.memory_space<hbm>>) dst(%arg9 : memref<64x256xf32, #tpu.memory_space<vmem>>)
      %scan3A_73 = arith.constant 0 : i32
      %scan3A_74 = arith.constant 0 : i32
      %scan3A_75 = arith.constant 4 : i32
      %scan3A_76 = arith.addi %scan3A_74, %scan3A_75 : i32
      %scan3A_77 = arith.constant 1 : i32
      scf.for %scan3A_130 = %scan3A_74 to %scan3A_76 step %scan3A_77  : i32 {
        %broadcast_in_dim3A = arith.constant 0.000000e+00 : f32
        %broadcast_in_dim3A_131 = vector.broadcast %broadcast_in_dim3A : f32 to vector<16xf32>
        %scan3A_132 = arith.constant 0 : i32
        %scan3A_133 = arith.constant 16 : i32
        %scan3A_134 = arith.addi %scan3A_132, %scan3A_133 : i32
        %scan3A_135 = arith.constant 1 : i32
        %scan3A_136 = scf.for %scan3A_143 = %scan3A_132 to %scan3A_134 step %scan3A_135 iter_args(%scan3A_144 = %broadcast_in_dim3A_131) -> (vector<16xf32>)  : i32 {
          %mul3A_145 = arith.constant 16 : i32
          %mul3A_146 = arith.muli %scan3A_130, %mul3A_145 : i32
          %add3A_147 = arith.addi %mul3A_146, %scan3A_143 : i32
          %get3A = arith.index_cast %add3A_147 : i32 to index
          %get3A_148 = arith.constant 0 : index
          %get3A_149 = tpu.vector_load %arg8[%get3A, %get3A_148] {strides = array<i32>} : memref<64x256xf32, #tpu.memory_space<vmem>>, vector<1x16xf32>,
          %get3A_150 = vector.shape_cast %get3A_149 : vector<1x16xf32> to vector<16xf32>
          %get3A_151 = arith.index_cast %add3A_147 : i32 to index
          %get3A_152 = arith.constant 0 : index
          %get3A_153 = tpu.vector_load %arg9[%get3A_151, %get3A_152] {strides = array<i32>} : memref<64x256xf32, #tpu.memory_space<vmem>>, vector<1x16xf32>,
          %get3A_154 = vector.shape_cast %get3A_153 : vector<1x16xf32> to vector<16xf32>
          %mul3A_155 = arith.mulf %get3A_150, %get3A_154 : vector<16xf32>
          %get3A_156 = arith.index_cast %add3A_147 : i32 to index
          %get3A_157 = arith.constant 16 : index
          %get3A_158 = tpu.vector_load %arg8[%get3A_156, %get3A_157] {strides = array<i32>} : memref<64x256xf32, #tpu.memory_space<vmem>>, vector<1x16xf32>,
          %get3A_159 = vector.shape_cast %get3A_158 : vector<1x16xf32> to vector<16xf32>
          %get3A_160 = arith.index_cast %add3A_147 : i32 to index
          %get3A_161 = arith.constant 16 : index
          %get3A_162 = tpu.vector_load %arg9[%get3A_160, %get3A_161] {strides = array<i32>} : memref<64x256xf32, #tpu.memory_space<vmem>>, vector<1x16xf32>,
          %get3A_163 = vector.shape_cast %get3A_162 : vector<1x16xf32> to vector<16xf32>
          %mul3A_164 = arith.mulf %get3A_159, %get3A_163 : vector<16xf32>
          %add3A_165 = arith.addf %mul3A_155, %mul3A_164 : vector<16xf32>
          %get3A_166 = arith.index_cast %add3A_147 : i32 to index
          %get3A_167 = arith.constant 32 : index
          %get3A_168 = tpu.vector_load %arg8[%get3A_166, %get3A_167] {strides = array<i32>} : memref<64x256xf32, #tpu.memory_space<vmem>>, vector<1x16xf32>,
          %get3A_169 = vector.shape_cast %get3A_168 : vector<1x16xf32> to vector<16xf32>
          %get3A_170 = arith.index_cast %add3A_147 : i32 to index
          %get3A_171 = arith.constant 32 : index
          %get3A_172 = tpu.vector_load %arg9[%get3A_170, %get3A_171] {strides = array<i32>} : memref<64x256xf32, #tpu.memory_space<vmem>>, vector<1x16xf32>,
          %get3A_173 = vector.shape_cast %get3A_172 : vector<1x16xf32> to vector<16xf32>
          %mul3A_174 = arith.mulf %get3A_169, %get3A_173 : vector<16xf32>
          %add3A_175 = arith.addf %add3A_165, %mul3A_174 : vector<16xf32>
          %get3A_176 = arith.index_cast %add3A_147 : i32 to index
          %get3A_177 = arith.constant 48 : index
          %get3A_178 = tpu.vector_load %arg8[%get3A_176, %get3A_177] {strides = array<i32>} : memref<64x256xf32, #tpu.memory_space<vmem>>, vector<1x16xf32>,
          %get3A_179 = vector.shape_cast %get3A_178 : vector<1x16xf32> to vector<16xf32>
          %get3A_180 = arith.index_cast %add3A_147 : i32 to index
          %get3A_181 = arith.constant 48 : index
          %get3A_182 = tpu.vector_load %arg9[%get3A_180, %get3A_181] {strides = array<i32>} : memref<64x256xf32, #tpu.memory_space<vmem>>, vector<1x16xf32>,
          %get3A_183 = vector.shape_cast %get3A_182 : vector<1x16xf32> to vector<16xf32>
          %mul3A_184 = arith.mulf %get3A_179, %get3A_183 : vector<16xf32>
          %add3A_185 = arith.addf %add3A_175, %mul3A_184 : vector<16xf32>
          %get3A_186 = arith.index_cast %add3A_147 : i32 to index
          %get3A_187 = arith.constant 64 : index
          %get3A_188 = tpu.vector_load %arg8[%get3A_186, %get3A_187] {strides = array<i32>} : memref<64x256xf32, #tpu.memory_space<vmem>>, vector<1x16xf32>,
          %get3A_189 = vector.shape_cast %get3A_188 : vector<1x16xf32> to vector<16xf32>
          %get3A_190 = arith.index_cast %add3A_147 : i32 to index
          %get3A_191 = arith.constant 64 : index
          %get3A_192 = tpu.vector_load %arg9[%get3A_190, %get3A_191] {strides = array<i32>} : memref<64x256xf32, #tpu.memory_space<vmem>>, vector<1x16xf32>,
          %get3A_193 = vector.shape_cast %get3A_192 : vector<1x16xf32> to vector<16xf32>
          %mul3A_194 = arith.mulf %get3A_189, %get3A_193 : vector<16xf32>
          %add3A_195 = arith.addf %add3A_185, %mul3A_194 : vector<16xf32>
          %get3A_196 = arith.index_cast %add3A_147 : i32 to index
          %get3A_197 = arith.constant 80 : index
          %get3A_198 = tpu.vector_load %arg8[%get3A_196, %get3A_197] {strides = array<i32>} : memref<64x256xf32, #tpu.memory_space<vmem>>, vector<1x16xf32>,
          %get3A_199 = vector.shape_cast %get3A_198 : vector<1x16xf32> to vector<16xf32>
          %get3A_200 = arith.index_cast %add3A_147 : i32 to index
          %get3A_201 = arith.constant 80 : index
          %get3A_202 = tpu.vector_load %arg9[%get3A_200, %get3A_201] {strides = array<i32>} : memref<64x256xf32, #tpu.memory_space<vmem>>, vector<1x16xf32>,
          %get3A_203 = vector.shape_cast %get3A_202 : vector<1x16xf32> to vector<16xf32>
          %mul3A_204 = arith.mulf %get3A_199, %get3A_203 : vector<16xf32>
          %add3A_205 = arith.addf %add3A_195, %mul3A_204 : vector<16xf32>
          %get3A_206 = arith.index_cast %add3A_147 : i32 to index
          %get3A_207 = arith.constant 96 : index
          %get3A_208 = tpu.vector_load %arg8[%get3A_206, %get3A_207] {strides = array<i32>} : memref<64x256xf32, #tpu.memory_space<vmem>>, vector<1x16xf32>,
          %get3A_209 = vector.shape_cast %get3A_208 : vector<1x16xf32> to vector<16xf32>
          %get3A_210 = arith.index_cast %add3A_147 : i32 to index
          %get3A_211 = arith.constant 96 : index
          %get3A_212 = tpu.vector_load %arg9[%get3A_210, %get3A_211] {strides = array<i32>} : memref<64x256xf32, #tpu.memory_space<vmem>>, vector<1x16xf32>,
          %get3A_213 = vector.shape_cast %get3A_212 : vector<1x16xf32> to vector<16xf32>
          %mul3A_214 = arith.mulf %get3A_209, %get3A_213 : vector<16xf32>
          %add3A_215 = arith.addf %add3A_205, %mul3A_214 : vector<16xf32>
          %get3A_216 = arith.index_cast %add3A_147 : i32 to index
          %get3A_217 = arith.constant 112 : index
          %get3A_218 = tpu.vector_load %arg8[%get3A_216, %get3A_217] {strides = array<i32>} : memref<64x256xf32, #tpu.memory_space<vmem>>, vector<1x16xf32>,
          %get3A_219 = vector.shape_cast %get3A_218 : vector<1x16xf32> to vector<16xf32>
          %get3A_220 = arith.index_cast %add3A_147 : i32 to index
          %get3A_221 = arith.constant 112 : index
          %get3A_222 = tpu.vector_load %arg9[%get3A_220, %get3A_221] {strides = array<i32>} : memref<64x256xf32, #tpu.memory_space<vmem>>, vector<1x16xf32>,
          %get3A_223 = vector.shape_cast %get3A_222 : vector<1x16xf32> to vector<16xf32>
          %mul3A_224 = arith.mulf %get3A_219, %get3A_223 : vector<16xf32>
          %add3A_225 = arith.addf %add3A_215, %mul3A_224 : vector<16xf32>
          %get3A_226 = arith.index_cast %add3A_147 : i32 to index
          %get3A_227 = arith.constant 128 : index
          %get3A_228 = tpu.vector_load %arg8[%get3A_226, %get3A_227] {strides = array<i32>} : memref<64x256xf32, #tpu.memory_space<vmem>>, vector<1x16xf32>,
          %get3A_229 = vector.shape_cast %get3A_228 : vector<1x16xf32> to vector<16xf32>
          %get3A_230 = arith.index_cast %add3A_147 : i32 to index
          %get3A_231 = arith.constant 128 : index
          %get3A_232 = tpu.vector_load %arg9[%get3A_230, %get3A_231] {strides = array<i32>} : memref<64x256xf32, #tpu.memory_space<vmem>>, vector<1x16xf32>,
          %get3A_233 = vector.shape_cast %get3A_232 : vector<1x16xf32> to vector<16xf32>
          %mul3A_234 = arith.mulf %get3A_229, %get3A_233 : vector<16xf32>
          %add3A_235 = arith.addf %add3A_225, %mul3A_234 : vector<16xf32>
          %get3A_236 = arith.index_cast %add3A_147 : i32 to index
          %get3A_237 = arith.constant 144 : index
          %get3A_238 = tpu.vector_load %arg8[%get3A_236, %get3A_237] {strides = array<i32>} : memref<64x256xf32, #tpu.memory_space<vmem>>, vector<1x16xf32>,
          %get3A_239 = vector.shape_cast %get3A_238 : vector<1x16xf32> to vector<16xf32>
          %get3A_240 = arith.index_cast %add3A_147 : i32 to index
          %get3A_241 = arith.constant 144 : index
          %get3A_242 = tpu.vector_load %arg9[%get3A_240, %get3A_241] {strides = array<i32>} : memref<64x256xf32, #tpu.memory_space<vmem>>, vector<1x16xf32>,
          %get3A_243 = vector.shape_cast %get3A_242 : vector<1x16xf32> to vector<16xf32>
          %mul3A_244 = arith.mulf %get3A_239, %get3A_243 : vector<16xf32>
          %add3A_245 = arith.addf %add3A_235, %mul3A_244 : vector<16xf32>
          %get3A_246 = arith.index_cast %add3A_147 : i32 to index
          %get3A_247 = arith.constant 160 : index
          %get3A_248 = tpu.vector_load %arg8[%get3A_246, %get3A_247] {strides = array<i32>} : memref<64x256xf32, #tpu.memory_space<vmem>>, vector<1x16xf32>,
          %get3A_249 = vector.shape_cast %get3A_248 : vector<1x16xf32> to vector<16xf32>
          %get3A_250 = arith.index_cast %add3A_147 : i32 to index
          %get3A_251 = arith.constant 160 : index
          %get3A_252 = tpu.vector_load %arg9[%get3A_250, %get3A_251] {strides = array<i32>} : memref<64x256xf32, #tpu.memory_space<vmem>>, vector<1x16xf32>,
          %get3A_253 = vector.shape_cast %get3A_252 : vector<1x16xf32> to vector<16xf32>
          %mul3A_254 = arith.mulf %get3A_249, %get3A_253 : vector<16xf32>
          %add3A_255 = arith.addf %add3A_245, %mul3A_254 : vector<16xf32>
          %get3A_256 = arith.index_cast %add3A_147 : i32 to index
          %get3A_257 = arith.constant 176 : index
          %get3A_258 = tpu.vector_load %arg8[%get3A_256, %get3A_257] {strides = array<i32>} : memref<64x256xf32, #tpu.memory_space<vmem>>, vector<1x16xf32>,
          %get3A_259 = vector.shape_cast %get3A_258 : vector<1x16xf32> to vector<16xf32>
          %get3A_260 = arith.index_cast %add3A_147 : i32 to index
          %get3A_261 = arith.constant 176 : index
          %get3A_262 = tpu.vector_load %arg9[%get3A_260, %get3A_261] {strides = array<i32>} : memref<64x256xf32, #tpu.memory_space<vmem>>, vector<1x16xf32>,
          %get3A_263 = vector.shape_cast %get3A_262 : vector<1x16xf32> to vector<16xf32>
          %mul3A_264 = arith.mulf %get3A_259, %get3A_263 : vector<16xf32>
          %add3A_265 = arith.addf %add3A_255, %mul3A_264 : vector<16xf32>
          %get3A_266 = arith.index_cast %add3A_147 : i32 to index
          %get3A_267 = arith.constant 192 : index
          %get3A_268 = tpu.vector_load %arg8[%get3A_266, %get3A_267] {strides = array<i32>} : memref<64x256xf32, #tpu.memory_space<vmem>>, vector<1x16xf32>,
          %get3A_269 = vector.shape_cast %get3A_268 : vector<1x16xf32> to vector<16xf32>
          %get3A_270 = arith.index_cast %add3A_147 : i32 to index
          %get3A_271 = arith.constant 192 : index
          %get3A_272 = tpu.vector_load %arg9[%get3A_270, %get3A_271] {strides = array<i32>} : memref<64x256xf32, #tpu.memory_space<vmem>>, vector<1x16xf32>,
          %get3A_273 = vector.shape_cast %get3A_272 : vector<1x16xf32> to vector<16xf32>
          %mul3A_274 = arith.mulf %get3A_269, %get3A_273 : vector<16xf32>
          %add3A_275 = arith.addf %add3A_265, %mul3A_274 : vector<16xf32>
          %get3A_276 = arith.index_cast %add3A_147 : i32 to index
          %get3A_277 = arith.constant 208 : index
          %get3A_278 = tpu.vector_load %arg8[%get3A_276, %get3A_277] {strides = array<i32>} : memref<64x256xf32, #tpu.memory_space<vmem>>, vector<1x16xf32>,
          %get3A_279 = vector.shape_cast %get3A_278 : vector<1x16xf32> to vector<16xf32>
          %get3A_280 = arith.index_cast %add3A_147 : i32 to index
          %get3A_281 = arith.constant 208 : index
          %get3A_282 = tpu.vector_load %arg9[%get3A_280, %get3A_281] {strides = array<i32>} : memref<64x256xf32, #tpu.memory_space<vmem>>, vector<1x16xf32>,
          %get3A_283 = vector.shape_cast %get3A_282 : vector<1x16xf32> to vector<16xf32>
          %mul3A_284 = arith.mulf %get3A_279, %get3A_283 : vector<16xf32>
          %add3A_285 = arith.addf %add3A_275, %mul3A_284 : vector<16xf32>
          %get3A_286 = arith.index_cast %add3A_147 : i32 to index
          %get3A_287 = arith.constant 224 : index
          %get3A_288 = tpu.vector_load %arg8[%get3A_286, %get3A_287] {strides = array<i32>} : memref<64x256xf32, #tpu.memory_space<vmem>>, vector<1x16xf32>,
          %get3A_289 = vector.shape_cast %get3A_288 : vector<1x16xf32> to vector<16xf32>
          %get3A_290 = arith.index_cast %add3A_147 : i32 to index
          %get3A_291 = arith.constant 224 : index
          %get3A_292 = tpu.vector_load %arg9[%get3A_290, %get3A_291] {strides = array<i32>} : memref<64x256xf32, #tpu.memory_space<vmem>>, vector<1x16xf32>,
          %get3A_293 = vector.shape_cast %get3A_292 : vector<1x16xf32> to vector<16xf32>
          %mul3A_294 = arith.mulf %get3A_289, %get3A_293 : vector<16xf32>
          %add3A_295 = arith.addf %add3A_285, %mul3A_294 : vector<16xf32>
          %get3A_296 = arith.index_cast %add3A_147 : i32 to index
          %get3A_297 = arith.constant 240 : index
          %get3A_298 = tpu.vector_load %arg8[%get3A_296, %get3A_297] {strides = array<i32>} : memref<64x256xf32, #tpu.memory_space<vmem>>, vector<1x16xf32>,
          %get3A_299 = vector.shape_cast %get3A_298 : vector<1x16xf32> to vector<16xf32>
          %get3A_300 = arith.index_cast %add3A_147 : i32 to index
          %get3A_301 = arith.constant 240 : index
          %get3A_302 = tpu.vector_load %arg9[%get3A_300, %get3A_301] {strides = array<i32>} : memref<64x256xf32, #tpu.memory_space<vmem>>, vector<1x16xf32>,
          %get3A_303 = vector.shape_cast %get3A_302 : vector<1x16xf32> to vector<16xf32>
          %mul3A_304 = arith.mulf %get3A_299, %get3A_303 : vector<16xf32>
          %add3A_305 = arith.addf %add3A_295, %mul3A_304 : vector<16xf32>
          %xor3A = arith.constant 8 : i32
          %xor3A_306 = vector.broadcast %xor3A : i32 to vector<16xi32>
          %xor3A_307 = arith.xori %iota3A, %xor3A_306 : vector<16xi32>
          %broadcast_in_dim3A_308 = vector.shape_cast %xor3A_307 : vector<16xi32> to vector<16x1xi32>
          %gather3A = vector.shape_cast %broadcast_in_dim3A_308 : vector<16x1xi32> to vector<16xi32>
          %gather3A_309 = tpu.dynamic_gather %add3A_305[%gather3A] in [0] : vector<16xf32>, vector<16xi32> -> vector<16xf32>
          %add3A_310 = arith.addf %add3A_305, %gather3A_309 : vector<16xf32>
          %xor3A_311 = arith.constant 4 : i32
          %xor3A_312 = vector.broadcast %xor3A_311 : i32 to vector<16xi32>
          %xor3A_313 = arith.xori %iota3A, %xor3A_312 : vector<16xi32>
          %broadcast_in_dim3A_314 = vector.shape_cast %xor3A_313 : vector<16xi32> to vector<16x1xi32>
          %gather3A_315 = vector.shape_cast %broadcast_in_dim3A_314 : vector<16x1xi32> to vector<16xi32>
          %gather3A_316 = tpu.dynamic_gather %add3A_310[%gather3A_315] in [0] : vector<16xf32>, vector<16xi32> -> vector<16xf32>
          %add3A_317 = arith.addf %add3A_310, %gather3A_316 : vector<16xf32>
          %xor3A_318 = arith.constant 2 : i32
          %xor3A_319 = vector.broadcast %xor3A_318 : i32 to vector<16xi32>
          %xor3A_320 = arith.xori %iota3A, %xor3A_319 : vector<16xi32>
          %broadcast_in_dim3A_321 = vector.shape_cast %xor3A_320 : vector<16xi32> to vector<16x1xi32>
          %gather3A_322 = vector.shape_cast %broadcast_in_dim3A_321 : vector<16x1xi32> to vector<16xi32>
          %gather3A_323 = tpu.dynamic_gather %add3A_317[%gather3A_322] in [0] : vector<16xf32>, vector<16xi32> -> vector<16xf32>
          %add3A_324 = arith.addf %add3A_317, %gather3A_323 : vector<16xf32>
          %xor3A_325 = arith.constant 1 : i32
          %xor3A_326 = vector.broadcast %xor3A_325 : i32 to vector<16xi32>
          %xor3A_327 = arith.xori %iota3A, %xor3A_326 : vector<16xi32>
          %broadcast_in_dim3A_328 = vector.shape_cast %xor3A_327 : vector<16xi32> to vector<16x1xi32>
          %gather3A_329 = vector.shape_cast %broadcast_in_dim3A_328 : vector<16x1xi32> to vector<16xi32>
          %gather3A_330 = tpu.dynamic_gather %add3A_324[%gather3A_329] in [0] : vector<16xf32>, vector<16xi32> -> vector<16xf32>
          %add3A_331 = arith.addf %add3A_324, %gather3A_330 : vector<16xf32>
          %broadcast_in_dim3A_332 = vector.broadcast %scan3A_143 : i32 to vector<16xi32>
          %eq3A = arith.cmpi eq, %iota3A, %broadcast_in_dim3A_332 : vector<16xi32>
          %select_n3A = arith.select %eq3A, %add3A_331, %scan3A_144 : vector<16xi1>, vector<16xf32>
          scf.yield %select_n3A : vector<16xf32>
        }
        %scan3A_137 = arith.constant 16 : i32
        %mul3A_138 = arith.constant 16 : i32
        %mul3A_139 = arith.muli %scan3A_130, %mul3A_138 : i32
        %swap3A = arith.index_cast %mul3A_139 : i32 to index
        %swap3A_140 = tpu.vector_load %arg12[%swap3A] {strides = array<i32>} : memref<64xf32, #tpu.memory_space<vmem>>, vector<16xf32>,
        %swap3A_141 = vector.shape_cast %swap3A_140 : vector<16xf32> to vector<16xf32>
        %swap3A_142 = vector.shape_cast %scan3A_136 : vector<16xf32> to vector<16xf32>
        tpu.vector_store %arg12[%swap3A], %swap3A_142 {strides = array<i32>} : memref<64xf32, #tpu.memory_space<vmem>>, vector<16xf32>,
      }
      %scan3A_78 = arith.constant 4 : i32
      %add3A_79 = arith.constant 2 : i32
      %add3A_80 = arith.addi %mul3A_51, %add3A_79 : i32
      %lt3A = arith.constant 160 : i32
      %lt3A_81 = arith.cmpi slt, %add3A_80, %lt3A : i32
      %convert_element_type3A = arith.extui %lt3A_81 : i1 to i32
      %cond3A = arith.constant 0 : i32
      %cond3A_82 = arith.cmpi ne, %convert_element_type3A, %cond3A : i32
      scf.if %cond3A_82 {
        %add3A_130 = arith.constant 2 : i32
        %add3A_131 = arith.addi %mul3A_51, %add3A_130 : i32
        %dma_start3A_132 = arith.constant 0 : i32
        %dma_start3A_133 = tpu.memref_slice %arg6[%add3A_131, %dma_start3A_132] : memref<160x64xi32, #tpu.memory_space<vmem>> -> memref<1x64xi32, #tpu.memory_space<vmem>>
        %dma_start3A_134 = tpu.memref_squeeze %dma_start3A_133 : memref<1x64xi32, #tpu.memory_space<vmem>> -> memref<64xi32, #tpu.memory_space<vmem>>
        %dma_start3A_135 = arith.constant 0 : i32
        %dma_start3A_136 = arith.constant 0 : i32
        %dma_start3A_137 = tpu.memref_slice %arg2[%arg0, %dma_start3A_135, %dma_start3A_136] : memref<2x10240x256xf32, #tpu.memory_space<hbm>> -> memref<1x10240x256xf32, #tpu.memory_space<hbm>>
        %dma_start3A_138 = tpu.memref_squeeze %dma_start3A_137 : memref<1x10240x256xf32, #tpu.memory_space<hbm>> -> memref<10240x256xf32, #tpu.memory_space<hbm>>
        %dma_start3A_139 = arith.constant 0 : i32
        %dma_start3A_140 = arith.constant 0 : i32
        %dma_start3A_141 = tpu.memref_slice %dma_start3A_138[%dma_start3A_139, %dma_start3A_140] : memref<10240x256xf32, #tpu.memory_space<hbm>> -> memref<10240x256xf32, #tpu.memory_space<hbm>>
        tpu.enqueue_indirect_dma source(%dma_start3A_141 : memref<10240x256xf32, #tpu.memory_space<hbm>>) target(%arg8 : memref<64x256xf32, #tpu.memory_space<vmem>>) offsets(%dma_start3A_134 : memref<64xi32, #tpu.memory_space<vmem>>) semaphore(%arg14 : memref<!tpu.dma_semaphore, #tpu.memory_space<semaphore_mem>>)
        %add3A_142 = arith.constant 2 : i32
        %add3A_143 = arith.addi %mul3A_51, %add3A_142 : i32
        %dma_start3A_144 = arith.constant 0 : i32
        %dma_start3A_145 = tpu.memref_slice %arg7[%add3A_143, %dma_start3A_144] : memref<160x64xi32, #tpu.memory_space<vmem>> -> memref<1x64xi32, #tpu.memory_space<vmem>>
        %dma_start3A_146 = tpu.memref_squeeze %dma_start3A_145 : memref<1x64xi32, #tpu.memory_space<vmem>> -> memref<64xi32, #tpu.memory_space<vmem>>
        %dma_start3A_147 = arith.constant 0 : i32
        %dma_start3A_148 = arith.constant 0 : i32
        %dma_start3A_149 = tpu.memref_slice %arg2[%arg0, %dma_start3A_147, %dma_start3A_148] : memref<2x10240x256xf32, #tpu.memory_space<hbm>> -> memref<1x10240x256xf32, #tpu.memory_space<hbm>>
        %dma_start3A_150 = tpu.memref_squeeze %dma_start3A_149 : memref<1x10240x256xf32, #tpu.memory_space<hbm>> -> memref<10240x256xf32, #tpu.memory_space<hbm>>
        %dma_start3A_151 = arith.constant 0 : i32
        %dma_start3A_152 = arith.constant 0 : i32
        %dma_start3A_153 = tpu.memref_slice %dma_start3A_150[%dma_start3A_151, %dma_start3A_152] : memref<10240x256xf32, #tpu.memory_space<hbm>> -> memref<10240x256xf32, #tpu.memory_space<hbm>>
        tpu.enqueue_indirect_dma source(%dma_start3A_153 : memref<10240x256xf32, #tpu.memory_space<hbm>>) target(%arg9 : memref<64x256xf32, #tpu.memory_space<vmem>>) offsets(%dma_start3A_146 : memref<64xi32, #tpu.memory_space<vmem>>) semaphore(%arg14 : memref<!tpu.dma_semaphore, #tpu.memory_space<semaphore_mem>>)
      } else {
      }
      %mul3A_83 = arith.constant 160 : i32
      %mul3A_84 = arith.muli %add3A, %mul3A_83 : i32
      %add3A_85 = arith.addi %mul3A_84, %mul3A_51 : i32
      %mul3A_86 = arith.constant 64 : i32
      %mul3A_87 = arith.muli %add3A_85, %mul3A_86 : i32
      "tpu.region"() ({
        %run_scoped3A = tpu.sem_alloc : memref<!tpu.dma_semaphore, #tpu.memory_space<semaphore_mem>>
        %dma_start3A_130 = tpu.memref_slice %arg5[%mul3A_87] : memref<327680xf32, #tpu.memory_space<hbm>> -> memref<64xf32, #tpu.memory_space<hbm>>
        %dma_start3A_131 = tpu.memref_slice %arg5[%mul3A_87] : memref<327680xf32, #tpu.memory_space<hbm>> -> memref<64xf32, #tpu.memory_space<hbm>>
        tpu.enqueue_dma source(%arg12 : memref<64xf32, #tpu.memory_space<vmem>>) target(%dma_start3A_131 : memref<64xf32, #tpu.memory_space<hbm>>) target_semaphore(%run_scoped3A : memref<!tpu.dma_semaphore, #tpu.memory_space<semaphore_mem>>)
        %dma_wait3A_132 = tpu.memref_slice %arg5[%mul3A_87] : memref<327680xf32, #tpu.memory_space<hbm>> -> memref<64xf32, #tpu.memory_space<hbm>>
        %dma_wait3A_133 = tpu.memref_slice %arg5[%mul3A_87] : memref<327680xf32, #tpu.memory_space<hbm>> -> memref<64xf32, #tpu.memory_space<hbm>>
        tpu.wait_dma2 semaphore(%run_scoped3A : memref<!tpu.dma_semaphore, #tpu.memory_space<semaphore_mem>>) src(%arg12 : memref<64xf32, #tpu.memory_space<vmem>>) dst(%dma_wait3A_133 : memref<64xf32, #tpu.memory_space<hbm>>)
        tpu.yield
      }) : () -> ()
      %dma_wait3A_88 = arith.constant 0 : i32
      %dma_wait3A_89 = arith.constant 0 : i32
      %dma_wait3A_90 = tpu.memref_slice %arg6[%dma_wait3A_88, %dma_wait3A_89] : memref<160x64xi32, #tpu.memory_space<vmem>> -> memref<1x64xi32, #tpu.memory_space<vmem>>
      %dma_wait3A_91 = tpu.memref_squeeze %dma_wait3A_90 : memref<1x64xi32, #tpu.memory_space<vmem>> -> memref<64xi32, #tpu.memory_space<vmem>>
      %dma_wait3A_92 = arith.constant 0 : i32
      %dma_wait3A_93 = arith.constant 0 : i32
      %dma_wait3A_94 = tpu.memref_slice %arg2[%arg0, %dma_wait3A_92, %dma_wait3A_93] : memref<2x10240x256xf32, #tpu.memory_space<hbm>> -> memref<1x10240x256xf32, #tpu.memory_space<hbm>>
      %dma_wait3A_95 = tpu.memref_squeeze %dma_wait3A_94 : memref<1x10240x256xf32, #tpu.memory_space<hbm>> -> memref<10240x256xf32, #tpu.memory_space<hbm>>
      %dma_wait3A_96 = arith.constant 0 : i32
      %dma_wait3A_97 = arith.constant 0 : i32
      %dma_wait3A_98 = tpu.memref_slice %dma_wait3A_95[%dma_wait3A_96, %dma_wait3A_97] : memref<10240x256xf32, #tpu.memory_space<hbm>> -> memref<10240x256xf32, #tpu.memory_space<hbm>>
      tpu.wait_indirect_dma semaphore(%arg15 : memref<!tpu.dma_semaphore, #tpu.memory_space<semaphore_mem>>) src(%dma_wait3A_98 : memref<10240x256xf32, #tpu.memory_space<hbm>>) dst(%arg10 : memref<64x256xf32, #tpu.memory_space<vmem>>)
      %dma_wait3A_99 = arith.constant 0 : i32
      %dma_wait3A_100 = arith.constant 0 : i32
      %dma_wait3A_101 = tpu.memref_slice %arg6[%dma_wait3A_99, %dma_wait3A_100] : memref<160x64xi32, #tpu.memory_space<vmem>> -> memref<1x64xi32, #tpu.memory_space<vmem>>
      %dma_wait3A_102 = tpu.memref_squeeze %dma_wait3A_101 : memref<1x64xi32, #tpu.memory_space<vmem>> -> memref<64xi32, #tpu.memory_space<vmem>>
      %dma_wait3A_103 = arith.constant 0 : i32
      %dma_wait3A_104 = arith.constant 0 : i32
      %dma_wait3A_105 = tpu.memref_slice %arg2[%arg0, %dma_wait3A_103, %dma_wait3A_104] : memref<2x10240x256xf32, #tpu.memory_space<hbm>> -> memref<1x10240x256xf32, #tpu.memory_space<hbm>>
      %dma_wait3A_106 = tpu.memref_squeeze %dma_wait3A_105 : memref<1x10240x256xf32, #tpu.memory_space<hbm>> -> memref<10240x256xf32, #tpu.memory_space<hbm>>
      %dma_wait3A_107 = arith.constant 0 : i32
      %dma_wait3A_108 = arith.constant 0 : i32
      %dma_wait3A_109 = tpu.memref_slice %dma_wait3A_106[%dma_wait3A_107, %dma_wait3A_108] : memref<10240x256xf32, #tpu.memory_space<hbm>> -> memref<10240x256xf32, #tpu.memory_space<hbm>>
      tpu.wait_indirect_dma semaphore(%arg15 : memref<!tpu.dma_semaphore, #tpu.memory_space<semaphore_mem>>) src(%dma_wait3A_109 : memref<10240x256xf32, #tpu.memory_space<hbm>>) dst(%arg11 : memref<64x256xf32, #tpu.memory_space<vmem>>)
      %scan3A_110 = arith.constant 0 : i32
      %scan3A_111 = arith.constant 0 : i32
      %scan3A_112 = arith.constant 4 : i32
      %scan3A_113 = arith.addi %scan3A_111, %scan3A_112 : i32
      %scan3A_114 = arith.constant 1 : i32
      scf.for %scan3A_130 = %scan3A_111 to %scan3A_113 step %scan3A_114  : i32 {
        %broadcast_in_dim3A = arith.constant 0.000000e+00 : f32
        %broadcast_in_dim3A_131 = vector.broadcast %broadcast_in_dim3A : f32 to vector<16xf32>
        %scan3A_132 = arith.constant 0 : i32
        %scan3A_133 = arith.constant 16 : i32
        %scan3A_134 = arith.addi %scan3A_132, %scan3A_133 : i32
        %scan3A_135 = arith.constant 1 : i32
        %scan3A_136 = scf.for %scan3A_143 = %scan3A_132 to %scan3A_134 step %scan3A_135 iter_args(%scan3A_144 = %broadcast_in_dim3A_131) -> (vector<16xf32>)  : i32 {
          %mul3A_145 = arith.constant 16 : i32
          %mul3A_146 = arith.muli %scan3A_130, %mul3A_145 : i32
          %add3A_147 = arith.addi %mul3A_146, %scan3A_143 : i32
          %get3A = arith.index_cast %add3A_147 : i32 to index
          %get3A_148 = arith.constant 0 : index
          %get3A_149 = tpu.vector_load %arg10[%get3A, %get3A_148] {strides = array<i32>} : memref<64x256xf32, #tpu.memory_space<vmem>>, vector<1x16xf32>,
          %get3A_150 = vector.shape_cast %get3A_149 : vector<1x16xf32> to vector<16xf32>
          %get3A_151 = arith.index_cast %add3A_147 : i32 to index
          %get3A_152 = arith.constant 0 : index
          %get3A_153 = tpu.vector_load %arg11[%get3A_151, %get3A_152] {strides = array<i32>} : memref<64x256xf32, #tpu.memory_space<vmem>>, vector<1x16xf32>,
          %get3A_154 = vector.shape_cast %get3A_153 : vector<1x16xf32> to vector<16xf32>
          %mul3A_155 = arith.mulf %get3A_150, %get3A_154 : vector<16xf32>
          %get3A_156 = arith.index_cast %add3A_147 : i32 to index
          %get3A_157 = arith.constant 16 : index
          %get3A_158 = tpu.vector_load %arg10[%get3A_156, %get3A_157] {strides = array<i32>} : memref<64x256xf32, #tpu.memory_space<vmem>>, vector<1x16xf32>,
          %get3A_159 = vector.shape_cast %get3A_158 : vector<1x16xf32> to vector<16xf32>
          %get3A_160 = arith.index_cast %add3A_147 : i32 to index
          %get3A_161 = arith.constant 16 : index
          %get3A_162 = tpu.vector_load %arg11[%get3A_160, %get3A_161] {strides = array<i32>} : memref<64x256xf32, #tpu.memory_space<vmem>>, vector<1x16xf32>,
          %get3A_163 = vector.shape_cast %get3A_162 : vector<1x16xf32> to vector<16xf32>
          %mul3A_164 = arith.mulf %get3A_159, %get3A_163 : vector<16xf32>
          %add3A_165 = arith.addf %mul3A_155, %mul3A_164 : vector<16xf32>
          %get3A_166 = arith.index_cast %add3A_147 : i32 to index
          %get3A_167 = arith.constant 32 : index
          %get3A_168 = tpu.vector_load %arg10[%get3A_166, %get3A_167] {strides = array<i32>} : memref<64x256xf32, #tpu.memory_space<vmem>>, vector<1x16xf32>,
          %get3A_169 = vector.shape_cast %get3A_168 : vector<1x16xf32> to vector<16xf32>
          %get3A_170 = arith.index_cast %add3A_147 : i32 to index
          %get3A_171 = arith.constant 32 : index
          %get3A_172 = tpu.vector_load %arg11[%get3A_170, %get3A_171] {strides = array<i32>} : memref<64x256xf32, #tpu.memory_space<vmem>>, vector<1x16xf32>,
          %get3A_173 = vector.shape_cast %get3A_172 : vector<1x16xf32> to vector<16xf32>
          %mul3A_174 = arith.mulf %get3A_169, %get3A_173 : vector<16xf32>
          %add3A_175 = arith.addf %add3A_165, %mul3A_174 : vector<16xf32>
          %get3A_176 = arith.index_cast %add3A_147 : i32 to index
          %get3A_177 = arith.constant 48 : index
          %get3A_178 = tpu.vector_load %arg10[%get3A_176, %get3A_177] {strides = array<i32>} : memref<64x256xf32, #tpu.memory_space<vmem>>, vector<1x16xf32>,
          %get3A_179 = vector.shape_cast %get3A_178 : vector<1x16xf32> to vector<16xf32>
          %get3A_180 = arith.index_cast %add3A_147 : i32 to index
          %get3A_181 = arith.constant 48 : index
          %get3A_182 = tpu.vector_load %arg11[%get3A_180, %get3A_181] {strides = array<i32>} : memref<64x256xf32, #tpu.memory_space<vmem>>, vector<1x16xf32>,
          %get3A_183 = vector.shape_cast %get3A_182 : vector<1x16xf32> to vector<16xf32>
          %mul3A_184 = arith.mulf %get3A_179, %get3A_183 : vector<16xf32>
          %add3A_185 = arith.addf %add3A_175, %mul3A_184 : vector<16xf32>
          %get3A_186 = arith.index_cast %add3A_147 : i32 to index
          %get3A_187 = arith.constant 64 : index
          %get3A_188 = tpu.vector_load %arg10[%get3A_186, %get3A_187] {strides = array<i32>} : memref<64x256xf32, #tpu.memory_space<vmem>>, vector<1x16xf32>,
          %get3A_189 = vector.shape_cast %get3A_188 : vector<1x16xf32> to vector<16xf32>
          %get3A_190 = arith.index_cast %add3A_147 : i32 to index
          %get3A_191 = arith.constant 64 : index
          %get3A_192 = tpu.vector_load %arg11[%get3A_190, %get3A_191] {strides = array<i32>} : memref<64x256xf32, #tpu.memory_space<vmem>>, vector<1x16xf32>,
          %get3A_193 = vector.shape_cast %get3A_192 : vector<1x16xf32> to vector<16xf32>
          %mul3A_194 = arith.mulf %get3A_189, %get3A_193 : vector<16xf32>
          %add3A_195 = arith.addf %add3A_185, %mul3A_194 : vector<16xf32>
          %get3A_196 = arith.index_cast %add3A_147 : i32 to index
          %get3A_197 = arith.constant 80 : index
          %get3A_198 = tpu.vector_load %arg10[%get3A_196, %get3A_197] {strides = array<i32>} : memref<64x256xf32, #tpu.memory_space<vmem>>, vector<1x16xf32>,
          %get3A_199 = vector.shape_cast %get3A_198 : vector<1x16xf32> to vector<16xf32>
          %get3A_200 = arith.index_cast %add3A_147 : i32 to index
          %get3A_201 = arith.constant 80 : index
          %get3A_202 = tpu.vector_load %arg11[%get3A_200, %get3A_201] {strides = array<i32>} : memref<64x256xf32, #tpu.memory_space<vmem>>, vector<1x16xf32>,
          %get3A_203 = vector.shape_cast %get3A_202 : vector<1x16xf32> to vector<16xf32>
          %mul3A_204 = arith.mulf %get3A_199, %get3A_203 : vector<16xf32>
          %add3A_205 = arith.addf %add3A_195, %mul3A_204 : vector<16xf32>
          %get3A_206 = arith.index_cast %add3A_147 : i32 to index
          %get3A_207 = arith.constant 96 : index
          %get3A_208 = tpu.vector_load %arg10[%get3A_206, %get3A_207] {strides = array<i32>} : memref<64x256xf32, #tpu.memory_space<vmem>>, vector<1x16xf32>,
          %get3A_209 = vector.shape_cast %get3A_208 : vector<1x16xf32> to vector<16xf32>
          %get3A_210 = arith.index_cast %add3A_147 : i32 to index
          %get3A_211 = arith.constant 96 : index
          %get3A_212 = tpu.vector_load %arg11[%get3A_210, %get3A_211] {strides = array<i32>} : memref<64x256xf32, #tpu.memory_space<vmem>>, vector<1x16xf32>,
          %get3A_213 = vector.shape_cast %get3A_212 : vector<1x16xf32> to vector<16xf32>
          %mul3A_214 = arith.mulf %get3A_209, %get3A_213 : vector<16xf32>
          %add3A_215 = arith.addf %add3A_205, %mul3A_214 : vector<16xf32>
          %get3A_216 = arith.index_cast %add3A_147 : i32 to index
          %get3A_217 = arith.constant 112 : index
          %get3A_218 = tpu.vector_load %arg10[%get3A_216, %get3A_217] {strides = array<i32>} : memref<64x256xf32, #tpu.memory_space<vmem>>, vector<1x16xf32>,
          %get3A_219 = vector.shape_cast %get3A_218 : vector<1x16xf32> to vector<16xf32>
          %get3A_220 = arith.index_cast %add3A_147 : i32 to index
          %get3A_221 = arith.constant 112 : index
          %get3A_222 = tpu.vector_load %arg11[%get3A_220, %get3A_221] {strides = array<i32>} : memref<64x256xf32, #tpu.memory_space<vmem>>, vector<1x16xf32>,
          %get3A_223 = vector.shape_cast %get3A_222 : vector<1x16xf32> to vector<16xf32>
          %mul3A_224 = arith.mulf %get3A_219, %get3A_223 : vector<16xf32>
          %add3A_225 = arith.addf %add3A_215, %mul3A_224 : vector<16xf32>
          %get3A_226 = arith.index_cast %add3A_147 : i32 to index
          %get3A_227 = arith.constant 128 : index
          %get3A_228 = tpu.vector_load %arg10[%get3A_226, %get3A_227] {strides = array<i32>} : memref<64x256xf32, #tpu.memory_space<vmem>>, vector<1x16xf32>,
          %get3A_229 = vector.shape_cast %get3A_228 : vector<1x16xf32> to vector<16xf32>
          %get3A_230 = arith.index_cast %add3A_147 : i32 to index
          %get3A_231 = arith.constant 128 : index
          %get3A_232 = tpu.vector_load %arg11[%get3A_230, %get3A_231] {strides = array<i32>} : memref<64x256xf32, #tpu.memory_space<vmem>>, vector<1x16xf32>,
          %get3A_233 = vector.shape_cast %get3A_232 : vector<1x16xf32> to vector<16xf32>
          %mul3A_234 = arith.mulf %get3A_229, %get3A_233 : vector<16xf32>
          %add3A_235 = arith.addf %add3A_225, %mul3A_234 : vector<16xf32>
          %get3A_236 = arith.index_cast %add3A_147 : i32 to index
          %get3A_237 = arith.constant 144 : index
          %get3A_238 = tpu.vector_load %arg10[%get3A_236, %get3A_237] {strides = array<i32>} : memref<64x256xf32, #tpu.memory_space<vmem>>, vector<1x16xf32>,
          %get3A_239 = vector.shape_cast %get3A_238 : vector<1x16xf32> to vector<16xf32>
          %get3A_240 = arith.index_cast %add3A_147 : i32 to index
          %get3A_241 = arith.constant 144 : index
          %get3A_242 = tpu.vector_load %arg11[%get3A_240, %get3A_241] {strides = array<i32>} : memref<64x256xf32, #tpu.memory_space<vmem>>, vector<1x16xf32>,
          %get3A_243 = vector.shape_cast %get3A_242 : vector<1x16xf32> to vector<16xf32>
          %mul3A_244 = arith.mulf %get3A_239, %get3A_243 : vector<16xf32>
          %add3A_245 = arith.addf %add3A_235, %mul3A_244 : vector<16xf32>
          %get3A_246 = arith.index_cast %add3A_147 : i32 to index
          %get3A_247 = arith.constant 160 : index
          %get3A_248 = tpu.vector_load %arg10[%get3A_246, %get3A_247] {strides = array<i32>} : memref<64x256xf32, #tpu.memory_space<vmem>>, vector<1x16xf32>,
          %get3A_249 = vector.shape_cast %get3A_248 : vector<1x16xf32> to vector<16xf32>
          %get3A_250 = arith.index_cast %add3A_147 : i32 to index
          %get3A_251 = arith.constant 160 : index
          %get3A_252 = tpu.vector_load %arg11[%get3A_250, %get3A_251] {strides = array<i32>} : memref<64x256xf32, #tpu.memory_space<vmem>>, vector<1x16xf32>,
          %get3A_253 = vector.shape_cast %get3A_252 : vector<1x16xf32> to vector<16xf32>
          %mul3A_254 = arith.mulf %get3A_249, %get3A_253 : vector<16xf32>
          %add3A_255 = arith.addf %add3A_245, %mul3A_254 : vector<16xf32>
          %get3A_256 = arith.index_cast %add3A_147 : i32 to index
          %get3A_257 = arith.constant 176 : index
          %get3A_258 = tpu.vector_load %arg10[%get3A_256, %get3A_257] {strides = array<i32>} : memref<64x256xf32, #tpu.memory_space<vmem>>, vector<1x16xf32>,
          %get3A_259 = vector.shape_cast %get3A_258 : vector<1x16xf32> to vector<16xf32>
          %get3A_260 = arith.index_cast %add3A_147 : i32 to index
          %get3A_261 = arith.constant 176 : index
          %get3A_262 = tpu.vector_load %arg11[%get3A_260, %get3A_261] {strides = array<i32>} : memref<64x256xf32, #tpu.memory_space<vmem>>, vector<1x16xf32>,
          %get3A_263 = vector.shape_cast %get3A_262 : vector<1x16xf32> to vector<16xf32>
          %mul3A_264 = arith.mulf %get3A_259, %get3A_263 : vector<16xf32>
          %add3A_265 = arith.addf %add3A_255, %mul3A_264 : vector<16xf32>
          %get3A_266 = arith.index_cast %add3A_147 : i32 to index
          %get3A_267 = arith.constant 192 : index
          %get3A_268 = tpu.vector_load %arg10[%get3A_266, %get3A_267] {strides = array<i32>} : memref<64x256xf32, #tpu.memory_space<vmem>>, vector<1x16xf32>,
          %get3A_269 = vector.shape_cast %get3A_268 : vector<1x16xf32> to vector<16xf32>
          %get3A_270 = arith.index_cast %add3A_147 : i32 to index
          %get3A_271 = arith.constant 192 : index
          %get3A_272 = tpu.vector_load %arg11[%get3A_270, %get3A_271] {strides = array<i32>} : memref<64x256xf32, #tpu.memory_space<vmem>>, vector<1x16xf32>,
          %get3A_273 = vector.shape_cast %get3A_272 : vector<1x16xf32> to vector<16xf32>
          %mul3A_274 = arith.mulf %get3A_269, %get3A_273 : vector<16xf32>
          %add3A_275 = arith.addf %add3A_265, %mul3A_274 : vector<16xf32>
          %get3A_276 = arith.index_cast %add3A_147 : i32 to index
          %get3A_277 = arith.constant 208 : index
          %get3A_278 = tpu.vector_load %arg10[%get3A_276, %get3A_277] {strides = array<i32>} : memref<64x256xf32, #tpu.memory_space<vmem>>, vector<1x16xf32>,
          %get3A_279 = vector.shape_cast %get3A_278 : vector<1x16xf32> to vector<16xf32>
          %get3A_280 = arith.index_cast %add3A_147 : i32 to index
          %get3A_281 = arith.constant 208 : index
          %get3A_282 = tpu.vector_load %arg11[%get3A_280, %get3A_281] {strides = array<i32>} : memref<64x256xf32, #tpu.memory_space<vmem>>, vector<1x16xf32>,
          %get3A_283 = vector.shape_cast %get3A_282 : vector<1x16xf32> to vector<16xf32>
          %mul3A_284 = arith.mulf %get3A_279, %get3A_283 : vector<16xf32>
          %add3A_285 = arith.addf %add3A_275, %mul3A_284 : vector<16xf32>
          %get3A_286 = arith.index_cast %add3A_147 : i32 to index
          %get3A_287 = arith.constant 224 : index
          %get3A_288 = tpu.vector_load %arg10[%get3A_286, %get3A_287] {strides = array<i32>} : memref<64x256xf32, #tpu.memory_space<vmem>>, vector<1x16xf32>,
          %get3A_289 = vector.shape_cast %get3A_288 : vector<1x16xf32> to vector<16xf32>
          %get3A_290 = arith.index_cast %add3A_147 : i32 to index
          %get3A_291 = arith.constant 224 : index
          %get3A_292 = tpu.vector_load %arg11[%get3A_290, %get3A_291] {strides = array<i32>} : memref<64x256xf32, #tpu.memory_space<vmem>>, vector<1x16xf32>,
          %get3A_293 = vector.shape_cast %get3A_292 : vector<1x16xf32> to vector<16xf32>
          %mul3A_294 = arith.mulf %get3A_289, %get3A_293 : vector<16xf32>
          %add3A_295 = arith.addf %add3A_285, %mul3A_294 : vector<16xf32>
          %get3A_296 = arith.index_cast %add3A_147 : i32 to index
          %get3A_297 = arith.constant 240 : index
          %get3A_298 = tpu.vector_load %arg10[%get3A_296, %get3A_297] {strides = array<i32>} : memref<64x256xf32, #tpu.memory_space<vmem>>, vector<1x16xf32>,
          %get3A_299 = vector.shape_cast %get3A_298 : vector<1x16xf32> to vector<16xf32>
          %get3A_300 = arith.index_cast %add3A_147 : i32 to index
          %get3A_301 = arith.constant 240 : index
          %get3A_302 = tpu.vector_load %arg11[%get3A_300, %get3A_301] {strides = array<i32>} : memref<64x256xf32, #tpu.memory_space<vmem>>, vector<1x16xf32>,
          %get3A_303 = vector.shape_cast %get3A_302 : vector<1x16xf32> to vector<16xf32>
          %mul3A_304 = arith.mulf %get3A_299, %get3A_303 : vector<16xf32>
          %add3A_305 = arith.addf %add3A_295, %mul3A_304 : vector<16xf32>
          %xor3A = arith.constant 8 : i32
          %xor3A_306 = vector.broadcast %xor3A : i32 to vector<16xi32>
          %xor3A_307 = arith.xori %iota3A, %xor3A_306 : vector<16xi32>
          %broadcast_in_dim3A_308 = vector.shape_cast %xor3A_307 : vector<16xi32> to vector<16x1xi32>
          %gather3A = vector.shape_cast %broadcast_in_dim3A_308 : vector<16x1xi32> to vector<16xi32>
          %gather3A_309 = tpu.dynamic_gather %add3A_305[%gather3A] in [0] : vector<16xf32>, vector<16xi32> -> vector<16xf32>
          %add3A_310 = arith.addf %add3A_305, %gather3A_309 : vector<16xf32>
          %xor3A_311 = arith.constant 4 : i32
          %xor3A_312 = vector.broadcast %xor3A_311 : i32 to vector<16xi32>
          %xor3A_313 = arith.xori %iota3A, %xor3A_312 : vector<16xi32>
          %broadcast_in_dim3A_314 = vector.shape_cast %xor3A_313 : vector<16xi32> to vector<16x1xi32>
          %gather3A_315 = vector.shape_cast %broadcast_in_dim3A_314 : vector<16x1xi32> to vector<16xi32>
          %gather3A_316 = tpu.dynamic_gather %add3A_310[%gather3A_315] in [0] : vector<16xf32>, vector<16xi32> -> vector<16xf32>
          %add3A_317 = arith.addf %add3A_310, %gather3A_316 : vector<16xf32>
          %xor3A_318 = arith.constant 2 : i32
          %xor3A_319 = vector.broadcast %xor3A_318 : i32 to vector<16xi32>
          %xor3A_320 = arith.xori %iota3A, %xor3A_319 : vector<16xi32>
          %broadcast_in_dim3A_321 = vector.shape_cast %xor3A_320 : vector<16xi32> to vector<16x1xi32>
          %gather3A_322 = vector.shape_cast %broadcast_in_dim3A_321 : vector<16x1xi32> to vector<16xi32>
          %gather3A_323 = tpu.dynamic_gather %add3A_317[%gather3A_322] in [0] : vector<16xf32>, vector<16xi32> -> vector<16xf32>
          %add3A_324 = arith.addf %add3A_317, %gather3A_323 : vector<16xf32>
          %xor3A_325 = arith.constant 1 : i32
          %xor3A_326 = vector.broadcast %xor3A_325 : i32 to vector<16xi32>
          %xor3A_327 = arith.xori %iota3A, %xor3A_326 : vector<16xi32>
          %broadcast_in_dim3A_328 = vector.shape_cast %xor3A_327 : vector<16xi32> to vector<16x1xi32>
          %gather3A_329 = vector.shape_cast %broadcast_in_dim3A_328 : vector<16x1xi32> to vector<16xi32>
          %gather3A_330 = tpu.dynamic_gather %add3A_324[%gather3A_329] in [0] : vector<16xf32>, vector<16xi32> -> vector<16xf32>
          %add3A_331 = arith.addf %add3A_324, %gather3A_330 : vector<16xf32>
          %broadcast_in_dim3A_332 = vector.broadcast %scan3A_143 : i32 to vector<16xi32>
          %eq3A = arith.cmpi eq, %iota3A, %broadcast_in_dim3A_332 : vector<16xi32>
          %select_n3A = arith.select %eq3A, %add3A_331, %scan3A_144 : vector<16xi1>, vector<16xf32>
          scf.yield %select_n3A : vector<16xf32>
        }
        %scan3A_137 = arith.constant 16 : i32
        %mul3A_138 = arith.constant 16 : i32
        %mul3A_139 = arith.muli %scan3A_130, %mul3A_138 : i32
        %swap3A = arith.index_cast %mul3A_139 : i32 to index
        %swap3A_140 = tpu.vector_load %arg13[%swap3A] {strides = array<i32>} : memref<64xf32, #tpu.memory_space<vmem>>, vector<16xf32>,
        %swap3A_141 = vector.shape_cast %swap3A_140 : vector<16xf32> to vector<16xf32>
        %swap3A_142 = vector.shape_cast %scan3A_136 : vector<16xf32> to vector<16xf32>
        tpu.vector_store %arg13[%swap3A], %swap3A_142 {strides = array<i32>} : memref<64xf32, #tpu.memory_space<vmem>>, vector<16xf32>,
      }
      %scan3A_115 = arith.constant 4 : i32
      %add3A_116 = arith.constant 3 : i32
      %add3A_117 = arith.addi %mul3A_51, %add3A_116 : i32
      %lt3A_118 = arith.constant 160 : i32
      %lt3A_119 = arith.cmpi slt, %add3A_117, %lt3A_118 : i32
      %convert_element_type3A_120 = arith.extui %lt3A_119 : i1 to i32
      %cond3A_121 = arith.constant 0 : i32
      %cond3A_122 = arith.cmpi ne, %convert_element_type3A_120, %cond3A_121 : i32
      scf.if %cond3A_122 {
        %add3A_130 = arith.constant 3 : i32
        %add3A_131 = arith.addi %mul3A_51, %add3A_130 : i32
        %dma_start3A_132 = arith.constant 0 : i32
        %dma_start3A_133 = tpu.memref_slice %arg6[%add3A_131, %dma_start3A_132] : memref<160x64xi32, #tpu.memory_space<vmem>> -> memref<1x64xi32, #tpu.memory_space<vmem>>
        %dma_start3A_134 = tpu.memref_squeeze %dma_start3A_133 : memref<1x64xi32, #tpu.memory_space<vmem>> -> memref<64xi32, #tpu.memory_space<vmem>>
        %dma_start3A_135 = arith.constant 0 : i32
        %dma_start3A_136 = arith.constant 0 : i32
        %dma_start3A_137 = tpu.memref_slice %arg2[%arg0, %dma_start3A_135, %dma_start3A_136] : memref<2x10240x256xf32, #tpu.memory_space<hbm>> -> memref<1x10240x256xf32, #tpu.memory_space<hbm>>
        %dma_start3A_138 = tpu.memref_squeeze %dma_start3A_137 : memref<1x10240x256xf32, #tpu.memory_space<hbm>> -> memref<10240x256xf32, #tpu.memory_space<hbm>>
        %dma_start3A_139 = arith.constant 0 : i32
        %dma_start3A_140 = arith.constant 0 : i32
        %dma_start3A_141 = tpu.memref_slice %dma_start3A_138[%dma_start3A_139, %dma_start3A_140] : memref<10240x256xf32, #tpu.memory_space<hbm>> -> memref<10240x256xf32, #tpu.memory_space<hbm>>
        tpu.enqueue_indirect_dma source(%dma_start3A_141 : memref<10240x256xf32, #tpu.memory_space<hbm>>) target(%arg10 : memref<64x256xf32, #tpu.memory_space<vmem>>) offsets(%dma_start3A_134 : memref<64xi32, #tpu.memory_space<vmem>>) semaphore(%arg15 : memref<!tpu.dma_semaphore, #tpu.memory_space<semaphore_mem>>)
        %add3A_142 = arith.constant 3 : i32
        %add3A_143 = arith.addi %mul3A_51, %add3A_142 : i32
        %dma_start3A_144 = arith.constant 0 : i32
        %dma_start3A_145 = tpu.memref_slice %arg7[%add3A_143, %dma_start3A_144] : memref<160x64xi32, #tpu.memory_space<vmem>> -> memref<1x64xi32, #tpu.memory_space<vmem>>
        %dma_start3A_146 = tpu.memref_squeeze %dma_start3A_145 : memref<1x64xi32, #tpu.memory_space<vmem>> -> memref<64xi32, #tpu.memory_space<vmem>>
        %dma_start3A_147 = arith.constant 0 : i32
        %dma_start3A_148 = arith.constant 0 : i32
        %dma_start3A_149 = tpu.memref_slice %arg2[%arg0, %dma_start3A_147, %dma_start3A_148] : memref<2x10240x256xf32, #tpu.memory_space<hbm>> -> memref<1x10240x256xf32, #tpu.memory_space<hbm>>
        %dma_start3A_150 = tpu.memref_squeeze %dma_start3A_149 : memref<1x10240x256xf32, #tpu.memory_space<hbm>> -> memref<10240x256xf32, #tpu.memory_space<hbm>>
        %dma_start3A_151 = arith.constant 0 : i32
        %dma_start3A_152 = arith.constant 0 : i32
        %dma_start3A_153 = tpu.memref_slice %dma_start3A_150[%dma_start3A_151, %dma_start3A_152] : memref<10240x256xf32, #tpu.memory_space<hbm>> -> memref<10240x256xf32, #tpu.memory_space<hbm>>
        tpu.enqueue_indirect_dma source(%dma_start3A_153 : memref<10240x256xf32, #tpu.memory_space<hbm>>) target(%arg11 : memref<64x256xf32, #tpu.memory_space<vmem>>) offsets(%dma_start3A_146 : memref<64xi32, #tpu.memory_space<vmem>>) semaphore(%arg15 : memref<!tpu.dma_semaphore, #tpu.memory_space<semaphore_mem>>)
      } else {
      }
      %mul3A_123 = arith.constant 160 : i32
      %mul3A_124 = arith.muli %add3A, %mul3A_123 : i32
      %add3A_125 = arith.addi %mul3A_124, %mul3A_51 : i32
      %add3A_126 = arith.constant 1 : i32
      %add3A_127 = arith.addi %add3A_125, %add3A_126 : i32
      %mul3A_128 = arith.constant 64 : i32
      %mul3A_129 = arith.muli %add3A_127, %mul3A_128 : i32
      "tpu.region"() ({
        %run_scoped3A = tpu.sem_alloc : memref<!tpu.dma_semaphore, #tpu.memory_space<semaphore_mem>>
        %dma_start3A_130 = tpu.memref_slice %arg5[%mul3A_129] : memref<327680xf32, #tpu.memory_space<hbm>> -> memref<64xf32, #tpu.memory_space<hbm>>
        %dma_start3A_131 = tpu.memref_slice %arg5[%mul3A_129] : memref<327680xf32, #tpu.memory_space<hbm>> -> memref<64xf32, #tpu.memory_space<hbm>>
        tpu.enqueue_dma source(%arg13 : memref<64xf32, #tpu.memory_space<vmem>>) target(%dma_start3A_131 : memref<64xf32, #tpu.memory_space<hbm>>) target_semaphore(%run_scoped3A : memref<!tpu.dma_semaphore, #tpu.memory_space<semaphore_mem>>)
        %dma_wait3A_132 = tpu.memref_slice %arg5[%mul3A_129] : memref<327680xf32, #tpu.memory_space<hbm>> -> memref<64xf32, #tpu.memory_space<hbm>>
        %dma_wait3A_133 = tpu.memref_slice %arg5[%mul3A_129] : memref<327680xf32, #tpu.memory_space<hbm>> -> memref<64xf32, #tpu.memory_space<hbm>>
        tpu.wait_dma2 semaphore(%run_scoped3A : memref<!tpu.dma_semaphore, #tpu.memory_space<semaphore_mem>>) src(%arg13 : memref<64xf32, #tpu.memory_space<vmem>>) dst(%dma_wait3A_133 : memref<64xf32, #tpu.memory_space<hbm>>)
        tpu.yield
      }) : () -> ()
    }
    %scan3A_48 = arith.constant 80 : i32
    return
  }
}

#map = affine_map<(d0, d1) -> (0, 0, 0)>
#map1 = affine_map<(d0, d1) -> (0, 0)>
module attributes {stable_mosaic.version = 14 : i64} {
  func.func @k(%arg0: i32, %arg1: i32, %arg2: memref<32x40x128xi32, #tpu.memory_space<hbm>>, %arg3: memref<640x128xf32, #tpu.memory_space<hbm>>, %arg4: memref<128x128xf32, #tpu.memory_space<hbm>>, %arg5: memref<2x10240x128xf32, #tpu.memory_space<hbm>>, %arg6: memref<10240x128xf32, #tpu.memory_space<vmem_shared>>, %arg7: memref<40x128xi32, #tpu.memory_space<vmem>>, %arg8: memref<128x128xf32, #tpu.memory_space<vmem>>) attributes {dimension_semantics = [#tpu.dimension_semantics<core_parallel>, #tpu.dimension_semantics<subcore_parallel>], iteration_bounds = array<i64: 2, 16>, scalar_prefetch = 0 : i64, scratch_operands = 3 : i64, tpu.core_type = #tpu.core_type<sc_vector_subcore>, window_params = [{transform_indices = #map}, {transform_indices = #map1}, {transform_indices = #map1}, {transform_indices = #map}]} {
    %mul3A = arith.constant 16 : i32
    %mul3A_0 = arith.muli %arg0, %mul3A : i32
    %add3A = arith.addi %mul3A_0, %arg1 : i32
    %mul3A_1 = arith.constant 640 : i32
    %mul3A_2 = arith.muli %arg1, %mul3A_1 : i32
    "tpu.region"() ({
      %run_scoped3A = tpu.sem_alloc : memref<!tpu.dma_semaphore, #tpu.memory_space<semaphore_mem>>
      %dma_start3A = arith.constant 0 : i32
      %dma_start3A_13 = tpu.memref_slice %arg6[%mul3A_2, %dma_start3A] : memref<10240x128xf32, #tpu.memory_space<vmem_shared>> -> memref<640x128xf32, #tpu.memory_space<vmem_shared>>
      tpu.enqueue_dma source(%arg3 : memref<640x128xf32, #tpu.memory_space<hbm>>) target(%dma_start3A_13 : memref<640x128xf32, #tpu.memory_space<vmem_shared>>) target_semaphore(%run_scoped3A : memref<!tpu.dma_semaphore, #tpu.memory_space<semaphore_mem>>)
      %dma_wait3A = arith.constant 0 : i32
      %dma_wait3A_14 = tpu.memref_slice %arg6[%mul3A_2, %dma_wait3A] : memref<10240x128xf32, #tpu.memory_space<vmem_shared>> -> memref<640x128xf32, #tpu.memory_space<vmem_shared>>
      tpu.wait_dma2 semaphore(%run_scoped3A : memref<!tpu.dma_semaphore, #tpu.memory_space<semaphore_mem>>) src(%arg3 : memref<640x128xf32, #tpu.memory_space<hbm>>) dst(%dma_wait3A_14 : memref<640x128xf32, #tpu.memory_space<vmem_shared>>)
      tpu.yield
    }) : () -> ()
    "tpu.region"() ({
      %run_scoped3A = tpu.sem_alloc : memref<!tpu.dma_semaphore, #tpu.memory_space<semaphore_mem>>
      tpu.enqueue_dma source(%arg4 : memref<128x128xf32, #tpu.memory_space<hbm>>) target(%arg8 : memref<128x128xf32, #tpu.memory_space<vmem>>) target_semaphore(%run_scoped3A : memref<!tpu.dma_semaphore, #tpu.memory_space<semaphore_mem>>)
      tpu.wait_dma2 semaphore(%run_scoped3A : memref<!tpu.dma_semaphore, #tpu.memory_space<semaphore_mem>>) src(%arg4 : memref<128x128xf32, #tpu.memory_space<hbm>>) dst(%arg8 : memref<128x128xf32, #tpu.memory_space<vmem>>)
      tpu.yield
    }) : () -> ()
    "tpu.region"() ({
      %run_scoped3A = tpu.sem_alloc : memref<!tpu.dma_semaphore, #tpu.memory_space<semaphore_mem>>
      %dma_start3A = arith.constant 0 : i32
      %dma_start3A_13 = arith.constant 0 : i32
      %dma_start3A_14 = tpu.memref_slice %arg2[%add3A, %dma_start3A, %dma_start3A_13] : memref<32x40x128xi32, #tpu.memory_space<hbm>> -> memref<1x40x128xi32, #tpu.memory_space<hbm>>
      %dma_start3A_15 = tpu.memref_squeeze %dma_start3A_14 : memref<1x40x128xi32, #tpu.memory_space<hbm>> -> memref<40x128xi32, #tpu.memory_space<hbm>>
      %dma_start3A_16 = arith.constant 0 : i32
      %dma_start3A_17 = arith.constant 0 : i32
      %dma_start3A_18 = tpu.memref_slice %arg2[%add3A, %dma_start3A_16, %dma_start3A_17] : memref<32x40x128xi32, #tpu.memory_space<hbm>> -> memref<1x40x128xi32, #tpu.memory_space<hbm>>
      %dma_start3A_19 = tpu.memref_squeeze %dma_start3A_18 : memref<1x40x128xi32, #tpu.memory_space<hbm>> -> memref<40x128xi32, #tpu.memory_space<hbm>>
      tpu.enqueue_dma source(%dma_start3A_19 : memref<40x128xi32, #tpu.memory_space<hbm>>) target(%arg7 : memref<40x128xi32, #tpu.memory_space<vmem>>) target_semaphore(%run_scoped3A : memref<!tpu.dma_semaphore, #tpu.memory_space<semaphore_mem>>)
      %dma_wait3A = arith.constant 0 : i32
      %dma_wait3A_20 = arith.constant 0 : i32
      %dma_wait3A_21 = tpu.memref_slice %arg2[%add3A, %dma_wait3A, %dma_wait3A_20] : memref<32x40x128xi32, #tpu.memory_space<hbm>> -> memref<1x40x128xi32, #tpu.memory_space<hbm>>
      %dma_wait3A_22 = tpu.memref_squeeze %dma_wait3A_21 : memref<1x40x128xi32, #tpu.memory_space<hbm>> -> memref<40x128xi32, #tpu.memory_space<hbm>>
      %dma_wait3A_23 = arith.constant 0 : i32
      %dma_wait3A_24 = arith.constant 0 : i32
      %dma_wait3A_25 = tpu.memref_slice %arg2[%add3A, %dma_wait3A_23, %dma_wait3A_24] : memref<32x40x128xi32, #tpu.memory_space<hbm>> -> memref<1x40x128xi32, #tpu.memory_space<hbm>>
      %dma_wait3A_26 = tpu.memref_squeeze %dma_wait3A_25 : memref<1x40x128xi32, #tpu.memory_space<hbm>> -> memref<40x128xi32, #tpu.memory_space<hbm>>
      tpu.wait_dma2 semaphore(%run_scoped3A : memref<!tpu.dma_semaphore, #tpu.memory_space<semaphore_mem>>) src(%dma_wait3A_26 : memref<40x128xi32, #tpu.memory_space<hbm>>) dst(%arg7 : memref<40x128xi32, #tpu.memory_space<vmem>>)
      tpu.yield
    }) : () -> ()
    %barrier3A = arith.constant 0 : index
    tpu.barrier barrier_id(%barrier3A)
    %scan3A = arith.constant 0 : i32
    %scan3A_3 = arith.constant 0 : i32
    %scan3A_4 = arith.constant 40 : i32
    %scan3A_5 = arith.addi %scan3A_3, %scan3A_4 : i32
    %scan3A_6 = arith.constant 1 : i32
    scf.for %scan3A_13 = %scan3A_3 to %scan3A_5 step %scan3A_6  : i32 {
      "tpu.region"() ({
        %run_scoped3A = tpu.sem_alloc : memref<!tpu.dma_semaphore, #tpu.memory_space<semaphore_mem>>
        %dma_start3A = arith.constant 0 : i32
        %dma_start3A_14 = tpu.memref_slice %arg7[%scan3A_13, %dma_start3A] : memref<40x128xi32, #tpu.memory_space<vmem>> -> memref<1x128xi32, #tpu.memory_space<vmem>>
        %dma_start3A_15 = tpu.memref_squeeze %dma_start3A_14 : memref<1x128xi32, #tpu.memory_space<vmem>> -> memref<128xi32, #tpu.memory_space<vmem>>
        %dma_start3A_16 = arith.constant 0 : i32
        %dma_start3A_17 = arith.constant 0 : i32
        %dma_start3A_18 = tpu.memref_slice %arg6[%dma_start3A_16, %dma_start3A_17] : memref<10240x128xf32, #tpu.memory_space<vmem_shared>> -> memref<10240x128xf32, #tpu.memory_space<vmem_shared>>
        tpu.enqueue_indirect_dma source(%arg8 : memref<128x128xf32, #tpu.memory_space<vmem>>) target(%dma_start3A_18 : memref<10240x128xf32, #tpu.memory_space<vmem_shared>>) offsets(%dma_start3A_15 : memref<128xi32, #tpu.memory_space<vmem>>) semaphore(%run_scoped3A : memref<!tpu.dma_semaphore, #tpu.memory_space<semaphore_mem>>) {add = true}
        %dma_wait3A = arith.constant 0 : i32
        %dma_wait3A_19 = tpu.memref_slice %arg7[%scan3A_13, %dma_wait3A] : memref<40x128xi32, #tpu.memory_space<vmem>> -> memref<1x128xi32, #tpu.memory_space<vmem>>
        %dma_wait3A_20 = tpu.memref_squeeze %dma_wait3A_19 : memref<1x128xi32, #tpu.memory_space<vmem>> -> memref<128xi32, #tpu.memory_space<vmem>>
        %dma_wait3A_21 = arith.constant 0 : i32
        %dma_wait3A_22 = arith.constant 0 : i32
        %dma_wait3A_23 = tpu.memref_slice %arg6[%dma_wait3A_21, %dma_wait3A_22] : memref<10240x128xf32, #tpu.memory_space<vmem_shared>> -> memref<10240x128xf32, #tpu.memory_space<vmem_shared>>
        tpu.wait_indirect_dma semaphore(%run_scoped3A : memref<!tpu.dma_semaphore, #tpu.memory_space<semaphore_mem>>) src(%arg8 : memref<128x128xf32, #tpu.memory_space<vmem>>) dst(%dma_wait3A_23 : memref<10240x128xf32, #tpu.memory_space<vmem_shared>>)
        tpu.yield
      }) : () -> ()
    }
    %scan3A_7 = arith.constant 40 : i32
    %barrier3A_8 = arith.constant 0 : index
    tpu.barrier barrier_id(%barrier3A_8)
    %mul3A_9 = arith.constant 640 : i32
    %mul3A_10 = arith.muli %arg1, %mul3A_9 : i32
    %mul3A_11 = arith.constant 640 : i32
    %mul3A_12 = arith.muli %arg1, %mul3A_11 : i32
    "tpu.region"() ({
      %run_scoped3A = tpu.sem_alloc : memref<!tpu.dma_semaphore, #tpu.memory_space<semaphore_mem>>
      %dma_start3A = arith.constant 0 : i32
      %dma_start3A_13 = tpu.memref_slice %arg5[%arg0, %mul3A_12, %dma_start3A] : memref<2x10240x128xf32, #tpu.memory_space<hbm>> -> memref<1x640x128xf32, #tpu.memory_space<hbm>>
      %dma_start3A_14 = tpu.memref_squeeze %dma_start3A_13 : memref<1x640x128xf32, #tpu.memory_space<hbm>> -> memref<640x128xf32, #tpu.memory_space<hbm>>
      %dma_start3A_15 = arith.constant 0 : i32
      %dma_start3A_16 = tpu.memref_slice %arg6[%mul3A_10, %dma_start3A_15] : memref<10240x128xf32, #tpu.memory_space<vmem_shared>> -> memref<640x128xf32, #tpu.memory_space<vmem_shared>>
      tpu.enqueue_dma source(%dma_start3A_16 : memref<640x128xf32, #tpu.memory_space<vmem_shared>>) target(%dma_start3A_14 : memref<640x128xf32, #tpu.memory_space<hbm>>) target_semaphore(%run_scoped3A : memref<!tpu.dma_semaphore, #tpu.memory_space<semaphore_mem>>)
      %dma_wait3A = arith.constant 0 : i32
      %dma_wait3A_17 = tpu.memref_slice %arg5[%arg0, %mul3A_12, %dma_wait3A] : memref<2x10240x128xf32, #tpu.memory_space<hbm>> -> memref<1x640x128xf32, #tpu.memory_space<hbm>>
      %dma_wait3A_18 = tpu.memref_squeeze %dma_wait3A_17 : memref<1x640x128xf32, #tpu.memory_space<hbm>> -> memref<640x128xf32, #tpu.memory_space<hbm>>
      %dma_wait3A_19 = arith.constant 0 : i32
      %dma_wait3A_20 = tpu.memref_slice %arg6[%mul3A_10, %dma_wait3A_19] : memref<10240x128xf32, #tpu.memory_space<vmem_shared>> -> memref<640x128xf32, #tpu.memory_space<vmem_shared>>
      tpu.wait_dma2 semaphore(%run_scoped3A : memref<!tpu.dma_semaphore, #tpu.memory_space<semaphore_mem>>) src(%dma_wait3A_20 : memref<640x128xf32, #tpu.memory_space<vmem_shared>>) dst(%dma_wait3A_18 : memref<640x128xf32, #tpu.memory_space<hbm>>)
      tpu.yield
    }) : () -> ()
    return
  }
}

#map = affine_map<(d0, d1) -> (0, 0, 0)>
module attributes {stable_mosaic.version = 14 : i64} {
  func.func @k(%arg0: i32, %arg1: i32, %arg2: memref<2x10240x128xf32, #tpu.memory_space<hbm>>, %arg3: memref<16x79x128xi32, #tpu.memory_space<hbm>>, %arg4: memref<16x79x128xi32, #tpu.memory_space<hbm>>, %arg5: memref<2x10240x128xf32, #tpu.memory_space<hbm>>, %arg6: memref<10240x128xf32, #tpu.memory_space<vmem_shared>>, %arg7: memref<79x128xi32, #tpu.memory_space<vmem>>, %arg8: memref<79x128xi32, #tpu.memory_space<vmem>>, %arg9: memref<128x128xf32, #tpu.memory_space<vmem>>, %arg10: memref<!tpu.dma_semaphore, #tpu.memory_space<semaphore_mem>>) attributes {dimension_semantics = [#tpu.dimension_semantics<core_parallel>, #tpu.dimension_semantics<subcore_parallel>], iteration_bounds = array<i64: 2, 16>, scalar_prefetch = 0 : i64, scratch_operands = 5 : i64, tpu.core_type = #tpu.core_type<sc_vector_subcore>, window_params = [{transform_indices = #map}, {transform_indices = #map}, {transform_indices = #map}, {transform_indices = #map}]} {
    %mul3A = arith.constant 640 : i32
    %mul3A_0 = arith.muli %arg1, %mul3A : i32
    %mul3A_1 = arith.constant 640 : i32
    %mul3A_2 = arith.muli %arg1, %mul3A_1 : i32
    "tpu.region"() ({
      %run_scoped3A = tpu.sem_alloc : memref<!tpu.dma_semaphore, #tpu.memory_space<semaphore_mem>>
      %dma_start3A = arith.constant 0 : i32
      %dma_start3A_13 = tpu.memref_slice %arg6[%mul3A_2, %dma_start3A] : memref<10240x128xf32, #tpu.memory_space<vmem_shared>> -> memref<640x128xf32, #tpu.memory_space<vmem_shared>>
      %dma_start3A_14 = arith.constant 0 : i32
      %dma_start3A_15 = tpu.memref_slice %arg2[%arg0, %mul3A_0, %dma_start3A_14] : memref<2x10240x128xf32, #tpu.memory_space<hbm>> -> memref<1x640x128xf32, #tpu.memory_space<hbm>>
      %dma_start3A_16 = tpu.memref_squeeze %dma_start3A_15 : memref<1x640x128xf32, #tpu.memory_space<hbm>> -> memref<640x128xf32, #tpu.memory_space<hbm>>
      tpu.enqueue_dma source(%dma_start3A_16 : memref<640x128xf32, #tpu.memory_space<hbm>>) target(%dma_start3A_13 : memref<640x128xf32, #tpu.memory_space<vmem_shared>>) target_semaphore(%run_scoped3A : memref<!tpu.dma_semaphore, #tpu.memory_space<semaphore_mem>>)
      %dma_wait3A = arith.constant 0 : i32
      %dma_wait3A_17 = tpu.memref_slice %arg6[%mul3A_2, %dma_wait3A] : memref<10240x128xf32, #tpu.memory_space<vmem_shared>> -> memref<640x128xf32, #tpu.memory_space<vmem_shared>>
      %dma_wait3A_18 = arith.constant 0 : i32
      %dma_wait3A_19 = tpu.memref_slice %arg2[%arg0, %mul3A_0, %dma_wait3A_18] : memref<2x10240x128xf32, #tpu.memory_space<hbm>> -> memref<1x640x128xf32, #tpu.memory_space<hbm>>
      %dma_wait3A_20 = tpu.memref_squeeze %dma_wait3A_19 : memref<1x640x128xf32, #tpu.memory_space<hbm>> -> memref<640x128xf32, #tpu.memory_space<hbm>>
      tpu.wait_dma2 semaphore(%run_scoped3A : memref<!tpu.dma_semaphore, #tpu.memory_space<semaphore_mem>>) src(%dma_wait3A_20 : memref<640x128xf32, #tpu.memory_space<hbm>>) dst(%dma_wait3A_17 : memref<640x128xf32, #tpu.memory_space<vmem_shared>>)
      tpu.yield
    }) : () -> ()
    "tpu.region"() ({
      %run_scoped3A = tpu.sem_alloc : memref<!tpu.dma_semaphore, #tpu.memory_space<semaphore_mem>>
      %dma_start3A = arith.constant 0 : i32
      %dma_start3A_13 = arith.constant 0 : i32
      %dma_start3A_14 = tpu.memref_slice %arg3[%arg1, %dma_start3A, %dma_start3A_13] : memref<16x79x128xi32, #tpu.memory_space<hbm>> -> memref<1x79x128xi32, #tpu.memory_space<hbm>>
      %dma_start3A_15 = tpu.memref_squeeze %dma_start3A_14 : memref<1x79x128xi32, #tpu.memory_space<hbm>> -> memref<79x128xi32, #tpu.memory_space<hbm>>
      %dma_start3A_16 = arith.constant 0 : i32
      %dma_start3A_17 = arith.constant 0 : i32
      %dma_start3A_18 = tpu.memref_slice %arg3[%arg1, %dma_start3A_16, %dma_start3A_17] : memref<16x79x128xi32, #tpu.memory_space<hbm>> -> memref<1x79x128xi32, #tpu.memory_space<hbm>>
      %dma_start3A_19 = tpu.memref_squeeze %dma_start3A_18 : memref<1x79x128xi32, #tpu.memory_space<hbm>> -> memref<79x128xi32, #tpu.memory_space<hbm>>
      tpu.enqueue_dma source(%dma_start3A_19 : memref<79x128xi32, #tpu.memory_space<hbm>>) target(%arg7 : memref<79x128xi32, #tpu.memory_space<vmem>>) target_semaphore(%run_scoped3A : memref<!tpu.dma_semaphore, #tpu.memory_space<semaphore_mem>>)
      %dma_wait3A = arith.constant 0 : i32
      %dma_wait3A_20 = arith.constant 0 : i32
      %dma_wait3A_21 = tpu.memref_slice %arg3[%arg1, %dma_wait3A, %dma_wait3A_20] : memref<16x79x128xi32, #tpu.memory_space<hbm>> -> memref<1x79x128xi32, #tpu.memory_space<hbm>>
      %dma_wait3A_22 = tpu.memref_squeeze %dma_wait3A_21 : memref<1x79x128xi32, #tpu.memory_space<hbm>> -> memref<79x128xi32, #tpu.memory_space<hbm>>
      %dma_wait3A_23 = arith.constant 0 : i32
      %dma_wait3A_24 = arith.constant 0 : i32
      %dma_wait3A_25 = tpu.memref_slice %arg3[%arg1, %dma_wait3A_23, %dma_wait3A_24] : memref<16x79x128xi32, #tpu.memory_space<hbm>> -> memref<1x79x128xi32, #tpu.memory_space<hbm>>
      %dma_wait3A_26 = tpu.memref_squeeze %dma_wait3A_25 : memref<1x79x128xi32, #tpu.memory_space<hbm>> -> memref<79x128xi32, #tpu.memory_space<hbm>>
      tpu.wait_dma2 semaphore(%run_scoped3A : memref<!tpu.dma_semaphore, #tpu.memory_space<semaphore_mem>>) src(%dma_wait3A_26 : memref<79x128xi32, #tpu.memory_space<hbm>>) dst(%arg7 : memref<79x128xi32, #tpu.memory_space<vmem>>)
      tpu.yield
    }) : () -> ()
    "tpu.region"() ({
      %run_scoped3A = tpu.sem_alloc : memref<!tpu.dma_semaphore, #tpu.memory_space<semaphore_mem>>
      %dma_start3A = arith.constant 0 : i32
      %dma_start3A_13 = arith.constant 0 : i32
      %dma_start3A_14 = tpu.memref_slice %arg4[%arg1, %dma_start3A, %dma_start3A_13] : memref<16x79x128xi32, #tpu.memory_space<hbm>> -> memref<1x79x128xi32, #tpu.memory_space<hbm>>
      %dma_start3A_15 = tpu.memref_squeeze %dma_start3A_14 : memref<1x79x128xi32, #tpu.memory_space<hbm>> -> memref<79x128xi32, #tpu.memory_space<hbm>>
      %dma_start3A_16 = arith.constant 0 : i32
      %dma_start3A_17 = arith.constant 0 : i32
      %dma_start3A_18 = tpu.memref_slice %arg4[%arg1, %dma_start3A_16, %dma_start3A_17] : memref<16x79x128xi32, #tpu.memory_space<hbm>> -> memref<1x79x128xi32, #tpu.memory_space<hbm>>
      %dma_start3A_19 = tpu.memref_squeeze %dma_start3A_18 : memref<1x79x128xi32, #tpu.memory_space<hbm>> -> memref<79x128xi32, #tpu.memory_space<hbm>>
      tpu.enqueue_dma source(%dma_start3A_19 : memref<79x128xi32, #tpu.memory_space<hbm>>) target(%arg8 : memref<79x128xi32, #tpu.memory_space<vmem>>) target_semaphore(%run_scoped3A : memref<!tpu.dma_semaphore, #tpu.memory_space<semaphore_mem>>)
      %dma_wait3A = arith.constant 0 : i32
      %dma_wait3A_20 = arith.constant 0 : i32
      %dma_wait3A_21 = tpu.memref_slice %arg4[%arg1, %dma_wait3A, %dma_wait3A_20] : memref<16x79x128xi32, #tpu.memory_space<hbm>> -> memref<1x79x128xi32, #tpu.memory_space<hbm>>
      %dma_wait3A_22 = tpu.memref_squeeze %dma_wait3A_21 : memref<1x79x128xi32, #tpu.memory_space<hbm>> -> memref<79x128xi32, #tpu.memory_space<hbm>>
      %dma_wait3A_23 = arith.constant 0 : i32
      %dma_wait3A_24 = arith.constant 0 : i32
      %dma_wait3A_25 = tpu.memref_slice %arg4[%arg1, %dma_wait3A_23, %dma_wait3A_24] : memref<16x79x128xi32, #tpu.memory_space<hbm>> -> memref<1x79x128xi32, #tpu.memory_space<hbm>>
      %dma_wait3A_26 = tpu.memref_squeeze %dma_wait3A_25 : memref<1x79x128xi32, #tpu.memory_space<hbm>> -> memref<79x128xi32, #tpu.memory_space<hbm>>
      tpu.wait_dma2 semaphore(%run_scoped3A : memref<!tpu.dma_semaphore, #tpu.memory_space<semaphore_mem>>) src(%dma_wait3A_26 : memref<79x128xi32, #tpu.memory_space<hbm>>) dst(%arg8 : memref<79x128xi32, #tpu.memory_space<vmem>>)
      tpu.yield
    }) : () -> ()
    %barrier3A = arith.constant 0 : index
    tpu.barrier barrier_id(%barrier3A)
    %scan3A = arith.constant 0 : i32
    %scan3A_3 = arith.constant 0 : i32
    %scan3A_4 = arith.constant 79 : i32
    %scan3A_5 = arith.addi %scan3A_3, %scan3A_4 : i32
    %scan3A_6 = arith.constant 1 : i32
    scf.for %scan3A_13 = %scan3A_3 to %scan3A_5 step %scan3A_6  : i32 {
      %dma_start3A = arith.constant 0 : i32
      %dma_start3A_14 = tpu.memref_slice %arg7[%scan3A_13, %dma_start3A] : memref<79x128xi32, #tpu.memory_space<vmem>> -> memref<1x128xi32, #tpu.memory_space<vmem>>
      %dma_start3A_15 = tpu.memref_squeeze %dma_start3A_14 : memref<1x128xi32, #tpu.memory_space<vmem>> -> memref<128xi32, #tpu.memory_space<vmem>>
      %dma_start3A_16 = arith.constant 0 : i32
      %dma_start3A_17 = arith.constant 0 : i32
      %dma_start3A_18 = tpu.memref_slice %arg2[%arg0, %dma_start3A_16, %dma_start3A_17] : memref<2x10240x128xf32, #tpu.memory_space<hbm>> -> memref<1x10240x128xf32, #tpu.memory_space<hbm>>
      %dma_start3A_19 = tpu.memref_squeeze %dma_start3A_18 : memref<1x10240x128xf32, #tpu.memory_space<hbm>> -> memref<10240x128xf32, #tpu.memory_space<hbm>>
      %dma_start3A_20 = arith.constant 0 : i32
      %dma_start3A_21 = arith.constant 0 : i32
      %dma_start3A_22 = tpu.memref_slice %dma_start3A_19[%dma_start3A_20, %dma_start3A_21] : memref<10240x128xf32, #tpu.memory_space<hbm>> -> memref<10240x128xf32, #tpu.memory_space<hbm>>
      tpu.enqueue_indirect_dma source(%dma_start3A_22 : memref<10240x128xf32, #tpu.memory_space<hbm>>) target(%arg9 : memref<128x128xf32, #tpu.memory_space<vmem>>) offsets(%dma_start3A_15 : memref<128xi32, #tpu.memory_space<vmem>>) semaphore(%arg10 : memref<!tpu.dma_semaphore, #tpu.memory_space<semaphore_mem>>)
      %dma_wait3A = arith.constant 0 : i32
      %dma_wait3A_23 = tpu.memref_slice %arg7[%scan3A_13, %dma_wait3A] : memref<79x128xi32, #tpu.memory_space<vmem>> -> memref<1x128xi32, #tpu.memory_space<vmem>>
      %dma_wait3A_24 = tpu.memref_squeeze %dma_wait3A_23 : memref<1x128xi32, #tpu.memory_space<vmem>> -> memref<128xi32, #tpu.memory_space<vmem>>
      %dma_wait3A_25 = arith.constant 0 : i32
      %dma_wait3A_26 = arith.constant 0 : i32
      %dma_wait3A_27 = tpu.memref_slice %arg2[%arg0, %dma_wait3A_25, %dma_wait3A_26] : memref<2x10240x128xf32, #tpu.memory_space<hbm>> -> memref<1x10240x128xf32, #tpu.memory_space<hbm>>
      %dma_wait3A_28 = tpu.memref_squeeze %dma_wait3A_27 : memref<1x10240x128xf32, #tpu.memory_space<hbm>> -> memref<10240x128xf32, #tpu.memory_space<hbm>>
      %dma_wait3A_29 = arith.constant 0 : i32
      %dma_wait3A_30 = arith.constant 0 : i32
      %dma_wait3A_31 = tpu.memref_slice %dma_wait3A_28[%dma_wait3A_29, %dma_wait3A_30] : memref<10240x128xf32, #tpu.memory_space<hbm>> -> memref<10240x128xf32, #tpu.memory_space<hbm>>
      tpu.wait_indirect_dma semaphore(%arg10 : memref<!tpu.dma_semaphore, #tpu.memory_space<semaphore_mem>>) src(%dma_wait3A_31 : memref<10240x128xf32, #tpu.memory_space<hbm>>) dst(%arg9 : memref<128x128xf32, #tpu.memory_space<vmem>>)
      "tpu.region"() ({
        %run_scoped3A = tpu.sem_alloc : memref<!tpu.dma_semaphore, #tpu.memory_space<semaphore_mem>>
        %dma_start3A_32 = arith.constant 0 : i32
        %dma_start3A_33 = tpu.memref_slice %arg8[%scan3A_13, %dma_start3A_32] : memref<79x128xi32, #tpu.memory_space<vmem>> -> memref<1x128xi32, #tpu.memory_space<vmem>>
        %dma_start3A_34 = tpu.memref_squeeze %dma_start3A_33 : memref<1x128xi32, #tpu.memory_space<vmem>> -> memref<128xi32, #tpu.memory_space<vmem>>
        %dma_start3A_35 = arith.constant 0 : i32
        %dma_start3A_36 = arith.constant 0 : i32
        %dma_start3A_37 = tpu.memref_slice %arg6[%dma_start3A_35, %dma_start3A_36] : memref<10240x128xf32, #tpu.memory_space<vmem_shared>> -> memref<10240x128xf32, #tpu.memory_space<vmem_shared>>
        tpu.enqueue_indirect_dma source(%arg9 : memref<128x128xf32, #tpu.memory_space<vmem>>) target(%dma_start3A_37 : memref<10240x128xf32, #tpu.memory_space<vmem_shared>>) offsets(%dma_start3A_34 : memref<128xi32, #tpu.memory_space<vmem>>) semaphore(%run_scoped3A : memref<!tpu.dma_semaphore, #tpu.memory_space<semaphore_mem>>) {add = true}
        %dma_wait3A_38 = arith.constant 0 : i32
        %dma_wait3A_39 = tpu.memref_slice %arg8[%scan3A_13, %dma_wait3A_38] : memref<79x128xi32, #tpu.memory_space<vmem>> -> memref<1x128xi32, #tpu.memory_space<vmem>>
        %dma_wait3A_40 = tpu.memref_squeeze %dma_wait3A_39 : memref<1x128xi32, #tpu.memory_space<vmem>> -> memref<128xi32, #tpu.memory_space<vmem>>
        %dma_wait3A_41 = arith.constant 0 : i32
        %dma_wait3A_42 = arith.constant 0 : i32
        %dma_wait3A_43 = tpu.memref_slice %arg6[%dma_wait3A_41, %dma_wait3A_42] : memref<10240x128xf32, #tpu.memory_space<vmem_shared>> -> memref<10240x128xf32, #tpu.memory_space<vmem_shared>>
        tpu.wait_indirect_dma semaphore(%run_scoped3A : memref<!tpu.dma_semaphore, #tpu.memory_space<semaphore_mem>>) src(%arg9 : memref<128x128xf32, #tpu.memory_space<vmem>>) dst(%dma_wait3A_43 : memref<10240x128xf32, #tpu.memory_space<vmem_shared>>)
        tpu.yield
      }) : () -> ()
    }
    %scan3A_7 = arith.constant 79 : i32
    %barrier3A_8 = arith.constant 0 : index
    tpu.barrier barrier_id(%barrier3A_8)
    %mul3A_9 = arith.constant 640 : i32
    %mul3A_10 = arith.muli %arg1, %mul3A_9 : i32
    %mul3A_11 = arith.constant 640 : i32
    %mul3A_12 = arith.muli %arg1, %mul3A_11 : i32
    "tpu.region"() ({
      %run_scoped3A = tpu.sem_alloc : memref<!tpu.dma_semaphore, #tpu.memory_space<semaphore_mem>>
      %dma_start3A = arith.constant 0 : i32
      %dma_start3A_13 = tpu.memref_slice %arg5[%arg0, %mul3A_12, %dma_start3A] : memref<2x10240x128xf32, #tpu.memory_space<hbm>> -> memref<1x640x128xf32, #tpu.memory_space<hbm>>
      %dma_start3A_14 = tpu.memref_squeeze %dma_start3A_13 : memref<1x640x128xf32, #tpu.memory_space<hbm>> -> memref<640x128xf32, #tpu.memory_space<hbm>>
      %dma_start3A_15 = arith.constant 0 : i32
      %dma_start3A_16 = tpu.memref_slice %arg6[%mul3A_10, %dma_start3A_15] : memref<10240x128xf32, #tpu.memory_space<vmem_shared>> -> memref<640x128xf32, #tpu.memory_space<vmem_shared>>
      tpu.enqueue_dma source(%dma_start3A_16 : memref<640x128xf32, #tpu.memory_space<vmem_shared>>) target(%dma_start3A_14 : memref<640x128xf32, #tpu.memory_space<hbm>>) target_semaphore(%run_scoped3A : memref<!tpu.dma_semaphore, #tpu.memory_space<semaphore_mem>>)
      %dma_wait3A = arith.constant 0 : i32
      %dma_wait3A_17 = tpu.memref_slice %arg5[%arg0, %mul3A_12, %dma_wait3A] : memref<2x10240x128xf32, #tpu.memory_space<hbm>> -> memref<1x640x128xf32, #tpu.memory_space<hbm>>
      %dma_wait3A_18 = tpu.memref_squeeze %dma_wait3A_17 : memref<1x640x128xf32, #tpu.memory_space<hbm>> -> memref<640x128xf32, #tpu.memory_space<hbm>>
      %dma_wait3A_19 = arith.constant 0 : i32
      %dma_wait3A_20 = tpu.memref_slice %arg6[%mul3A_10, %dma_wait3A_19] : memref<10240x128xf32, #tpu.memory_space<vmem_shared>> -> memref<640x128xf32, #tpu.memory_space<vmem_shared>>
      tpu.wait_dma2 semaphore(%run_scoped3A : memref<!tpu.dma_semaphore, #tpu.memory_space<semaphore_mem>>) src(%dma_wait3A_20 : memref<640x128xf32, #tpu.memory_space<vmem_shared>>) dst(%dma_wait3A_18 : memref<640x128xf32, #tpu.memory_space<hbm>>)
      tpu.yield
    }) : () -> ()
    return
  }
}

#map = affine_map<(d0, d1) -> (0, 0, 0)>
module attributes {stable_mosaic.version = 14 : i64} {
  func.func @k(%arg0: i32, %arg1: i32, %arg2: memref<2x10240x128xf32, #tpu.memory_space<hbm>>, %arg3: memref<16x79x128xi32, #tpu.memory_space<hbm>>, %arg4: memref<16x79x128xi32, #tpu.memory_space<hbm>>, %arg5: memref<2x10240x128xf32, #tpu.memory_space<hbm>>, %arg6: memref<10240x128xf32, #tpu.memory_space<vmem_shared>>, %arg7: memref<79x128xi32, #tpu.memory_space<vmem>>, %arg8: memref<79x128xi32, #tpu.memory_space<vmem>>, %arg9: memref<128x128xf32, #tpu.memory_space<vmem>>, %arg10: memref<!tpu.dma_semaphore, #tpu.memory_space<semaphore_mem>>) attributes {dimension_semantics = [#tpu.dimension_semantics<core_parallel>, #tpu.dimension_semantics<subcore_parallel>], iteration_bounds = array<i64: 2, 16>, scalar_prefetch = 0 : i64, scratch_operands = 5 : i64, tpu.core_type = #tpu.core_type<sc_vector_subcore>, window_params = [{transform_indices = #map}, {transform_indices = #map}, {transform_indices = #map}, {transform_indices = #map}]} {
    %mul3A = arith.constant 640 : i32
    %mul3A_0 = arith.muli %arg1, %mul3A : i32
    %mul3A_1 = arith.constant 640 : i32
    %mul3A_2 = arith.muli %arg1, %mul3A_1 : i32
    "tpu.region"() ({
      %run_scoped3A = tpu.sem_alloc : memref<!tpu.dma_semaphore, #tpu.memory_space<semaphore_mem>>
      %dma_start3A = arith.constant 0 : i32
      %dma_start3A_13 = tpu.memref_slice %arg6[%mul3A_2, %dma_start3A] : memref<10240x128xf32, #tpu.memory_space<vmem_shared>> -> memref<640x128xf32, #tpu.memory_space<vmem_shared>>
      %dma_start3A_14 = arith.constant 0 : i32
      %dma_start3A_15 = tpu.memref_slice %arg2[%arg0, %mul3A_0, %dma_start3A_14] : memref<2x10240x128xf32, #tpu.memory_space<hbm>> -> memref<1x640x128xf32, #tpu.memory_space<hbm>>
      %dma_start3A_16 = tpu.memref_squeeze %dma_start3A_15 : memref<1x640x128xf32, #tpu.memory_space<hbm>> -> memref<640x128xf32, #tpu.memory_space<hbm>>
      tpu.enqueue_dma source(%dma_start3A_16 : memref<640x128xf32, #tpu.memory_space<hbm>>) target(%dma_start3A_13 : memref<640x128xf32, #tpu.memory_space<vmem_shared>>) target_semaphore(%run_scoped3A : memref<!tpu.dma_semaphore, #tpu.memory_space<semaphore_mem>>)
      %dma_wait3A = arith.constant 0 : i32
      %dma_wait3A_17 = tpu.memref_slice %arg6[%mul3A_2, %dma_wait3A] : memref<10240x128xf32, #tpu.memory_space<vmem_shared>> -> memref<640x128xf32, #tpu.memory_space<vmem_shared>>
      %dma_wait3A_18 = arith.constant 0 : i32
      %dma_wait3A_19 = tpu.memref_slice %arg2[%arg0, %mul3A_0, %dma_wait3A_18] : memref<2x10240x128xf32, #tpu.memory_space<hbm>> -> memref<1x640x128xf32, #tpu.memory_space<hbm>>
      %dma_wait3A_20 = tpu.memref_squeeze %dma_wait3A_19 : memref<1x640x128xf32, #tpu.memory_space<hbm>> -> memref<640x128xf32, #tpu.memory_space<hbm>>
      tpu.wait_dma2 semaphore(%run_scoped3A : memref<!tpu.dma_semaphore, #tpu.memory_space<semaphore_mem>>) src(%dma_wait3A_20 : memref<640x128xf32, #tpu.memory_space<hbm>>) dst(%dma_wait3A_17 : memref<640x128xf32, #tpu.memory_space<vmem_shared>>)
      tpu.yield
    }) : () -> ()
    "tpu.region"() ({
      %run_scoped3A = tpu.sem_alloc : memref<!tpu.dma_semaphore, #tpu.memory_space<semaphore_mem>>
      %dma_start3A = arith.constant 0 : i32
      %dma_start3A_13 = arith.constant 0 : i32
      %dma_start3A_14 = tpu.memref_slice %arg3[%arg1, %dma_start3A, %dma_start3A_13] : memref<16x79x128xi32, #tpu.memory_space<hbm>> -> memref<1x79x128xi32, #tpu.memory_space<hbm>>
      %dma_start3A_15 = tpu.memref_squeeze %dma_start3A_14 : memref<1x79x128xi32, #tpu.memory_space<hbm>> -> memref<79x128xi32, #tpu.memory_space<hbm>>
      %dma_start3A_16 = arith.constant 0 : i32
      %dma_start3A_17 = arith.constant 0 : i32
      %dma_start3A_18 = tpu.memref_slice %arg3[%arg1, %dma_start3A_16, %dma_start3A_17] : memref<16x79x128xi32, #tpu.memory_space<hbm>> -> memref<1x79x128xi32, #tpu.memory_space<hbm>>
      %dma_start3A_19 = tpu.memref_squeeze %dma_start3A_18 : memref<1x79x128xi32, #tpu.memory_space<hbm>> -> memref<79x128xi32, #tpu.memory_space<hbm>>
      tpu.enqueue_dma source(%dma_start3A_19 : memref<79x128xi32, #tpu.memory_space<hbm>>) target(%arg7 : memref<79x128xi32, #tpu.memory_space<vmem>>) target_semaphore(%run_scoped3A : memref<!tpu.dma_semaphore, #tpu.memory_space<semaphore_mem>>)
      %dma_wait3A = arith.constant 0 : i32
      %dma_wait3A_20 = arith.constant 0 : i32
      %dma_wait3A_21 = tpu.memref_slice %arg3[%arg1, %dma_wait3A, %dma_wait3A_20] : memref<16x79x128xi32, #tpu.memory_space<hbm>> -> memref<1x79x128xi32, #tpu.memory_space<hbm>>
      %dma_wait3A_22 = tpu.memref_squeeze %dma_wait3A_21 : memref<1x79x128xi32, #tpu.memory_space<hbm>> -> memref<79x128xi32, #tpu.memory_space<hbm>>
      %dma_wait3A_23 = arith.constant 0 : i32
      %dma_wait3A_24 = arith.constant 0 : i32
      %dma_wait3A_25 = tpu.memref_slice %arg3[%arg1, %dma_wait3A_23, %dma_wait3A_24] : memref<16x79x128xi32, #tpu.memory_space<hbm>> -> memref<1x79x128xi32, #tpu.memory_space<hbm>>
      %dma_wait3A_26 = tpu.memref_squeeze %dma_wait3A_25 : memref<1x79x128xi32, #tpu.memory_space<hbm>> -> memref<79x128xi32, #tpu.memory_space<hbm>>
      tpu.wait_dma2 semaphore(%run_scoped3A : memref<!tpu.dma_semaphore, #tpu.memory_space<semaphore_mem>>) src(%dma_wait3A_26 : memref<79x128xi32, #tpu.memory_space<hbm>>) dst(%arg7 : memref<79x128xi32, #tpu.memory_space<vmem>>)
      tpu.yield
    }) : () -> ()
    "tpu.region"() ({
      %run_scoped3A = tpu.sem_alloc : memref<!tpu.dma_semaphore, #tpu.memory_space<semaphore_mem>>
      %dma_start3A = arith.constant 0 : i32
      %dma_start3A_13 = arith.constant 0 : i32
      %dma_start3A_14 = tpu.memref_slice %arg4[%arg1, %dma_start3A, %dma_start3A_13] : memref<16x79x128xi32, #tpu.memory_space<hbm>> -> memref<1x79x128xi32, #tpu.memory_space<hbm>>
      %dma_start3A_15 = tpu.memref_squeeze %dma_start3A_14 : memref<1x79x128xi32, #tpu.memory_space<hbm>> -> memref<79x128xi32, #tpu.memory_space<hbm>>
      %dma_start3A_16 = arith.constant 0 : i32
      %dma_start3A_17 = arith.constant 0 : i32
      %dma_start3A_18 = tpu.memref_slice %arg4[%arg1, %dma_start3A_16, %dma_start3A_17] : memref<16x79x128xi32, #tpu.memory_space<hbm>> -> memref<1x79x128xi32, #tpu.memory_space<hbm>>
      %dma_start3A_19 = tpu.memref_squeeze %dma_start3A_18 : memref<1x79x128xi32, #tpu.memory_space<hbm>> -> memref<79x128xi32, #tpu.memory_space<hbm>>
      tpu.enqueue_dma source(%dma_start3A_19 : memref<79x128xi32, #tpu.memory_space<hbm>>) target(%arg8 : memref<79x128xi32, #tpu.memory_space<vmem>>) target_semaphore(%run_scoped3A : memref<!tpu.dma_semaphore, #tpu.memory_space<semaphore_mem>>)
      %dma_wait3A = arith.constant 0 : i32
      %dma_wait3A_20 = arith.constant 0 : i32
      %dma_wait3A_21 = tpu.memref_slice %arg4[%arg1, %dma_wait3A, %dma_wait3A_20] : memref<16x79x128xi32, #tpu.memory_space<hbm>> -> memref<1x79x128xi32, #tpu.memory_space<hbm>>
      %dma_wait3A_22 = tpu.memref_squeeze %dma_wait3A_21 : memref<1x79x128xi32, #tpu.memory_space<hbm>> -> memref<79x128xi32, #tpu.memory_space<hbm>>
      %dma_wait3A_23 = arith.constant 0 : i32
      %dma_wait3A_24 = arith.constant 0 : i32
      %dma_wait3A_25 = tpu.memref_slice %arg4[%arg1, %dma_wait3A_23, %dma_wait3A_24] : memref<16x79x128xi32, #tpu.memory_space<hbm>> -> memref<1x79x128xi32, #tpu.memory_space<hbm>>
      %dma_wait3A_26 = tpu.memref_squeeze %dma_wait3A_25 : memref<1x79x128xi32, #tpu.memory_space<hbm>> -> memref<79x128xi32, #tpu.memory_space<hbm>>
      tpu.wait_dma2 semaphore(%run_scoped3A : memref<!tpu.dma_semaphore, #tpu.memory_space<semaphore_mem>>) src(%dma_wait3A_26 : memref<79x128xi32, #tpu.memory_space<hbm>>) dst(%arg8 : memref<79x128xi32, #tpu.memory_space<vmem>>)
      tpu.yield
    }) : () -> ()
    %barrier3A = arith.constant 0 : index
    tpu.barrier barrier_id(%barrier3A)
    %scan3A = arith.constant 0 : i32
    %scan3A_3 = arith.constant 0 : i32
    %scan3A_4 = arith.constant 79 : i32
    %scan3A_5 = arith.addi %scan3A_3, %scan3A_4 : i32
    %scan3A_6 = arith.constant 1 : i32
    scf.for %scan3A_13 = %scan3A_3 to %scan3A_5 step %scan3A_6  : i32 {
      %dma_start3A = arith.constant 0 : i32
      %dma_start3A_14 = tpu.memref_slice %arg7[%scan3A_13, %dma_start3A] : memref<79x128xi32, #tpu.memory_space<vmem>> -> memref<1x128xi32, #tpu.memory_space<vmem>>
      %dma_start3A_15 = tpu.memref_squeeze %dma_start3A_14 : memref<1x128xi32, #tpu.memory_space<vmem>> -> memref<128xi32, #tpu.memory_space<vmem>>
      %dma_start3A_16 = arith.constant 0 : i32
      %dma_start3A_17 = arith.constant 0 : i32
      %dma_start3A_18 = tpu.memref_slice %arg2[%arg0, %dma_start3A_16, %dma_start3A_17] : memref<2x10240x128xf32, #tpu.memory_space<hbm>> -> memref<1x10240x128xf32, #tpu.memory_space<hbm>>
      %dma_start3A_19 = tpu.memref_squeeze %dma_start3A_18 : memref<1x10240x128xf32, #tpu.memory_space<hbm>> -> memref<10240x128xf32, #tpu.memory_space<hbm>>
      %dma_start3A_20 = arith.constant 0 : i32
      %dma_start3A_21 = arith.constant 0 : i32
      %dma_start3A_22 = tpu.memref_slice %dma_start3A_19[%dma_start3A_20, %dma_start3A_21] : memref<10240x128xf32, #tpu.memory_space<hbm>> -> memref<10240x128xf32, #tpu.memory_space<hbm>>
      tpu.enqueue_indirect_dma source(%dma_start3A_22 : memref<10240x128xf32, #tpu.memory_space<hbm>>) target(%arg9 : memref<128x128xf32, #tpu.memory_space<vmem>>) offsets(%dma_start3A_15 : memref<128xi32, #tpu.memory_space<vmem>>) semaphore(%arg10 : memref<!tpu.dma_semaphore, #tpu.memory_space<semaphore_mem>>)
      %dma_wait3A = arith.constant 0 : i32
      %dma_wait3A_23 = tpu.memref_slice %arg7[%scan3A_13, %dma_wait3A] : memref<79x128xi32, #tpu.memory_space<vmem>> -> memref<1x128xi32, #tpu.memory_space<vmem>>
      %dma_wait3A_24 = tpu.memref_squeeze %dma_wait3A_23 : memref<1x128xi32, #tpu.memory_space<vmem>> -> memref<128xi32, #tpu.memory_space<vmem>>
      %dma_wait3A_25 = arith.constant 0 : i32
      %dma_wait3A_26 = arith.constant 0 : i32
      %dma_wait3A_27 = tpu.memref_slice %arg2[%arg0, %dma_wait3A_25, %dma_wait3A_26] : memref<2x10240x128xf32, #tpu.memory_space<hbm>> -> memref<1x10240x128xf32, #tpu.memory_space<hbm>>
      %dma_wait3A_28 = tpu.memref_squeeze %dma_wait3A_27 : memref<1x10240x128xf32, #tpu.memory_space<hbm>> -> memref<10240x128xf32, #tpu.memory_space<hbm>>
      %dma_wait3A_29 = arith.constant 0 : i32
      %dma_wait3A_30 = arith.constant 0 : i32
      %dma_wait3A_31 = tpu.memref_slice %dma_wait3A_28[%dma_wait3A_29, %dma_wait3A_30] : memref<10240x128xf32, #tpu.memory_space<hbm>> -> memref<10240x128xf32, #tpu.memory_space<hbm>>
      tpu.wait_indirect_dma semaphore(%arg10 : memref<!tpu.dma_semaphore, #tpu.memory_space<semaphore_mem>>) src(%dma_wait3A_31 : memref<10240x128xf32, #tpu.memory_space<hbm>>) dst(%arg9 : memref<128x128xf32, #tpu.memory_space<vmem>>)
      "tpu.region"() ({
        %run_scoped3A = tpu.sem_alloc : memref<!tpu.dma_semaphore, #tpu.memory_space<semaphore_mem>>
        %dma_start3A_32 = arith.constant 0 : i32
        %dma_start3A_33 = tpu.memref_slice %arg8[%scan3A_13, %dma_start3A_32] : memref<79x128xi32, #tpu.memory_space<vmem>> -> memref<1x128xi32, #tpu.memory_space<vmem>>
        %dma_start3A_34 = tpu.memref_squeeze %dma_start3A_33 : memref<1x128xi32, #tpu.memory_space<vmem>> -> memref<128xi32, #tpu.memory_space<vmem>>
        %dma_start3A_35 = arith.constant 0 : i32
        %dma_start3A_36 = arith.constant 0 : i32
        %dma_start3A_37 = tpu.memref_slice %arg6[%dma_start3A_35, %dma_start3A_36] : memref<10240x128xf32, #tpu.memory_space<vmem_shared>> -> memref<10240x128xf32, #tpu.memory_space<vmem_shared>>
        tpu.enqueue_indirect_dma source(%arg9 : memref<128x128xf32, #tpu.memory_space<vmem>>) target(%dma_start3A_37 : memref<10240x128xf32, #tpu.memory_space<vmem_shared>>) offsets(%dma_start3A_34 : memref<128xi32, #tpu.memory_space<vmem>>) semaphore(%run_scoped3A : memref<!tpu.dma_semaphore, #tpu.memory_space<semaphore_mem>>) {add = true}
        %dma_wait3A_38 = arith.constant 0 : i32
        %dma_wait3A_39 = tpu.memref_slice %arg8[%scan3A_13, %dma_wait3A_38] : memref<79x128xi32, #tpu.memory_space<vmem>> -> memref<1x128xi32, #tpu.memory_space<vmem>>
        %dma_wait3A_40 = tpu.memref_squeeze %dma_wait3A_39 : memref<1x128xi32, #tpu.memory_space<vmem>> -> memref<128xi32, #tpu.memory_space<vmem>>
        %dma_wait3A_41 = arith.constant 0 : i32
        %dma_wait3A_42 = arith.constant 0 : i32
        %dma_wait3A_43 = tpu.memref_slice %arg6[%dma_wait3A_41, %dma_wait3A_42] : memref<10240x128xf32, #tpu.memory_space<vmem_shared>> -> memref<10240x128xf32, #tpu.memory_space<vmem_shared>>
        tpu.wait_indirect_dma semaphore(%run_scoped3A : memref<!tpu.dma_semaphore, #tpu.memory_space<semaphore_mem>>) src(%arg9 : memref<128x128xf32, #tpu.memory_space<vmem>>) dst(%dma_wait3A_43 : memref<10240x128xf32, #tpu.memory_space<vmem_shared>>)
        tpu.yield
      }) : () -> ()
    }
    %scan3A_7 = arith.constant 79 : i32
    %barrier3A_8 = arith.constant 0 : index
    tpu.barrier barrier_id(%barrier3A_8)
    %mul3A_9 = arith.constant 640 : i32
    %mul3A_10 = arith.muli %arg1, %mul3A_9 : i32
    %mul3A_11 = arith.constant 640 : i32
    %mul3A_12 = arith.muli %arg1, %mul3A_11 : i32
    "tpu.region"() ({
      %run_scoped3A = tpu.sem_alloc : memref<!tpu.dma_semaphore, #tpu.memory_space<semaphore_mem>>
      %dma_start3A = arith.constant 0 : i32
      %dma_start3A_13 = tpu.memref_slice %arg5[%arg0, %mul3A_12, %dma_start3A] : memref<2x10240x128xf32, #tpu.memory_space<hbm>> -> memref<1x640x128xf32, #tpu.memory_space<hbm>>
      %dma_start3A_14 = tpu.memref_squeeze %dma_start3A_13 : memref<1x640x128xf32, #tpu.memory_space<hbm>> -> memref<640x128xf32, #tpu.memory_space<hbm>>
      %dma_start3A_15 = arith.constant 0 : i32
      %dma_start3A_16 = tpu.memref_slice %arg6[%mul3A_10, %dma_start3A_15] : memref<10240x128xf32, #tpu.memory_space<vmem_shared>> -> memref<640x128xf32, #tpu.memory_space<vmem_shared>>
      tpu.enqueue_dma source(%dma_start3A_16 : memref<640x128xf32, #tpu.memory_space<vmem_shared>>) target(%dma_start3A_14 : memref<640x128xf32, #tpu.memory_space<hbm>>) target_semaphore(%run_scoped3A : memref<!tpu.dma_semaphore, #tpu.memory_space<semaphore_mem>>)
      %dma_wait3A = arith.constant 0 : i32
      %dma_wait3A_17 = tpu.memref_slice %arg5[%arg0, %mul3A_12, %dma_wait3A] : memref<2x10240x128xf32, #tpu.memory_space<hbm>> -> memref<1x640x128xf32, #tpu.memory_space<hbm>>
      %dma_wait3A_18 = tpu.memref_squeeze %dma_wait3A_17 : memref<1x640x128xf32, #tpu.memory_space<hbm>> -> memref<640x128xf32, #tpu.memory_space<hbm>>
      %dma_wait3A_19 = arith.constant 0 : i32
      %dma_wait3A_20 = tpu.memref_slice %arg6[%mul3A_10, %dma_wait3A_19] : memref<10240x128xf32, #tpu.memory_space<vmem_shared>> -> memref<640x128xf32, #tpu.memory_space<vmem_shared>>
      tpu.wait_dma2 semaphore(%run_scoped3A : memref<!tpu.dma_semaphore, #tpu.memory_space<semaphore_mem>>) src(%dma_wait3A_20 : memref<640x128xf32, #tpu.memory_space<vmem_shared>>) dst(%dma_wait3A_18 : memref<640x128xf32, #tpu.memory_space<hbm>>)
      tpu.yield
    }) : () -> ()
    return
  }
}

module attributes {stable_mosaic.version = 14 : i64} {
  func.func @body(%arg0: i32, %arg1: memref<256x256xf32, #tpu.memory_space<vmem>>, %arg2: memref<256x256xf32, #tpu.memory_space<vmem>>, %arg3: memref<1x256xf32, #tpu.memory_space<vmem>>, %arg4: memref<2x256x128xf32, #tpu.memory_space<vmem>>, %arg5: memref<2x256x128xf32, #tpu.memory_space<vmem>>) attributes {dimension_semantics = [#tpu.dimension_semantics<arbitrary>], iteration_bounds = array<i64: 40>, scalar_prefetch = 0 : i64, scratch_operands = 0 : i64, tpu.core_type = #tpu.core_type<tc>, window_params = [{transform_indices = @transform_0, window_bounds = array<i64: 256, 256>}, {pipeline_mode = #tpu.pipeline_mode<synchronous>, transform_indices = @transform_1, window_bounds = array<i64: 256, 256>}, {pipeline_mode = #tpu.pipeline_mode<synchronous>, transform_indices = @transform_2, window_bounds = array<i64: 1, 256>}, {transform_indices = @transform_3, window_bounds = array<i64: 2, 256, 128>}, {transform_indices = @transform_4, window_bounds = array<i64: 2, 256, 128>}]} {
    %get3A = arith.constant 0 : index
    %get3A_0 = arith.constant 0 : index
    %get3A_1 = arith.constant 0 : index
    %get3A_2 = vector.load %arg4[%get3A, %get3A_0, %get3A_1] : memref<2x256x128xf32, #tpu.memory_space<vmem>>, vector<1x256x1xf32>
    %get3A_3 = vector.shape_cast %get3A_2 : vector<1x256x1xf32> to vector<256x1xf32>
    %get3A_4 = arith.constant 1 : index
    %get3A_5 = arith.constant 0 : index
    %get3A_6 = arith.constant 0 : index
    %get3A_7 = vector.load %arg4[%get3A_4, %get3A_5, %get3A_6] : memref<2x256x128xf32, #tpu.memory_space<vmem>>, vector<1x256x1xf32>
    %get3A_8 = vector.shape_cast %get3A_7 : vector<1x256x1xf32> to vector<256x1xf32>
    %add3A = arith.addf %get3A_3, %get3A_8 : vector<256x1xf32>
    %add3A_9 = arith.constant 1.000000e+00 : f32
    %add3A_10 = vector.broadcast %add3A_9 : f32 to vector<256x1xf32>
    %add3A_11 = arith.addf %add3A, %add3A_10 : vector<256x1xf32>
    %iota3A = tpu.iota {dimensions = array<i32: 0>} : vector<256x1xi32>
    %mul3A = arith.constant 256 : i32
    %mul3A_12 = arith.muli %arg0, %mul3A : i32
    %add3A_13 = vector.broadcast %mul3A_12 : i32 to vector<256x1xi32>
    %add3A_14 = arith.addi %iota3A, %add3A_13 : vector<256x1xi32>
    %lt3A = arith.constant 10000 : i32
    %lt3A_15 = vector.broadcast %lt3A : i32 to vector<256x1xi32>
    %lt3A_16 = arith.cmpi slt, %add3A_14, %lt3A_15 : vector<256x1xi32>
    %rsqrt3A = math.rsqrt %add3A_11 : vector<256x1xf32>
    %jit3A = arith.constant 0.000000e+00 : f32
    %broadcast_in_dim3A = vector.broadcast %jit3A : f32 to vector<256x1xf32>
    %select_n3A = arith.select %lt3A_16, %rsqrt3A, %broadcast_in_dim3A : vector<256x1xi1>, vector<256x1xf32>
    %get3A_17 = arith.constant 0 : index
    %get3A_18 = arith.constant 0 : index
    %get3A_19 = vector.load %arg1[%get3A_17, %get3A_18] : memref<256x256xf32, #tpu.memory_space<vmem>>, vector<256x256xf32>
    %get3A_20 = arith.constant 0 : index
    %get3A_21 = arith.constant 0 : index
    %get3A_22 = vector.load %arg2[%get3A_20, %get3A_21] : memref<256x256xf32, #tpu.memory_space<vmem>>, vector<256x256xf32>
    %dot_general3A = arith.constant dense<0.000000e+00> : vector<256x256xf32>
    %dot_general3A_23 = tpu.matmul %get3A_19, %get3A_22, %dot_general3A {dimension_numbers = #tpu.dot_dimension_numbers<[1], [0], [0], [1], [0, 0, 1, 1], [], []>, transpose_lhs_hint = false} : vector<256x256xf32>, vector<256x256xf32>, vector<256x256xf32> -> vector<256x256xf32>
    %get3A_24 = arith.constant 0 : index
    %get3A_25 = arith.constant 0 : index
    %get3A_26 = vector.load %arg3[%get3A_24, %get3A_25] : memref<1x256xf32, #tpu.memory_space<vmem>>, vector<1x256xf32>
    %add3A_27 = vector.broadcast %get3A_26 : vector<1x256xf32> to vector<256x256xf32>
    %add3A_28 = arith.addf %dot_general3A_23, %add3A_27 : vector<256x256xf32>
    %mul3A_29 = vector.broadcast %select_n3A : vector<256x1xf32> to vector<256x256xf32>
    %mul3A_30 = arith.mulf %add3A_28, %mul3A_29 : vector<256x256xf32>
    %slice3A = vector.extract_strided_slice %mul3A_30 {offsets = [0, 0], sizes = [256, 128], strides = [1, 1]} : vector<256x256xf32> to vector<256x128xf32>
    %swap3A = arith.constant 0 : index
    %swap3A_31 = arith.constant 0 : index
    %swap3A_32 = arith.constant 0 : index
    %swap3A_33 = vector.load %arg5[%swap3A, %swap3A_31, %swap3A_32] : memref<2x256x128xf32, #tpu.memory_space<vmem>>, vector<1x256x128xf32>
    %swap3A_34 = vector.shape_cast %swap3A_33 : vector<1x256x128xf32> to vector<256x128xf32>
    %swap3A_35 = vector.shape_cast %slice3A : vector<256x128xf32> to vector<1x256x128xf32>
    tpu.vector_store %arg5[%swap3A, %swap3A_31, %swap3A_32], %swap3A_35 {strides = array<i32>} : memref<2x256x128xf32, #tpu.memory_space<vmem>>, vector<1x256x128xf32>,
    %slice3A_36 = vector.extract_strided_slice %mul3A_30 {offsets = [0, 128], sizes = [256, 128], strides = [1, 1]} : vector<256x256xf32> to vector<256x128xf32>
    %swap3A_37 = arith.constant 1 : index
    %swap3A_38 = arith.constant 0 : index
    %swap3A_39 = arith.constant 0 : index
    %swap3A_40 = vector.load %arg5[%swap3A_37, %swap3A_38, %swap3A_39] : memref<2x256x128xf32, #tpu.memory_space<vmem>>, vector<1x256x128xf32>
    %swap3A_41 = vector.shape_cast %swap3A_40 : vector<1x256x128xf32> to vector<256x128xf32>
    %swap3A_42 = vector.shape_cast %slice3A_36 : vector<256x128xf32> to vector<1x256x128xf32>
    tpu.vector_store %arg5[%swap3A_37, %swap3A_38, %swap3A_39], %swap3A_42 {strides = array<i32>} : memref<2x256x128xf32, #tpu.memory_space<vmem>>, vector<1x256x128xf32>,
    return
  }
  func.func @transform_0(%arg0: i32) -> (i32, i32) {
    %c0_i32 = arith.constant 0 : i32
    %c0_i32_0 = arith.constant 0 : i32
    return %arg0, %c0_i32 : i32, i32
  }
  func.func @transform_1(%arg0: i32) -> (i32, i32) {
    %c0_i32 = arith.constant 0 : i32
    %c0_i32_0 = arith.constant 0 : i32
    %c0_i32_1 = arith.constant 0 : i32
    return %c0_i32, %c0_i32_0 : i32, i32
  }
  func.func @transform_2(%arg0: i32) -> (i32, i32) {
    %c0_i32 = arith.constant 0 : i32
    %c0_i32_0 = arith.constant 0 : i32
    %c0_i32_1 = arith.constant 0 : i32
    return %c0_i32, %c0_i32_0 : i32, i32
  }
  func.func @transform_3(%arg0: i32) -> (i32, i32, i32) {
    %c0_i32 = arith.constant 0 : i32
    %c0_i32_0 = arith.constant 0 : i32
    %c0_i32_1 = arith.constant 0 : i32
    return %c0_i32, %arg0, %c0_i32_0 : i32, i32, i32
  }
  func.func @transform_4(%arg0: i32) -> (i32, i32, i32) {
    %c0_i32 = arith.constant 0 : i32
    %c0_i32_0 = arith.constant 0 : i32
    %c0_i32_1 = arith.constant 0 : i32
    return %c0_i32, %arg0, %c0_i32_0 : i32, i32, i32
  }
}

module attributes {stable_mosaic.version = 14 : i64} {
  func.func @body(%arg0: i32, %arg1: memref<2x256x128xf32, #tpu.memory_space<vmem>>, %arg2: memref<256x256xf32, #tpu.memory_space<vmem>>, %arg3: memref<1x256xf32, #tpu.memory_space<vmem>>, %arg4: memref<2x256x128xf32, #tpu.memory_space<vmem>>, %arg5: memref<2x256x128xf32, #tpu.memory_space<vmem>>) attributes {dimension_semantics = [#tpu.dimension_semantics<arbitrary>], iteration_bounds = array<i64: 40>, scalar_prefetch = 0 : i64, scratch_operands = 0 : i64, tpu.core_type = #tpu.core_type<tc>, window_params = [{transform_indices = @transform_0, window_bounds = array<i64: 2, 256, 128>}, {pipeline_mode = #tpu.pipeline_mode<synchronous>, transform_indices = @transform_1, window_bounds = array<i64: 256, 256>}, {pipeline_mode = #tpu.pipeline_mode<synchronous>, transform_indices = @transform_2, window_bounds = array<i64: 1, 256>}, {transform_indices = @transform_3, window_bounds = array<i64: 2, 256, 128>}, {transform_indices = @transform_4, window_bounds = array<i64: 2, 256, 128>}]} {
    %get3A = arith.constant 0 : index
    %get3A_0 = arith.constant 0 : index
    %get3A_1 = arith.constant 0 : index
    %get3A_2 = vector.load %arg4[%get3A, %get3A_0, %get3A_1] : memref<2x256x128xf32, #tpu.memory_space<vmem>>, vector<1x256x1xf32>
    %get3A_3 = vector.shape_cast %get3A_2 : vector<1x256x1xf32> to vector<256x1xf32>
    %get3A_4 = arith.constant 1 : index
    %get3A_5 = arith.constant 0 : index
    %get3A_6 = arith.constant 0 : index
    %get3A_7 = vector.load %arg4[%get3A_4, %get3A_5, %get3A_6] : memref<2x256x128xf32, #tpu.memory_space<vmem>>, vector<1x256x1xf32>
    %get3A_8 = vector.shape_cast %get3A_7 : vector<1x256x1xf32> to vector<256x1xf32>
    %add3A = arith.addf %get3A_3, %get3A_8 : vector<256x1xf32>
    %add3A_9 = arith.constant 1.000000e+00 : f32
    %add3A_10 = vector.broadcast %add3A_9 : f32 to vector<256x1xf32>
    %add3A_11 = arith.addf %add3A, %add3A_10 : vector<256x1xf32>
    %iota3A = tpu.iota {dimensions = array<i32: 0>} : vector<256x1xi32>
    %mul3A = arith.constant 256 : i32
    %mul3A_12 = arith.muli %arg0, %mul3A : i32
    %add3A_13 = vector.broadcast %mul3A_12 : i32 to vector<256x1xi32>
    %add3A_14 = arith.addi %iota3A, %add3A_13 : vector<256x1xi32>
    %lt3A = arith.constant 10000 : i32
    %lt3A_15 = vector.broadcast %lt3A : i32 to vector<256x1xi32>
    %lt3A_16 = arith.cmpi slt, %add3A_14, %lt3A_15 : vector<256x1xi32>
    %rsqrt3A = math.rsqrt %add3A_11 : vector<256x1xf32>
    %jit3A = arith.constant 0.000000e+00 : f32
    %broadcast_in_dim3A = vector.broadcast %jit3A : f32 to vector<256x1xf32>
    %select_n3A = arith.select %lt3A_16, %rsqrt3A, %broadcast_in_dim3A : vector<256x1xi1>, vector<256x1xf32>
    %get3A_17 = arith.constant 0 : index
    %get3A_18 = arith.constant 0 : index
    %get3A_19 = arith.constant 0 : index
    %get3A_20 = vector.load %arg1[%get3A_17, %get3A_18, %get3A_19] : memref<2x256x128xf32, #tpu.memory_space<vmem>>, vector<1x256x128xf32>
    %get3A_21 = vector.shape_cast %get3A_20 : vector<1x256x128xf32> to vector<256x128xf32>
    %get3A_22 = arith.constant 1 : index
    %get3A_23 = arith.constant 0 : index
    %get3A_24 = arith.constant 0 : index
    %get3A_25 = vector.load %arg1[%get3A_22, %get3A_23, %get3A_24] : memref<2x256x128xf32, #tpu.memory_space<vmem>>, vector<1x256x128xf32>
    %get3A_26 = vector.shape_cast %get3A_25 : vector<1x256x128xf32> to vector<256x128xf32>
    %concatenate3A = tpu.concatenate %get3A_21, %get3A_26 in 1 : vector<256x128xf32>, vector<256x128xf32> -> vector<256x256xf32>
    %mul3A_27 = vector.broadcast %select_n3A : vector<256x1xf32> to vector<256x256xf32>
    %mul3A_28 = arith.mulf %concatenate3A, %mul3A_27 : vector<256x256xf32>
    %max3A = arith.constant 0.000000e+00 : f32
    %max3A_29 = vector.broadcast %max3A : f32 to vector<256x256xf32>
    %max3A_30 = arith.maximumf %mul3A_28, %max3A_29 : vector<256x256xf32>
    %get3A_31 = arith.constant 0 : index
    %get3A_32 = arith.constant 0 : index
    %get3A_33 = vector.load %arg2[%get3A_31, %get3A_32] : memref<256x256xf32, #tpu.memory_space<vmem>>, vector<256x256xf32>
    %dot_general3A = arith.constant dense<0.000000e+00> : vector<256x256xf32>
    %dot_general3A_34 = tpu.matmul %max3A_30, %get3A_33, %dot_general3A {dimension_numbers = #tpu.dot_dimension_numbers<[1], [0], [0], [1], [0, 0, 1, 1], [], []>, transpose_lhs_hint = false} : vector<256x256xf32>, vector<256x256xf32>, vector<256x256xf32> -> vector<256x256xf32>
    %get3A_35 = arith.constant 0 : index
    %get3A_36 = arith.constant 0 : index
    %get3A_37 = vector.load %arg3[%get3A_35, %get3A_36] : memref<1x256xf32, #tpu.memory_space<vmem>>, vector<1x256xf32>
    %add3A_38 = vector.broadcast %get3A_37 : vector<1x256xf32> to vector<256x256xf32>
    %add3A_39 = arith.addf %dot_general3A_34, %add3A_38 : vector<256x256xf32>
    %mul3A_40 = vector.broadcast %select_n3A : vector<256x1xf32> to vector<256x256xf32>
    %mul3A_41 = arith.mulf %add3A_39, %mul3A_40 : vector<256x256xf32>
    %slice3A = vector.extract_strided_slice %mul3A_41 {offsets = [0, 0], sizes = [256, 128], strides = [1, 1]} : vector<256x256xf32> to vector<256x128xf32>
    %swap3A = arith.constant 0 : index
    %swap3A_42 = arith.constant 0 : index
    %swap3A_43 = arith.constant 0 : index
    %swap3A_44 = vector.load %arg5[%swap3A, %swap3A_42, %swap3A_43] : memref<2x256x128xf32, #tpu.memory_space<vmem>>, vector<1x256x128xf32>
    %swap3A_45 = vector.shape_cast %swap3A_44 : vector<1x256x128xf32> to vector<256x128xf32>
    %swap3A_46 = vector.shape_cast %slice3A : vector<256x128xf32> to vector<1x256x128xf32>
    tpu.vector_store %arg5[%swap3A, %swap3A_42, %swap3A_43], %swap3A_46 {strides = array<i32>} : memref<2x256x128xf32, #tpu.memory_space<vmem>>, vector<1x256x128xf32>,
    %slice3A_47 = vector.extract_strided_slice %mul3A_41 {offsets = [0, 128], sizes = [256, 128], strides = [1, 1]} : vector<256x256xf32> to vector<256x128xf32>
    %swap3A_48 = arith.constant 1 : index
    %swap3A_49 = arith.constant 0 : index
    %swap3A_50 = arith.constant 0 : index
    %swap3A_51 = vector.load %arg5[%swap3A_48, %swap3A_49, %swap3A_50] : memref<2x256x128xf32, #tpu.memory_space<vmem>>, vector<1x256x128xf32>
    %swap3A_52 = vector.shape_cast %swap3A_51 : vector<1x256x128xf32> to vector<256x128xf32>
    %swap3A_53 = vector.shape_cast %slice3A_47 : vector<256x128xf32> to vector<1x256x128xf32>
    tpu.vector_store %arg5[%swap3A_48, %swap3A_49, %swap3A_50], %swap3A_53 {strides = array<i32>} : memref<2x256x128xf32, #tpu.memory_space<vmem>>, vector<1x256x128xf32>,
    return
  }
  func.func @transform_0(%arg0: i32) -> (i32, i32, i32) {
    %c0_i32 = arith.constant 0 : i32
    %c0_i32_0 = arith.constant 0 : i32
    %c0_i32_1 = arith.constant 0 : i32
    return %c0_i32, %arg0, %c0_i32_0 : i32, i32, i32
  }
  func.func @transform_1(%arg0: i32) -> (i32, i32) {
    %c0_i32 = arith.constant 0 : i32
    %c0_i32_0 = arith.constant 0 : i32
    %c0_i32_1 = arith.constant 0 : i32
    return %c0_i32, %c0_i32_0 : i32, i32
  }
  func.func @transform_2(%arg0: i32) -> (i32, i32) {
    %c0_i32 = arith.constant 0 : i32
    %c0_i32_0 = arith.constant 0 : i32
    %c0_i32_1 = arith.constant 0 : i32
    return %c0_i32, %c0_i32_0 : i32, i32
  }
  func.func @transform_3(%arg0: i32) -> (i32, i32, i32) {
    %c0_i32 = arith.constant 0 : i32
    %c0_i32_0 = arith.constant 0 : i32
    %c0_i32_1 = arith.constant 0 : i32
    return %c0_i32, %arg0, %c0_i32_0 : i32, i32, i32
  }
  func.func @transform_4(%arg0: i32) -> (i32, i32, i32) {
    %c0_i32 = arith.constant 0 : i32
    %c0_i32_0 = arith.constant 0 : i32
    %c0_i32_1 = arith.constant 0 : i32
    return %c0_i32, %arg0, %c0_i32_0 : i32, i32, i32
  }
}

module attributes {stable_mosaic.version = 14 : i64} {
  func.func @body(%arg0: i32, %arg1: memref<2x256x128xf32, #tpu.memory_space<vmem>>, %arg2: memref<2x256x128xf32, #tpu.memory_space<vmem>>, %arg3: memref<2x256x256xf32, #tpu.memory_space<vmem>>) attributes {dimension_semantics = [#tpu.dimension_semantics<arbitrary>], iteration_bounds = array<i64: 40>, scalar_prefetch = 0 : i64, scratch_operands = 0 : i64, tpu.core_type = #tpu.core_type<tc>, window_params = [{transform_indices = @transform_0, window_bounds = array<i64: 2, 256, 128>}, {transform_indices = @transform_1, window_bounds = array<i64: 2, 256, 128>}, {transform_indices = @transform_2, window_bounds = array<i64: 2, 256, 256>}]} {
    %get3A = arith.constant 0 : index
    %get3A_0 = arith.constant 0 : index
    %get3A_1 = arith.constant 0 : index
    %get3A_2 = vector.load %arg2[%get3A, %get3A_0, %get3A_1] : memref<2x256x128xf32, #tpu.memory_space<vmem>>, vector<1x256x1xf32>
    %get3A_3 = vector.shape_cast %get3A_2 : vector<1x256x1xf32> to vector<256x1xf32>
    %get3A_4 = arith.constant 1 : index
    %get3A_5 = arith.constant 0 : index
    %get3A_6 = arith.constant 0 : index
    %get3A_7 = vector.load %arg2[%get3A_4, %get3A_5, %get3A_6] : memref<2x256x128xf32, #tpu.memory_space<vmem>>, vector<1x256x1xf32>
    %get3A_8 = vector.shape_cast %get3A_7 : vector<1x256x1xf32> to vector<256x1xf32>
    %add3A = arith.addf %get3A_3, %get3A_8 : vector<256x1xf32>
    %add3A_9 = arith.constant 1.000000e+00 : f32
    %add3A_10 = vector.broadcast %add3A_9 : f32 to vector<256x1xf32>
    %add3A_11 = arith.addf %add3A, %add3A_10 : vector<256x1xf32>
    %iota3A = tpu.iota {dimensions = array<i32: 0>} : vector<256x1xi32>
    %mul3A = arith.constant 256 : i32
    %mul3A_12 = arith.muli %arg0, %mul3A : i32
    %add3A_13 = vector.broadcast %mul3A_12 : i32 to vector<256x1xi32>
    %add3A_14 = arith.addi %iota3A, %add3A_13 : vector<256x1xi32>
    %lt3A = arith.constant 10000 : i32
    %lt3A_15 = vector.broadcast %lt3A : i32 to vector<256x1xi32>
    %lt3A_16 = arith.cmpi slt, %add3A_14, %lt3A_15 : vector<256x1xi32>
    %rsqrt3A = math.rsqrt %add3A_11 : vector<256x1xf32>
    %jit3A = arith.constant 0.000000e+00 : f32
    %broadcast_in_dim3A = vector.broadcast %jit3A : f32 to vector<256x1xf32>
    %select_n3A = arith.select %lt3A_16, %rsqrt3A, %broadcast_in_dim3A : vector<256x1xi1>, vector<256x1xf32>
    %get3A_17 = arith.constant 0 : index
    %get3A_18 = arith.constant 0 : index
    %get3A_19 = arith.constant 0 : index
    %get3A_20 = vector.load %arg1[%get3A_17, %get3A_18, %get3A_19] : memref<2x256x128xf32, #tpu.memory_space<vmem>>, vector<1x256x128xf32>
    %get3A_21 = vector.shape_cast %get3A_20 : vector<1x256x128xf32> to vector<256x128xf32>
    %get3A_22 = arith.constant 1 : index
    %get3A_23 = arith.constant 0 : index
    %get3A_24 = arith.constant 0 : index
    %get3A_25 = vector.load %arg1[%get3A_22, %get3A_23, %get3A_24] : memref<2x256x128xf32, #tpu.memory_space<vmem>>, vector<1x256x128xf32>
    %get3A_26 = vector.shape_cast %get3A_25 : vector<1x256x128xf32> to vector<256x128xf32>
    %concatenate3A = tpu.concatenate %get3A_21, %get3A_26 in 1 : vector<256x128xf32>, vector<256x128xf32> -> vector<256x256xf32>
    %mul3A_27 = vector.broadcast %select_n3A : vector<256x1xf32> to vector<256x256xf32>
    %mul3A_28 = arith.mulf %concatenate3A, %mul3A_27 : vector<256x256xf32>
    %mul3A_29 = arith.mulf %mul3A_28, %mul3A_28 : vector<256x256xf32>
    %reduce_sum3A = arith.constant dense<0.000000e+00> : vector<256xf32>
    %reduce_sum3A_30 = vector.multi_reduction <add>, %mul3A_29, %reduce_sum3A [1] : vector<256x256xf32> to vector<256xf32>
    %broadcast_in_dim3A_31 = vector.shape_cast %reduce_sum3A_30 : vector<256xf32> to vector<256x1xf32>
    %sqrt3A = math.sqrt %broadcast_in_dim3A_31 : vector<256x1xf32>
    %max3A = arith.constant 9.99999996E-13 : f32
    %max3A_32 = vector.broadcast %max3A : f32 to vector<256x1xf32>
    %max3A_33 = arith.maximumf %sqrt3A, %max3A_32 : vector<256x1xf32>
    %div3A = vector.broadcast %max3A_33 : vector<256x1xf32> to vector<256x256xf32>
    %div3A_34 = arith.divf %mul3A_28, %div3A : vector<256x256xf32>
    %swap3A = arith.constant 0 : index
    %swap3A_35 = arith.constant 0 : index
    %swap3A_36 = arith.constant 0 : index
    %swap3A_37 = vector.load %arg3[%swap3A, %swap3A_35, %swap3A_36] : memref<2x256x256xf32, #tpu.memory_space<vmem>>, vector<1x256x256xf32>
    %swap3A_38 = vector.shape_cast %swap3A_37 : vector<1x256x256xf32> to vector<256x256xf32>
    %swap3A_39 = vector.shape_cast %div3A_34 : vector<256x256xf32> to vector<1x256x256xf32>
    tpu.vector_store %arg3[%swap3A, %swap3A_35, %swap3A_36], %swap3A_39 {strides = array<i32>} : memref<2x256x256xf32, #tpu.memory_space<vmem>>, vector<1x256x256xf32>,
    %swap3A_40 = arith.constant 1 : index
    %swap3A_41 = arith.constant 0 : index
    %swap3A_42 = arith.constant 0 : index
    %swap3A_43 = vector.load %arg3[%swap3A_40, %swap3A_41, %swap3A_42] : memref<2x256x256xf32, #tpu.memory_space<vmem>>, vector<1x256x256xf32>
    %swap3A_44 = vector.shape_cast %swap3A_43 : vector<1x256x256xf32> to vector<256x256xf32>
    %swap3A_45 = vector.shape_cast %div3A_34 : vector<256x256xf32> to vector<1x256x256xf32>
    tpu.vector_store %arg3[%swap3A_40, %swap3A_41, %swap3A_42], %swap3A_45 {strides = array<i32>} : memref<2x256x256xf32, #tpu.memory_space<vmem>>, vector<1x256x256xf32>,
    return
  }
  func.func @transform_0(%arg0: i32) -> (i32, i32, i32) {
    %c0_i32 = arith.constant 0 : i32
    %c0_i32_0 = arith.constant 0 : i32
    %c0_i32_1 = arith.constant 0 : i32
    return %c0_i32, %arg0, %c0_i32_0 : i32, i32, i32
  }
  func.func @transform_1(%arg0: i32) -> (i32, i32, i32) {
    %c0_i32 = arith.constant 0 : i32
    %c0_i32_0 = arith.constant 0 : i32
    %c0_i32_1 = arith.constant 0 : i32
    return %c0_i32, %arg0, %c0_i32_0 : i32, i32, i32
  }
  func.func @transform_2(%arg0: i32) -> (i32, i32, i32) {
    %c0_i32 = arith.constant 0 : i32
    %c0_i32_0 = arith.constant 0 : i32
    %c0_i32_1 = arith.constant 0 : i32
    return %c0_i32, %arg0, %c0_i32_0 : i32, i32, i32
  }
}

module attributes {stable_mosaic.version = 14 : i64} {
  func.func @body(%arg0: i32, %arg1: memref<1x1x8000xf32, #tpu.memory_space<vmem>>, %arg2: memref<1x1x8000xf32, #tpu.memory_space<vmem>>, %arg3: memref<1x1x8000xi32, #tpu.memory_space<vmem>>, %arg4: memref<1x1x8000xi32, #tpu.memory_space<vmem>>, %arg5: memref<1x1x8000xi32, #tpu.memory_space<vmem>>, %arg6: memref<1x1x8000xi32, #tpu.memory_space<vmem>>, %arg7: memref<1x1x8000xf32, #tpu.memory_space<vmem>>, %arg8: memref<4xf32, #tpu.memory_space<smem>>) attributes {dimension_semantics = [#tpu.dimension_semantics<arbitrary>], iteration_bounds = array<i64: 20>, scalar_prefetch = 0 : i64, scratch_operands = 0 : i64, tpu.core_type = #tpu.core_type<tc>, window_params = [{transform_indices = @transform_0, window_bounds = array<i64: 1, 1, 8000>}, {transform_indices = @transform_1, window_bounds = array<i64: 1, 1, 8000>}, {transform_indices = @transform_2, window_bounds = array<i64: 1, 1, 8000>}, {transform_indices = @transform_3, window_bounds = array<i64: 1, 1, 8000>}, {transform_indices = @transform_4, window_bounds = array<i64: 1, 1, 8000>}, {transform_indices = @transform_5, window_bounds = array<i64: 1, 1, 8000>}, {transform_indices = @transform_6, window_bounds = array<i64: 1, 1, 8000>}, {transform_indices = @transform_7, window_bounds = array<i64: 4>}]} {
    %get3A = arith.constant 0 : index
    %get3A_0 = arith.constant 0 : index
    %get3A_1 = arith.constant 0 : index
    %get3A_2 = vector.load %arg1[%get3A, %get3A_0, %get3A_1] : memref<1x1x8000xf32, #tpu.memory_space<vmem>>, vector<1x1x8000xf32>
    %get3A_3 = vector.shape_cast %get3A_2 : vector<1x1x8000xf32> to vector<8000xf32>
    %get3A_4 = arith.constant 0 : index
    %get3A_5 = arith.constant 0 : index
    %get3A_6 = arith.constant 0 : index
    %get3A_7 = vector.load %arg2[%get3A_4, %get3A_5, %get3A_6] : memref<1x1x8000xf32, #tpu.memory_space<vmem>>, vector<1x1x8000xf32>
    %get3A_8 = vector.shape_cast %get3A_7 : vector<1x1x8000xf32> to vector<8000xf32>
    %get3A_9 = arith.constant 0 : index
    %get3A_10 = arith.constant 0 : index
    %get3A_11 = arith.constant 0 : index
    %get3A_12 = vector.load %arg3[%get3A_9, %get3A_10, %get3A_11] : memref<1x1x8000xi32, #tpu.memory_space<vmem>>, vector<1x1x8000xi32>
    %get3A_13 = vector.shape_cast %get3A_12 : vector<1x1x8000xi32> to vector<8000xi32>
    %get3A_14 = arith.constant 0 : index
    %get3A_15 = arith.constant 0 : index
    %get3A_16 = arith.constant 0 : index
    %get3A_17 = vector.load %arg4[%get3A_14, %get3A_15, %get3A_16] : memref<1x1x8000xi32, #tpu.memory_space<vmem>>, vector<1x1x8000xi32>
    %get3A_18 = vector.shape_cast %get3A_17 : vector<1x1x8000xi32> to vector<8000xi32>
    %lt3A = arith.cmpi slt, %get3A_13, %get3A_18 : vector<8000xi32>
    %convert_element_type3A = arith.extui %lt3A : vector<8000xi1> to vector<8000xi32>
    %convert_element_type3A_19 = arith.sitofp %convert_element_type3A : vector<8000xi32> to vector<8000xf32>
    %get3A_20 = arith.constant 0 : index
    %get3A_21 = arith.constant 0 : index
    %get3A_22 = arith.constant 0 : index
    %get3A_23 = vector.load %arg5[%get3A_20, %get3A_21, %get3A_22] : memref<1x1x8000xi32, #tpu.memory_space<vmem>>, vector<1x1x8000xi32>
    %get3A_24 = vector.shape_cast %get3A_23 : vector<1x1x8000xi32> to vector<8000xi32>
    %get3A_25 = arith.constant 0 : index
    %get3A_26 = arith.constant 0 : index
    %get3A_27 = arith.constant 0 : index
    %get3A_28 = vector.load %arg6[%get3A_25, %get3A_26, %get3A_27] : memref<1x1x8000xi32, #tpu.memory_space<vmem>>, vector<1x1x8000xi32>
    %get3A_29 = vector.shape_cast %get3A_28 : vector<1x1x8000xi32> to vector<8000xi32>
    %lt3A_30 = arith.cmpi slt, %get3A_24, %get3A_29 : vector<8000xi32>
    %convert_element_type3A_31 = arith.extui %lt3A_30 : vector<8000xi1> to vector<8000xi32>
    %convert_element_type3A_32 = arith.sitofp %convert_element_type3A_31 : vector<8000xi32> to vector<8000xf32>
    %max3A = arith.constant 0.000000e+00 : f32
    %max3A_33 = vector.broadcast %max3A : f32 to vector<8000xf32>
    %max3A_34 = arith.maximumf %get3A_3, %max3A_33 : vector<8000xf32>
    %lt3A_35 = arith.constant 1.000000e-01 : f32
    %lt3A_36 = vector.broadcast %lt3A_35 : f32 to vector<8000xf32>
    %lt3A_37 = arith.cmpf olt, %max3A_34, %lt3A_36 : vector<8000xf32>
    %jit3A = arith.constant 0.000000e+00 : f32
    %broadcast_in_dim3A = vector.broadcast %jit3A : f32 to vector<8000xf32>
    %select_n3A = arith.select %lt3A_37, %broadcast_in_dim3A, %max3A_34 : vector<8000xi1>, vector<8000xf32>
    %swap3A = arith.constant 0 : index
    %swap3A_38 = arith.constant 0 : index
    %swap3A_39 = arith.constant 0 : index
    %swap3A_40 = vector.load %arg7[%swap3A, %swap3A_38, %swap3A_39] : memref<1x1x8000xf32, #tpu.memory_space<vmem>>, vector<1x1x8000xf32>
    %swap3A_41 = vector.shape_cast %swap3A_40 : vector<1x1x8000xf32> to vector<8000xf32>
    %swap3A_42 = vector.shape_cast %select_n3A : vector<8000xf32> to vector<1x1x8000xf32>
    tpu.vector_store %arg7[%swap3A, %swap3A_38, %swap3A_39], %swap3A_42 {strides = array<i32>} : memref<1x1x8000xf32, #tpu.memory_space<vmem>>, vector<1x1x8000xf32>,
    %eq3A = arith.constant 0 : i32
    %eq3A_43 = arith.cmpi eq, %arg0, %eq3A : i32
    %convert_element_type3A_44 = arith.extui %eq3A_43 : i1 to i32
    %cond3A = arith.constant 0 : i32
    %cond3A_45 = arith.cmpi ne, %convert_element_type3A_44, %cond3A : i32
    scf.if %cond3A_45 {
      %swap3A_88 = arith.constant 0.000000e+00 : f32
      %swap3A_89 = arith.constant 0 : index
      %swap3A_90 = memref.load %arg8[%swap3A_89] : memref<4xf32, #tpu.memory_space<smem>>
      memref.store %swap3A_88, %arg8[%swap3A_89] : memref<4xf32, #tpu.memory_space<smem>>
      %swap3A_91 = arith.constant 0.000000e+00 : f32
      %swap3A_92 = arith.constant 1 : index
      %swap3A_93 = memref.load %arg8[%swap3A_92] : memref<4xf32, #tpu.memory_space<smem>>
      memref.store %swap3A_91, %arg8[%swap3A_92] : memref<4xf32, #tpu.memory_space<smem>>
      %swap3A_94 = arith.constant 0.000000e+00 : f32
      %swap3A_95 = arith.constant 2 : index
      %swap3A_96 = memref.load %arg8[%swap3A_95] : memref<4xf32, #tpu.memory_space<smem>>
      memref.store %swap3A_94, %arg8[%swap3A_95] : memref<4xf32, #tpu.memory_space<smem>>
      %swap3A_97 = arith.constant 0.000000e+00 : f32
      %swap3A_98 = arith.constant 3 : index
      %swap3A_99 = memref.load %arg8[%swap3A_98] : memref<4xf32, #tpu.memory_space<smem>>
      memref.store %swap3A_97, %arg8[%swap3A_98] : memref<4xf32, #tpu.memory_space<smem>>
    } else {
    }
    %get3A_46 = arith.constant 0 : index
    %get3A_47 = memref.load %arg8[%get3A_46] : memref<4xf32, #tpu.memory_space<smem>>
    %sub3A = arith.constant 1.000000e+00 : f32
    %sub3A_48 = vector.broadcast %sub3A : f32 to vector<8000xf32>
    %sub3A_49 = arith.subf %get3A_3, %sub3A_48 : vector<8000xf32>
    %integer_pow3A = arith.mulf %sub3A_49, %sub3A_49 : vector<8000xf32>
    %mul3A = arith.mulf %convert_element_type3A_19, %integer_pow3A : vector<8000xf32>
    %reduce_sum3A = vector.shape_cast %mul3A : vector<8000xf32> to vector<1x8000xf32>
    %reduce_sum3A_50 = arith.constant dense<0.000000e+00> : vector<1xf32>
    %reduce_sum3A_51 = vector.multi_reduction <add>, %reduce_sum3A, %reduce_sum3A_50 [1] : vector<1x8000xf32> to vector<1xf32>
    %reduce_sum3A_52 = vector.shape_cast %reduce_sum3A_51 : vector<1xf32> to vector<1x1xf32>
    %reduce_sum3A_53 = vector.extract %reduce_sum3A_52[0, 0] : f32 from vector<1x1xf32>
    %add3A = arith.addf %get3A_47, %reduce_sum3A_53 : f32
    %swap3A_54 = arith.constant 0 : index
    %swap3A_55 = memref.load %arg8[%swap3A_54] : memref<4xf32, #tpu.memory_space<smem>>
    memref.store %add3A, %arg8[%swap3A_54] : memref<4xf32, #tpu.memory_space<smem>>
    %get3A_56 = arith.constant 1 : index
    %get3A_57 = memref.load %arg8[%get3A_56] : memref<4xf32, #tpu.memory_space<smem>>
    %mul3A_58 = arith.mulf %convert_element_type3A_32, %get3A_8 : vector<8000xf32>
    %mul3A_59 = arith.mulf %mul3A_58, %get3A_8 : vector<8000xf32>
    %reduce_sum3A_60 = vector.shape_cast %mul3A_59 : vector<8000xf32> to vector<1x8000xf32>
    %reduce_sum3A_61 = arith.constant dense<0.000000e+00> : vector<1xf32>
    %reduce_sum3A_62 = vector.multi_reduction <add>, %reduce_sum3A_60, %reduce_sum3A_61 [1] : vector<1x8000xf32> to vector<1xf32>
    %reduce_sum3A_63 = vector.shape_cast %reduce_sum3A_62 : vector<1xf32> to vector<1x1xf32>
    %reduce_sum3A_64 = vector.extract %reduce_sum3A_63[0, 0] : f32 from vector<1x1xf32>
    %add3A_65 = arith.addf %get3A_57, %reduce_sum3A_64 : f32
    %swap3A_66 = arith.constant 1 : index
    %swap3A_67 = memref.load %arg8[%swap3A_66] : memref<4xf32, #tpu.memory_space<smem>>
    memref.store %add3A_65, %arg8[%swap3A_66] : memref<4xf32, #tpu.memory_space<smem>>
    %get3A_68 = arith.constant 2 : index
    %get3A_69 = memref.load %arg8[%get3A_68] : memref<4xf32, #tpu.memory_space<smem>>
    %reduce_sum3A_70 = vector.shape_cast %convert_element_type3A_19 : vector<8000xf32> to vector<1x8000xf32>
    %reduce_sum3A_71 = arith.constant dense<0.000000e+00> : vector<1xf32>
    %reduce_sum3A_72 = vector.multi_reduction <add>, %reduce_sum3A_70, %reduce_sum3A_71 [1] : vector<1x8000xf32> to vector<1xf32>
    %reduce_sum3A_73 = vector.shape_cast %reduce_sum3A_72 : vector<1xf32> to vector<1x1xf32>
    %reduce_sum3A_74 = vector.extract %reduce_sum3A_73[0, 0] : f32 from vector<1x1xf32>
    %add3A_75 = arith.addf %get3A_69, %reduce_sum3A_74 : f32
    %swap3A_76 = arith.constant 2 : index
    %swap3A_77 = memref.load %arg8[%swap3A_76] : memref<4xf32, #tpu.memory_space<smem>>
    memref.store %add3A_75, %arg8[%swap3A_76] : memref<4xf32, #tpu.memory_space<smem>>
    %get3A_78 = arith.constant 3 : index
    %get3A_79 = memref.load %arg8[%get3A_78] : memref<4xf32, #tpu.memory_space<smem>>
    %reduce_sum3A_80 = vector.shape_cast %convert_element_type3A_32 : vector<8000xf32> to vector<1x8000xf32>
    %reduce_sum3A_81 = arith.constant dense<0.000000e+00> : vector<1xf32>
    %reduce_sum3A_82 = vector.multi_reduction <add>, %reduce_sum3A_80, %reduce_sum3A_81 [1] : vector<1x8000xf32> to vector<1xf32>
    %reduce_sum3A_83 = vector.shape_cast %reduce_sum3A_82 : vector<1xf32> to vector<1x1xf32>
    %reduce_sum3A_84 = vector.extract %reduce_sum3A_83[0, 0] : f32 from vector<1x1xf32>
    %add3A_85 = arith.addf %get3A_79, %reduce_sum3A_84 : f32
    %swap3A_86 = arith.constant 3 : index
    %swap3A_87 = memref.load %arg8[%swap3A_86] : memref<4xf32, #tpu.memory_space<smem>>
    memref.store %add3A_85, %arg8[%swap3A_86] : memref<4xf32, #tpu.memory_space<smem>>
    return
  }
  func.func @transform_0(%arg0: i32) -> (i32, i32, i32) {
    %c0_i32 = arith.constant 0 : i32
    %c0_i32_0 = arith.constant 0 : i32
    %c0_i32_1 = arith.constant 0 : i32
    return %arg0, %c0_i32, %c0_i32_0 : i32, i32, i32
  }
  func.func @transform_1(%arg0: i32) -> (i32, i32, i32) {
    %c0_i32 = arith.constant 0 : i32
    %c0_i32_0 = arith.constant 0 : i32
    %c0_i32_1 = arith.constant 0 : i32
    return %arg0, %c0_i32, %c0_i32_0 : i32, i32, i32
  }
  func.func @transform_2(%arg0: i32) -> (i32, i32, i32) {
    %c0_i32 = arith.constant 0 : i32
    %c0_i32_0 = arith.constant 0 : i32
    %c0_i32_1 = arith.constant 0 : i32
    return %arg0, %c0_i32, %c0_i32_0 : i32, i32, i32
  }
  func.func @transform_3(%arg0: i32) -> (i32, i32, i32) {
    %c0_i32 = arith.constant 0 : i32
    %c0_i32_0 = arith.constant 0 : i32
    %c0_i32_1 = arith.constant 0 : i32
    return %arg0, %c0_i32, %c0_i32_0 : i32, i32, i32
  }
  func.func @transform_4(%arg0: i32) -> (i32, i32, i32) {
    %c0_i32 = arith.constant 0 : i32
    %c0_i32_0 = arith.constant 0 : i32
    %c0_i32_1 = arith.constant 0 : i32
    return %arg0, %c0_i32, %c0_i32_0 : i32, i32, i32
  }
  func.func @transform_5(%arg0: i32) -> (i32, i32, i32) {
    %c0_i32 = arith.constant 0 : i32
    %c0_i32_0 = arith.constant 0 : i32
    %c0_i32_1 = arith.constant 0 : i32
    return %arg0, %c0_i32, %c0_i32_0 : i32, i32, i32
  }
  func.func @transform_6(%arg0: i32) -> (i32, i32, i32) {
    %c0_i32 = arith.constant 0 : i32
    %c0_i32_0 = arith.constant 0 : i32
    %c0_i32_1 = arith.constant 0 : i32
    return %arg0, %c0_i32, %c0_i32_0 : i32, i32, i32
  }
  func.func @transform_7(%arg0: i32) -> i32 {
    %c0_i32 = arith.constant 0 : i32
    %c0_i32_0 = arith.constant 0 : i32
    return %c0_i32 : i32
  }
}

</mosaic_0001>

<sc_bundles>
// kernel: kernel.10.cloned.1.call-start
scs
__scs_entry_jumppad:
0x0: {  	(pc) =	sbr.rel $0x88, $3  }
0x1: {  	(tag) =	ssettag $0x0;
	lr =	simm.s32 $0x1  }
0x2: {  	[smem:$0x3F9A] =	sst lr;
	_ =	strace $0xD0000000  }
0x3: {  	_ = 	snop  }
0x4: {  	_ = 	snop  }
0x5: {  	_ = 	snop  }
0x6: {  	_ = 	snop  }
0x7: {  	_ = 	snop  }
__scs_overlays_trampoline_lowered:
0x8: {  	[smem:$0x3FA9] =	sst s0  }
0x9: {  	[smem:$0x3FAA] =	sst s1  }
0xa: {  	[smem:$0x3FAB] =	sst s2  }
0xb: {  	[smem:$0x3FAC] =	sst s3  }
0xc: {  	[smem:$0x3FAD] =	sst s4  }
0xd: {  	[smem:$0x3FAE] =	sst s5  }
0xe: {  	[smem:$0x3FAF] =	sst s6  }
0xf: {  	[smem:$0x3FB0] =	sst s7  }
0x10: {  	[smem:$0x3FB1] =	sst s8  }
0x11: {  	[smem:$0x3FB2] =	sst s9;
	s0 =	simm.s32 @!p0 $0x0  }
0x12: {  	s1 =	sld [smem:$0x3F98];
	s0 =	simm.s32 @p0 $0x1  }
0x13: {  	[smem:$0x3FB3] =	sst s0;
	s0 =	simm.s32 @!p1 $0x0  }
0x14: {  	s2 =	sld [smem:$0x3F97];
	s0 =	simm.s32 @p1 $0x1  }
0x15: {  	[smem:$0x3FB4] =	sst s0;
	s0 =	simm.s32 @!p2 $0x0  }
0x16: {  	s3 =	sld [smem:$0x3FDB];
	s0 =	simm.s32 @p2 $0x1  }
0x17: {  	s4 =	simm.s32 $0x1BF5;
	[smem:$0x3FB6] =	sst s0  }
0x18: {  	s0 =	sld [smem:$0x3F99];
	_ =	swait.ge [sflag:s4], $0x0  }
0x19: {  	s7 =	sld [smem:$0x3F9A]  }
0x1a: {  	s8 =	sadd.s32 $0xFFFFE003, lr  }
0x1b: {  	s9 =	sadd.s32 $0xFFFFFEF7, lr;
	s5 =	simm.s32 $0xFFFFFFFF;
	p2 =	slt.u32 s8, $0xFFFFF086  }
0x1c: {  	p1 =	slt.u32 s9, $0xF7A;
	s5 =	simm.s32 @!p2 $0x0  }
0x1d: {  	s5 =	simm.s32 @p1 $0x1;
	p0 =	seq.s32 s7, s2  }
0x1e: {  	s7 =	smul.u32 @!p0 $0xF7A, s2;
	p2 =	seq.s32 @!p0 s5, $0x0  }
0x1f: {  	s9 =	smul.u32 $0xF7A, s1;
	s8 =	simm.s32 @!p0 $0x1BF5;
	p2 =	por !p2, p0  }
0x20: {  	[sflag:s8] =	ssyncset.s32 @!p0 $0xFFFFF086;
	s6 =	sadd.s32 @!p0 s3, s7;
	s7 =	simm.s32 @!p0 $0x108  }
0x21: {  	s3 =	sadd.s32 s3, s9;
	s6 =	sadd.s32 @!p0 $0x88, s6;
	s7 =	simm.s32 @p2 $0x1082  }
0x22: {  	[simem:s7], [sflag:s8] =	dma.local @!p0 [hbm:s6], $0xF7A  }
0x23: {  	s9 =	sor.u32 $0xD0000000, s2;
	s6 =	simm.s32 $0x108;
	_ =	swait.ge @!p0 [sflag:s8], $0x0  }
0x24: {  	s3 =	sadd.s32 $0x88, s3;
	s6 =	simm.s32 @!p1 $0x1082;
	[sflag:s4] =	ssyncset.s32 $0xFFFFF086  }
0x25: {  	[simem:s6], [sflag:s4] =	dma.local [hbm:s3], $0xF7A  }
0x26: {  	[smem:$0x3F9A] =	sst s1;
	(tag) =	ssettag s2;
	_ =	strace s9  }
0x27: {  	s1 =	sld [smem:$0x3FAA]  }
0x28: {  	s2 =	sld [smem:$0x3FAB]  }
0x29: {  	s4 =	sld [smem:$0x3FAD]  }
0x2a: {  	p0 =	seq.s32 s5, $0x0;
	s5 =	sld [smem:$0x3FAE]  }
0x2b: {  	s6 =	sld [smem:$0x3FAF]  }
0x2c: {  	s7 =	sld [smem:$0x3FB0]  }
0x2d: {  	s3 =	simm.s32 $0x108;
	s8 =	sld [smem:$0x3FB1]  }
0x2e: {  	s3 =	simm.s32 @!p0 $0x1082;
	s9 =	sld [smem:$0x3FB2]  }
0x2f: {  	lr =	sadd.s32 s0, s3;
	s0 =	sld [smem:$0x3FA9]  }
0x30: {  	s3 =	sld [smem:$0x3FAC]  }
0x31: {  	[smem:$0x3FB5] =	sst s10  }
0x32: {  	s10 =	sld [smem:$0x3FB3];
	_ =	sdelay $0x3  }
0x33: {  	p0 =	seq.s32 s10, $0x1;
	s10 =	sld [smem:$0x3FB5];
	_ =	sdelay $0x3  }
0x34: {  	[smem:$0x3FB5] =	sst s10  }
0x35: {  	s10 =	sld [smem:$0x3FB4];
	_ =	sdelay $0x3  }
0x36: {  	p1 =	seq.s32 s10, $0x1;
	s10 =	sld [smem:$0x3FB5];
	_ =	sdelay $0x3  }
0x37: {  	[smem:$0x3FB5] =	sst s10  }
0x38: {  	s10 =	sld [smem:$0x3FB6]  }
0x39: {  	_ = 	snop;
	(pc) =	sbr.ind lr, $3  }
0x3a: {  	_ = 	snop  }
0x3b: {  	_ = 	snop  }
0x3c: {  	p2 =	seq.s32 s10, $0x1;
	s10 =	sld [smem:$0x3FB5]  }
0x3d: {  	_ =	shalt  }
0x3e: {  	_ =	shalt  }
0x3f: {  	_ =	shalt  }
0x40: {  	_ =	shalt  }
0x41: {  	_ =	shalt  }
0x42: {  	_ =	shalt  }
0x43: {  	_ =	shalt  }
0x44: {  	_ =	shalt  }
0x45: {  	_ =	shalt  }
0x46: {  	_ =	shalt  }
0x47: {  	_ =	shalt  }
0x48: {  	_ =	shalt  }
0x49: {  	_ =	shalt  }
0x4a: {  	_ =	shalt  }
0x4b: {  	_ =	shalt  }
0x4c: {  	_ =	shalt  }
0x4d: {  	_ =	shalt  }
0x4e: {  	_ =	shalt  }
0x4f: {  	_ =	shalt  }
0x50: {  	_ =	shalt  }
0x51: {  	_ =	shalt  }
0x52: {  	_ =	shalt  }
0x53: {  	_ =	shalt  }
0x54: {  	_ =	shalt  }
0x55: {  	_ =	shalt  }
0x56: {  	_ =	shalt  }
0x57: {  	_ =	shalt  }
0x58: {  	_ =	shalt  }
0x59: {  	_ =	shalt  }
0x5a: {  	_ =	shalt  }
0x5b: {  	_ =	shalt  }
0x5c: {  	_ =	shalt  }
0x5d: {  	_ =	shalt  }
0x5e: {  	_ =	shalt  }
0x5f: {  	_ =	shalt  }
0x60: {  	_ =	shalt  }
0x61: {  	_ =	shalt  }
0x62: {  	_ =	shalt  }
0x63: {  	_ =	shalt  }
0x64: {  	_ =	shalt  }
0x65: {  	_ =	shalt  }
0x66: {  	_ =	shalt  }
0x67: {  	_ =	shalt  }
0x68: {  	_ =	shalt  }
0x69: {  	_ =	shalt  }
0x6a: {  	_ =	shalt  }
0x6b: {  	_ =	shalt  }
0x6c: {  	_ =	shalt  }
0x6d: {  	_ =	shalt  }
0x6e: {  	_ =	shalt  }
0x6f: {  	_ =	shalt  }
0x70: {  	_ =	shalt  }
0x71: {  	_ =	shalt  }
0x72: {  	_ =	shalt  }
0x73: {  	_ =	shalt  }
0x74: {  	_ =	shalt  }
0x75: {  	_ =	shalt  }
0x76: {  	_ =	shalt  }
0x77: {  	_ =	shalt  }
0x78: {  	_ =	shalt  }
0x79: {  	_ =	shalt  }
0x7a: {  	_ =	shalt  }
0x7b: {  	_ =	shalt  }
0x7c: {  	_ =	shalt  }
0x7d: {  	_ =	shalt  }
0x7e: {  	_ =	shalt  }
0x7f: {  	_ =	shalt  }
0x80: {  	_ =	shalt  }
0x81: {  	_ =	shalt  }
0x82: {  	_ =	shalt  }
0x83: {  	_ =	shalt  }
0x84: {  	_ =	shalt  }
0x85: {  	_ =	shalt  }
0x86: {  	_ =	shalt  }
0x87: {  	_ =	shalt  }
.Lfunc_end0:
.L_simem_size_0:
called_computation_lowered:
.L_overlay_start_0:
0x88: {  	s2 =	sld [smem:$0x3FD9]  }
0x89: {  	s3 =	sld [smem:$0x3FFE];
	_ =	sdelay $0x1  }
0x8a: {  	s1 =	srdreg.scid  }
0x8b: {  	s0 =	sand.u32 $0x1, s1  }
0x8c: {  	s14 =	sshll.u32 s0, $0xA;
	s2 =	sadd.s32 s3, s2  }
0x8d: {  	s2 =	sadd.s32 s2, s14  }
0x8e: {  	[smem:$0x3FC1] =	sst s2  }
0x8f: {  	_ = 	snop  }
0x90: {  	s2 =	sld [smem:$0x3FD0];
	_ =	sdelay $0x2  }
0x91: {  	s15 =	simm.s32 $0xA;
	s4 =	simm.s32 $0x10  }
0x92: {  	[smem:s4], [sflag:s15] =	dma.local [hbm:s2], $0x1  }
0x93: {  	_ =	swait.eq [sflag:s15], $0x1  }
0x94: {  	[sflag:s15] =	ssyncset.done $0x0  }
0x95: {  	s16 =	sld [smem:$0x10];
	[sflag:s15] =	ssyncadd.s32 $0xFFFFFFFF  }
0x96: {  	s17 =	sld [smem:$0x12];
	(tm) =	ssettm $0x1  }
0x97: {  	s18 =	sld [smem:$0x3FFB];
	_ =	sdelay $0x3  }
0x98: {  	_ =	strace s18  }
0x99: {  	s4 =	sld [smem:$0x3FFC];
	_ =	sdelay $0x3  }
0x9a: {  	_ =	strace s4  }
0x9b: {  	s4 =	sld [smem:$0x3FFD];
	_ =	sdelay $0x3  }
0x9c: {  	_ =	strace s4  }
0x9d: {  	_ =	strace $0x8FFFFFFF  }
0x9e: {  	s19 =	sld [smem:$0x3FDB];
	_ =	sdelay $0x1  }
0x9f: {  	s5 =	simm.s32 $_scs_section_size  }
0xa0: {  	s6 =	simm.s32 $_size__tile_overlayer_lowered;
	s7 =	simm.s32 $_tile_overlayer_lowered  }
0xa1: {  	s22 =	simm.s32 $0x1BFF;
	s21 =	sshll.u32 s7, $0x1;
	s4 =	sadd.s32 s5, s19  }
0xa2: {  	s8 =	simm.s32 $0x0;
	s20 =	sshll.u32 s6, $0x1;
	s6 =	sadd.s32 s21, s4  }
0xa3: {  	[timem:s8], [sflag:s22] =	dma.local [hbm:s6], s20  }
0xa4: {  	_ =	swait.ge [sflag:s22], s20  }
0xa5: {  	s5 =	ssub.s32 $0x0, s20;
	[sflag:s22] =	ssyncset.done $0x0  }
0xa6: {  	[sflag:s22] =	ssyncadd.s32 s5;
	_ =	sdelay $0x1  }
0xa7: {  	s23 =	simm.s32 $0x1B8B  }
0xa8: {  	_ =	swait.ge [sflag:s23], $0x1  }
0xa9: {  	[sflag:s23] =	ssyncset.done $0x0  }
0xaa: {  	s25 =	simm.s32 $0x1B8E;
	s24 =	sld [smem:$0x3FFE];
	[sflag:s23] =	ssyncadd.s32 $0xFFFFFFFF  }
0xab: {  	s26 =	simm.s32 $execute0_lowered;
	[smem:$0x3FD2] =	sst s25  }
0xac: {  	s6 =	sshll.u32 s26, $0x1;
	_ =	strace $0x80000046;
	[dreg:$0x1] =	wrdreg $0xFFFFFFFF  }
0xad: {  	s28 =	simm.s32 $_size_execute0_lowered;
	s4 =	sadd.s32 s4, s6;
	[dreg:$0x0] =	wrdreg $0x0  }
0xae: {  	s6 =	sshll.u32 s28, $0x1;
	[dreg:$0x2] =	wrdreg s4  }
0xaf: {  	[dreg:$0x3] =	wrdreg s6  }
0xb0: {  	[dreg:$0x4] =	wrdreg $0xC0  }
0xb1: {  	_ =	task [dreg:s8], $0x5FFFF  }
0xb2: {  	[dreg:$0x1] =	wrdreg $0xFFFFFFFF  }
0xb3: {  	[dreg:$0x0] =	wrdreg $0x60  }
0xb4: {  	[dreg:$0x2] =	wrdreg s16  }
0xb5: {  	[dreg:$0x3] =	wrdreg s17  }
0xb6: {  	[dreg:$0x4] =	wrdreg s24  }
0xb7: {  	[dreg:$0x5] =	wrdreg $0x0  }
0xb8: {  	[dreg:$0x6] =	wrdreg $0x9  }
0xb9: {  	_ =	task.clear_ibuf [dreg:s8], $0x7FFFF;
	_ =	strace $0x90000046  }
0xba: {  	s29 =	simm.s32 $0x9;
	_ =	strace $0x80000048  }
0xbb: {  	_ =	swait.ge [sflag:s29], $0x1  }
0xbc: {  	[sflag:s29] =	ssyncadd.s32 $0xFFFFFFFF  }
0xbd: {  	_ =	strace $0x90000048  }
0xbe: {  	_ =	sfence  }
0xbf: {  	s30 =	sld [smem:$0x0];
	_ =	sdelay $0x2  }
0xc0: {  	s31 =	sshll.u32 s1, $0xD;
	s1 =	sshrl.u32 s1, $0x2  }
0xc1: {  	s3 =	sand.u32 $0x4000, s31;
	s1 =	sadd.s32 s1, s30  }
0xc2: {  	s0 =	sor.u32 s3, s0;
	s1 =	sshll.u32 s1, $0x11  }
0xc3: {  	s0 =	sor.u32 s1, s0  }
0xc4: {  	s0 =	sadd.s32 $0x8F2B, s0  }
0xc5: {  	[sflag:s0] =	ssyncadd.remote.s32 $0x1  }
0xc6: {  	_ =	sfence.sel $0xFFFF  }
0xc7: {  	[dreg:$0x0] =	wrdreg $0xFFFFFFFF;
	(pc) =	sbr.abs _section_cstart, $3  }
0xc8: {  	[dreg:$0x1] =	wrdreg $0xFFFFFFFF  }
0xc9: {  	_ =	task.clear_ibuf [dreg:s8], $0x2FFFF;
	_ =	strace $0x9FFFFFFF  }
0xca: {  	(tm) =	ssettm $0x7FFFFFFF  }
0xcb: {  	_ =	shalt  }
tec
execute0_lowered:
.L_overlay_start_1:
0x0: {  	(tag) =	ssettag $0x1  }
0x1: {  	s7 =	rddreg [dreg:$0x0]  }
0x2: {  	s1 =	rddreg [dreg:$0x1]  }
0x3: {  	s6 =	rddreg [dreg:$0x2]  }
0x4: {  	s3 =	rddreg [dreg:$0x3]  }
0x5: {  	s0 =	srdreg.scid;
	s2 =	rddreg [dreg:$0x4];
	s4 =	simm.s32 $0x0  }
0x6: {  	s13 =	simm.s32 $0x14000;
	s8 =	sand.u32 $0x1, s0;
	s0 =	stileid.u32  }
0x7: {  	s14 =	simm.s32 $0x80;
	[smem:$0x7FF] =	sst s4;
	s5 =	smul.u32 $0x140000, s8  }
0x8: {  	s15 =	simm.s32 $0x0;
	s9 =	smul.u32 $0x14000, s0;
	_ =	strace $0x80000047  }
0x9: {  	s10 =	ssub.s32 $0x2, s8;
	s11 =	smul.u32 $0x50000, s0;
	s8 =	sshll.u32 s8, $0x4  }
0xa: {  	s12 =	sshll.u32 s0, $0x6;
	s31 =	sshrl.u32 s10, $0x1;
	s8 =	sor.u32 s0, s8  }
0xb: {  	s9 =	sadd.s32 s9, s5;
	s5 =	sadd.s32 $0x2A00, s6;
	s11 =	sshrl.u32 s11, $0x2  }
0xc: {  	s8 =	smul.u32 $0x280, s8;
	s10 =	ssub.s32 s10, s31;
	s9 =	sshrl.u32 s9, $0x3  }
0xd: {  	s11 =	sadd.s32 s11, s3;
	s9 =	sadd.s32 s9, s6;
	s6 =	sor.u32 $0x1C01, s12  }
0xe: {  	s7 =	sadd.s32 s7, s8;
	s12 =	simm.s32 $0x15400;
	s8 =	sadd.s32 $0x3200, s9  }
0xf: {  	s9 =	smax.u32 s10, $0x1;
	s10 =	sshrl.u32 s11, $0x3;
	s11 =	simm.s32 $0x1  }
.LBB2_1:
0x10: {  	[spmem:s10], [sflag:s6] =	dma.local [hbm:s1], $0x2800  }
0x11: {  	_ =	swait.ge [sflag:s11], $0x2800  }
0x12: {  	[sflag:s11] =	ssyncset.done $0x0  }
0x13: {  	[sflag:s11] =	ssyncadd.s32 $0xFFFFD800  }
0x14: {  	[tilespmem:s12], [sflag:$0x1] =	stream.linear.gather [hbm4b:s5+s4], $0x4000, $0x38;
	[tilespmem:$0x19400] =	vst v63  }
0x15: {  	_ =	swait.ge [sflag:s11], $0x4000  }
0x16: {  	[sflag:s11] =	ssyncset.done $0x0  }
0x17: {  	[sflag:s11] =	ssyncadd.s32 $0xFFFFC000  }
0x18: {  	[tilespmem:s13], [sflag:$0x1] =	stream.linear.gather [hbm4b:s7+s4], $0x1400, $0x38;
	[tilespmem:$0x19400] =	vst v63  }
0x19: {  	_ =	swait.ge [sflag:s11], $0x1400  }
0x1a: {  	[sflag:s11] =	ssyncset.done $0x0  }
0x1b: {  	[sflag:s11] =	ssyncadd.s32 $0xFFFFEC00  }
0x1c: {  	s16 =	simm.s32 $0x14000;
	[bflag:$0x0] =	sbarrier.arrive $0xFFFF  }
0x1d: {  	[spmem:s3] =	stream.indirect.scatter.add.f32 [tilespmem:s12], [sflag:$0x1], $0x80, s16, s14, $0xb8;
	[tilespmem:$0x19400] =	vst v63  }
0x1e: {  	s16 =	simm.s32 $0x200;
	_ =	swait.ge [sflag:s11], $0x4000  }
.LBB2_2:
0x1f: {  	s17 =	sshra.s32 s16, $0x2;
	[sflag:s11] =	ssyncset.done $0x0;
	p0 =	sne.s32 s16, $0x4E00  }
.Ltmp0:
0x20: {  	s17 =	sadd.s32 $0x14000, s17;
	[sflag:s11] =	ssyncadd.s32 $0xFFFFC000;
	(pc) =	sbr.rel @p0 .LBB2_2-.Ltmp0, $3  }
0x21: {  	[spmem:s3] =	stream.indirect.scatter.add.f32 [tilespmem:s12], [sflag:$0x1], $0x80, s17, s14, $0xb8;
	[tilespmem:$0x19400] =	vst v63  }
0x22: {  	s16 =	sadd.s32 $0x200, s16;
	_ =	sdelay $0x1  }
0x23: {  	_ =	swait.ge [sflag:s11], $0x4000  }
0x24: {  	[sflag:s11] =	ssyncset.done $0x0;
	s15 =	sadd.s32 $0x1, s15  }
0x25: {  	[sflag:s11] =	ssyncadd.s32 $0xFFFFC000;
	p0 =	sne.s32 s15, s9  }
.Ltmp1:
0x26: {  	[bflag:$0x0] =	sbarrier.arrive $0xFFFF;
	(pc) =	sbr.rel @p0 .LBB2_1-.Ltmp1, $4  }
0x27: {  	[hbm:s8], [sflag:s6] =	dma.local [spmem:s10], $0x2800  }
0x28: {  	_ =	swait.ge [sflag:s11], $0x2800  }
0x29: {  	[sflag:s11] =	ssyncset.done $0x0  }
0x2a: {  	[sflag:s11] =	ssyncadd.s32 $0xFFFFD800  }
0x2b: {  	_ =	sfence.sel $0x180000  }
0x2c: {  	[bflag:$0x0] =	sbarrier.arrive $0xFFFF  }
0x2d: {  	p0 =	sne.s32 s0, $0x0;
	_ =	strace $0x90000047  }
0x2e: {  	s0 =	sadd.s32 @!p0 $0x100000, s2;
	[bflag:$0x2] =	sbarrier.arrive $0xFFFF  }
0x2f: {  	[sflag:s0] =	ssyncadd.tile.s32 @!p0 $0x1;
	_ =	shalt  }
.Lfunc_end2:
_tile_overlayer_lowered:
.L_overlay_start_2:
0x30: {  	(tag) =	ssettag $0x2  }
0x31: {  	s0 =	rddreg [dreg:$0x0];
	s2 =	stileid.u32  }
0x32: {  	s1 =	rddreg [dreg:$0x1];
	p0 =	sne.s32 s2, $0x0  }
0x33: {  	s3 =	rddreg [dreg:$0x2];
	[bflag:$0x3] =	sbarrier.arrive $0xFFFF;
	s2 =	simm.s32 @!p0 $0x1C01  }
0x34: {  	[timem:s3], [sflag:s2] =	dma.local @!p0 [hbm:s0], s1  }
0x35: {  	s0 =	simm.s32 @!p0 $0x1  }
0x36: {  	_ =	swait.ge @!p0 [sflag:s0], s1  }
0x37: {  	s1 =	ssub.s32 @!p0 $0x0, s1;
	[sflag:s0] =	ssyncset.done @!p0 $0x0  }
0x38: {  	[sflag:s0] =	ssyncadd.s32 @!p0 s1  }
0x39: {  	[bflag:$0x3] =	sbarrier.arrive $0xFFFF  }
0x3a: {  	_ =	shalt  }

// kernel: kernel.13.cloned.1.call-start
scs
__scs_entry_jumppad:
0x0: {  	(pc) =	sbr.rel $0x88, $3  }
0x1: {  	(tag) =	ssettag $0x0;
	lr =	simm.s32 $0x1  }
0x2: {  	[smem:$0x3F9A] =	sst lr;
	_ =	strace $0xD0000000  }
0x3: {  	_ = 	snop  }
0x4: {  	_ = 	snop  }
0x5: {  	_ = 	snop  }
0x6: {  	_ = 	snop  }
0x7: {  	_ = 	snop  }
__scs_overlays_trampoline_lowered:
0x8: {  	[smem:$0x3FA9] =	sst s0  }
0x9: {  	[smem:$0x3FAA] =	sst s1  }
0xa: {  	[smem:$0x3FAB] =	sst s2  }
0xb: {  	[smem:$0x3FAC] =	sst s3  }
0xc: {  	[smem:$0x3FAD] =	sst s4  }
0xd: {  	[smem:$0x3FAE] =	sst s5  }
0xe: {  	[smem:$0x3FAF] =	sst s6  }
0xf: {  	[smem:$0x3FB0] =	sst s7  }
0x10: {  	[smem:$0x3FB1] =	sst s8  }
0x11: {  	[smem:$0x3FB2] =	sst s9;
	s0 =	simm.s32 @!p0 $0x0  }
0x12: {  	s1 =	sld [smem:$0x3F98];
	s0 =	simm.s32 @p0 $0x1  }
0x13: {  	[smem:$0x3FB3] =	sst s0;
	s0 =	simm.s32 @!p1 $0x0  }
0x14: {  	s2 =	sld [smem:$0x3F97];
	s0 =	simm.s32 @p1 $0x1  }
0x15: {  	[smem:$0x3FB4] =	sst s0;
	s0 =	simm.s32 @!p2 $0x0  }
0x16: {  	s3 =	sld [smem:$0x3FDB];
	s0 =	simm.s32 @p2 $0x1  }
0x17: {  	s4 =	simm.s32 $0x1BF5;
	[smem:$0x3FB6] =	sst s0  }
0x18: {  	s0 =	sld [smem:$0x3F99];
	_ =	swait.ge [sflag:s4], $0x0  }
0x19: {  	s7 =	sld [smem:$0x3F9A]  }
0x1a: {  	s8 =	sadd.s32 $0xFFFFE003, lr  }
0x1b: {  	s9 =	sadd.s32 $0xFFFFFEF7, lr;
	s5 =	simm.s32 $0xFFFFFFFF;
	p2 =	slt.u32 s8, $0xFFFFF086  }
0x1c: {  	p1 =	slt.u32 s9, $0xF7A;
	s5 =	simm.s32 @!p2 $0x0  }
0x1d: {  	s5 =	simm.s32 @p1 $0x1;
	p0 =	seq.s32 s7, s2  }
0x1e: {  	s7 =	smul.u32 @!p0 $0xF7A, s2;
	p2 =	seq.s32 @!p0 s5, $0x0  }
0x1f: {  	s9 =	smul.u32 $0xF7A, s1;
	s8 =	simm.s32 @!p0 $0x1BF5;
	p2 =	por !p2, p0  }
0x20: {  	[sflag:s8] =	ssyncset.s32 @!p0 $0xFFFFF086;
	s6 =	sadd.s32 @!p0 s3, s7;
	s7 =	simm.s32 @!p0 $0x108  }
0x21: {  	s3 =	sadd.s32 s3, s9;
	s6 =	sadd.s32 @!p0 $0x88, s6;
	s7 =	simm.s32 @p2 $0x1082  }
0x22: {  	[simem:s7], [sflag:s8] =	dma.local @!p0 [hbm:s6], $0xF7A  }
0x23: {  	s9 =	sor.u32 $0xD0000000, s2;
	s6 =	simm.s32 $0x108;
	_ =	swait.ge @!p0 [sflag:s8], $0x0  }
0x24: {  	s3 =	sadd.s32 $0x88, s3;
	s6 =	simm.s32 @!p1 $0x1082;
	[sflag:s4] =	ssyncset.s32 $0xFFFFF086  }
0x25: {  	[simem:s6], [sflag:s4] =	dma.local [hbm:s3], $0xF7A  }
0x26: {  	[smem:$0x3F9A] =	sst s1;
	(tag) =	ssettag s2;
	_ =	strace s9  }
0x27: {  	s1 =	sld [smem:$0x3FAA]  }
0x28: {  	s2 =	sld [smem:$0x3FAB]  }
0x29: {  	s4 =	sld [smem:$0x3FAD]  }
0x2a: {  	p0 =	seq.s32 s5, $0x0;
	s5 =	sld [smem:$0x3FAE]  }
0x2b: {  	s6 =	sld [smem:$0x3FAF]  }
0x2c: {  	s7 =	sld [smem:$0x3FB0]  }
0x2d: {  	s3 =	simm.s32 $0x108;
	s8 =	sld [smem:$0x3FB1]  }
0x2e: {  	s3 =	simm.s32 @!p0 $0x1082;
	s9 =	sld [smem:$0x3FB2]  }
0x2f: {  	lr =	sadd.s32 s0, s3;
	s0 =	sld [smem:$0x3FA9]  }
0x30: {  	s3 =	sld [smem:$0x3FAC]  }
0x31: {  	[smem:$0x3FB5] =	sst s10  }
0x32: {  	s10 =	sld [smem:$0x3FB3];
	_ =	sdelay $0x3  }
0x33: {  	p0 =	seq.s32 s10, $0x1;
	s10 =	sld [smem:$0x3FB5];
	_ =	sdelay $0x3  }
0x34: {  	[smem:$0x3FB5] =	sst s10  }
0x35: {  	s10 =	sld [smem:$0x3FB4];
	_ =	sdelay $0x3  }
0x36: {  	p1 =	seq.s32 s10, $0x1;
	s10 =	sld [smem:$0x3FB5];
	_ =	sdelay $0x3  }
0x37: {  	[smem:$0x3FB5] =	sst s10  }
0x38: {  	s10 =	sld [smem:$0x3FB6]  }
0x39: {  	_ = 	snop;
	(pc) =	sbr.ind lr, $3  }
0x3a: {  	_ = 	snop  }
0x3b: {  	_ = 	snop  }
0x3c: {  	p2 =	seq.s32 s10, $0x1;
	s10 =	sld [smem:$0x3FB5]  }
0x3d: {  	_ =	shalt  }
0x3e: {  	_ =	shalt  }
0x3f: {  	_ =	shalt  }
0x40: {  	_ =	shalt  }
0x41: {  	_ =	shalt  }
0x42: {  	_ =	shalt  }
0x43: {  	_ =	shalt  }
0x44: {  	_ =	shalt  }
0x45: {  	_ =	shalt  }
0x46: {  	_ =	shalt  }
0x47: {  	_ =	shalt  }
0x48: {  	_ =	shalt  }
0x49: {  	_ =	shalt  }
0x4a: {  	_ =	shalt  }
0x4b: {  	_ =	shalt  }
0x4c: {  	_ =	shalt  }
0x4d: {  	_ =	shalt  }
0x4e: {  	_ =	shalt  }
0x4f: {  	_ =	shalt  }
0x50: {  	_ =	shalt  }
0x51: {  	_ =	shalt  }
0x52: {  	_ =	shalt  }
0x53: {  	_ =	shalt  }
0x54: {  	_ =	shalt  }
0x55: {  	_ =	shalt  }
0x56: {  	_ =	shalt  }
0x57: {  	_ =	shalt  }
0x58: {  	_ =	shalt  }
0x59: {  	_ =	shalt  }
0x5a: {  	_ =	shalt  }
0x5b: {  	_ =	shalt  }
0x5c: {  	_ =	shalt  }
0x5d: {  	_ =	shalt  }
0x5e: {  	_ =	shalt  }
0x5f: {  	_ =	shalt  }
0x60: {  	_ =	shalt  }
0x61: {  	_ =	shalt  }
0x62: {  	_ =	shalt  }
0x63: {  	_ =	shalt  }
0x64: {  	_ =	shalt  }
0x65: {  	_ =	shalt  }
0x66: {  	_ =	shalt  }
0x67: {  	_ =	shalt  }
0x68: {  	_ =	shalt  }
0x69: {  	_ =	shalt  }
0x6a: {  	_ =	shalt  }
0x6b: {  	_ =	shalt  }
0x6c: {  	_ =	shalt  }
0x6d: {  	_ =	shalt  }
0x6e: {  	_ =	shalt  }
0x6f: {  	_ =	shalt  }
0x70: {  	_ =	shalt  }
0x71: {  	_ =	shalt  }
0x72: {  	_ =	shalt  }
0x73: {  	_ =	shalt  }
0x74: {  	_ =	shalt  }
0x75: {  	_ =	shalt  }
0x76: {  	_ =	shalt  }
0x77: {  	_ =	shalt  }
0x78: {  	_ =	shalt  }
0x79: {  	_ =	shalt  }
0x7a: {  	_ =	shalt  }
0x7b: {  	_ =	shalt  }
0x7c: {  	_ =	shalt  }
0x7d: {  	_ =	shalt  }
0x7e: {  	_ =	shalt  }
0x7f: {  	_ =	shalt  }
0x80: {  	_ =	shalt  }
0x81: {  	_ =	shalt  }
0x82: {  	_ =	shalt  }
0x83: {  	_ =	shalt  }
0x84: {  	_ =	shalt  }
0x85: {  	_ =	shalt  }
0x86: {  	_ =	shalt  }
0x87: {  	_ =	shalt  }
.Lfunc_end0:
.L_simem_size_0:
called_computation.1_lowered:
.L_overlay_start_0:
0x88: {  	s2 =	sld [smem:$0x3FD9]  }
0x89: {  	s3 =	sld [smem:$0x3FFE];
	_ =	sdelay $0x1  }
0x8a: {  	s1 =	srdreg.scid  }
0x8b: {  	s0 =	sand.u32 $0x1, s1  }
0x8c: {  	s16 =	sshll.u32 s0, $0xA;
	s2 =	sadd.s32 s3, s2  }
0x8d: {  	s2 =	sadd.s32 s2, s16  }
0x8e: {  	[smem:$0x3FC1] =	sst s2  }
0x8f: {  	_ = 	snop  }
0x90: {  	(tm) =	ssettm $0x1  }
0x91: {  	s17 =	sld [smem:$0x3FFB];
	_ =	sdelay $0x3  }
0x92: {  	_ =	strace s17  }
0x93: {  	s2 =	sld [smem:$0x3FFC];
	_ =	sdelay $0x3  }
0x94: {  	_ =	strace s2  }
0x95: {  	s2 =	sld [smem:$0x3FFD];
	_ =	sdelay $0x3  }
0x96: {  	_ =	strace s2  }
0x97: {  	_ =	strace $0x8FFFFFFF  }
0x98: {  	s18 =	sld [smem:$0x3FDB];
	_ =	sdelay $0x1  }
0x99: {  	s19 =	simm.s32 $_scs_section_size  }
0x9a: {  	s4 =	simm.s32 $_size__tile_overlayer_lowered;
	s5 =	simm.s32 $_tile_overlayer_lowered  }
0x9b: {  	s22 =	simm.s32 $0x1BFF;
	s21 =	sshll.u32 s5, $0x1;
	s2 =	sadd.s32 s19, s18  }
0x9c: {  	s6 =	simm.s32 $0x0;
	s20 =	sshll.u32 s4, $0x1;
	s4 =	sadd.s32 s21, s2  }
0x9d: {  	[timem:s6], [sflag:s22] =	dma.local [hbm:s4], s20  }
0x9e: {  	_ =	swait.ge [sflag:s22], s20  }
0x9f: {  	s3 =	ssub.s32 $0x0, s20;
	[sflag:s22] =	ssyncset.done $0x0  }
0xa0: {  	[sflag:s22] =	ssyncadd.s32 s3;
	_ =	sdelay $0x1  }
0xa1: {  	s23 =	simm.s32 $0x1B8B  }
0xa2: {  	_ =	swait.ge [sflag:s23], $0x1  }
0xa3: {  	[sflag:s23] =	ssyncset.done $0x0  }
0xa4: {  	s25 =	simm.s32 $0x1B8E;
	s24 =	sld [smem:$0x3FFE];
	[sflag:s23] =	ssyncadd.s32 $0xFFFFFFFF  }
0xa5: {  	s26 =	simm.s32 $execute0_lowered;
	[smem:$0x3FD2] =	sst s25  }
0xa6: {  	s4 =	sshll.u32 s26, $0x1;
	_ =	strace $0x80000049;
	[dreg:$0x1] =	wrdreg $0xFFFFFFFF  }
0xa7: {  	s28 =	simm.s32 $_size_execute0_lowered;
	s2 =	sadd.s32 s2, s4;
	[dreg:$0x0] =	wrdreg $0x0  }
0xa8: {  	s4 =	sshll.u32 s28, $0x1;
	[dreg:$0x2] =	wrdreg s2  }
0xa9: {  	[dreg:$0x3] =	wrdreg s4  }
0xaa: {  	[dreg:$0x4] =	wrdreg $0xC0  }
0xab: {  	_ =	task [dreg:s6], $0x5FFFF  }
0xac: {  	[dreg:$0x1] =	wrdreg $0xFFFFFFFF  }
0xad: {  	[dreg:$0x0] =	wrdreg $0x60  }
0xae: {  	[dreg:$0x2] =	wrdreg s24  }
0xaf: {  	[dreg:$0x3] =	wrdreg $0x0  }
0xb0: {  	[dreg:$0x4] =	wrdreg $0x9  }
0xb1: {  	_ =	task.clear_ibuf [dreg:s6], $0x5FFFF;
	_ =	strace $0x90000049  }
0xb2: {  	s29 =	simm.s32 $0x9;
	_ =	strace $0x8000004B  }
0xb3: {  	_ =	swait.ge [sflag:s29], $0x1  }
0xb4: {  	[sflag:s29] =	ssyncadd.s32 $0xFFFFFFFF  }
0xb5: {  	_ =	strace $0x9000004B  }
0xb6: {  	_ =	sfence  }
0xb7: {  	s30 =	sld [smem:$0x0];
	_ =	sdelay $0x2  }
0xb8: {  	s31 =	sshll.u32 s1, $0xD;
	s1 =	sshrl.u32 s1, $0x2  }
0xb9: {  	s3 =	sand.u32 $0x4000, s31;
	s1 =	sadd.s32 s1, s30  }
0xba: {  	s0 =	sor.u32 s3, s0;
	s1 =	sshll.u32 s1, $0x11  }
0xbb: {  	s0 =	sor.u32 s1, s0  }
0xbc: {  	s0 =	sadd.s32 $0x8F2B, s0  }
0xbd: {  	[sflag:s0] =	ssyncadd.remote.s32 $0x1  }
0xbe: {  	_ =	sfence.sel $0xFFFF  }
0xbf: {  	[dreg:$0x0] =	wrdreg $0xFFFFFFFF;
	(pc) =	sbr.abs _section_cstart, $3  }
0xc0: {  	[dreg:$0x1] =	wrdreg $0xFFFFFFFF  }
0xc1: {  	_ =	task.clear_ibuf [dreg:s6], $0x2FFFF;
	_ =	strace $0x9FFFFFFF  }
0xc2: {  	(tm) =	ssettm $0x7FFFFFFF  }
0xc3: {  	_ =	shalt  }
tec
execute0_lowered:
.L_overlay_start_1:
0x0: {  	(tag) =	ssettag $0x1  }
0x1: {  	s4 =	rddreg [dreg:$0x0]  }
0x2: {  	s1 =	rddreg [dreg:$0x1]  }
0x3: {  	s2 =	srdreg.scid;
	s0 =	rddreg [dreg:$0x2]  }
0x4: {  	s3 =	simm.s32 $0x0;
	s14 =	simm.s32 $0x16800;
	s15 =	simm.s32 $0x80  }
0x5: {  	s16 =	simm.s32 $0x19000;
	s17 =	simm.s32 $0x1;
	s5 =	sand.u32 $0x1, s2  }
0x6: {  	s18 =	simm.s32 $0x0;
	s2 =	stileid.u32;
	s7 =	smul.u32 $0x140000, s5  }
0x7: {  	[smem:$0x7FF] =	sst s3;
	s8 =	sadd.s32 $0x5D200, s4;
	s6 =	smul.u32 $0x14000, s2  }
0x8: {  	_ =	strace $0x8000004A;
	s9 =	smul.u32 $0x500, s2;
	s5 =	ssub.s32 $0x2, s5  }
0x9: {  	s10 =	smul.u32 $0x50000, s2;
	s30 =	sshll.u32 s2, $0x6;
	s11 =	sshrl.u32 s5, $0x1  }
0xa: {  	s6 =	sadd.s32 s6, s7;
	s9 =	sadd.s32 s9, s4;
	s11 =	ssub.s32 s5, s11  }
0xb: {  	s29 =	sshrl.u32 s10, $0x2;
	s5 =	sor.u32 $0x1C02, s30;
	s31 =	sshrl.u32 s7, $0x3  }
0xc: {  	s6 =	sshrl.u32 s6, $0x3;
	s13 =	sadd.s32 s29, s1;
	s7 =	sadd.s32 $0x53200, s9  }
0xd: {  	s10 =	smax.u32 s11, $0x1;
	s12 =	sadd.s32 s6, s4;
	s4 =	sadd.s32 s8, s6  }
0xe: {  	s6 =	sadd.s32 $0x58200, s9;
	s8 =	sadd.s32 s8, s31;
	s11 =	sshrl.u32 s13, $0x3  }
0xf: {  	s13 =	simm.s32 $0x14000;
	s9 =	sadd.s32 $0xAD200, s12;
	s12 =	simm.s32 $0x2  }
.LBB2_1:
0x10: {  	[spmem:s11], [sflag:s5] =	dma.local [hbm:s4], $0x2800  }
0x11: {  	_ =	swait.ge [sflag:s12], $0x2800  }
0x12: {  	[sflag:s12] =	ssyncset.done $0x0  }
0x13: {  	[sflag:s12] =	ssyncadd.s32 $0xFFFFD800  }
0x14: {  	[tilespmem:s13], [sflag:$0x2] =	stream.linear.gather [hbm4b:s6+s3], $0x2780, $0x38;
	[tilespmem:$0x1D000] =	vst v63  }
0x15: {  	_ =	swait.ge [sflag:s12], $0x2780  }
0x16: {  	[sflag:s12] =	ssyncset.done $0x0  }
0x17: {  	[sflag:s12] =	ssyncadd.s32 $0xFFFFD880  }
0x18: {  	[tilespmem:s14], [sflag:$0x2] =	stream.linear.gather [hbm4b:s7+s3], $0x2780, $0x38;
	[tilespmem:$0x1D000] =	vst v63  }
0x19: {  	_ =	swait.ge [sflag:s12], $0x2780  }
0x1a: {  	[sflag:s12] =	ssyncset.done $0x0  }
0x1b: {  	[sflag:s12] =	ssyncadd.s32 $0xFFFFD880  }
0x1c: {  	s19 =	simm.s32 $0x14000;
	[bflag:$0x0] =	sbarrier.arrive $0xFFFF  }
0x1d: {  	[tilespmem:s16], [sflag:$0x1] =	stream.indirect.gather [hbm4b:s8+s15], $0x80, s19, s15, $0xb8;
	[tilespmem:$0x1D000] =	vst v63  }
0x1e: {  	_ =	swait.ge [sflag:s17], $0x4000  }
0x1f: {  	[sflag:s17] =	ssyncset.done $0x0  }
0x20: {  	s31 =	simm.s32 $0x16800;
	[sflag:s17] =	ssyncadd.s32 $0xFFFFC000  }
0x21: {  	[spmem:s1] =	stream.indirect.scatter.add.f32 [tilespmem:s16], [sflag:$0x2], $0x80, s31, s15, $0xb8;
	[tilespmem:$0x1D000] =	vst v63  }
0x22: {  	_ =	swait.ge [sflag:s12], $0x4000  }
0x23: {  	s20 =	simm.s32 $0x400;
	s19 =	simm.s32 $0x80;
	[sflag:s12] =	ssyncset.done $0x0  }
.LBB2_2:
0x24: {  	s21 =	sadd.s32 $0x14000, s19  }
0x25: {  	[sflag:s12] =	ssyncadd.s32 $0xFFFFC000;
	s22 =	smov.u32 s20;
	s23 =	sadd.s32 $0x200, s20  }
0x26: {  	[tilespmem:s16], [sflag:$0x1] =	stream.indirect.gather [hbm4b:s8+s15], $0x80, s21, s15, $0xb8;
	[tilespmem:$0x1D000] =	vst v63  }
0x27: {  	p0 =	sne.s32 s20, $0x9C00;
	_ =	swait.ge [sflag:s17], $0x4000  }
.Ltmp0:
0x28: {  	[sflag:s17] =	ssyncset.done $0x0;
	(pc) =	sbr.rel @p0 .LBB2_2-.Ltmp0, $4  }
0x29: {  	s19 =	sadd.s32 $0x16800, s19;
	[sflag:s17] =	ssyncadd.s32 $0xFFFFC000  }
0x2a: {  	[spmem:s1] =	stream.indirect.scatter.add.f32 [tilespmem:s16], [sflag:$0x2], $0x80, s19, s15, $0xb8;
	[tilespmem:$0x1D000] =	vst v63  }
0x2b: {  	_ =	swait.ge [sflag:s12], $0x4000  }
0x2c: {  	s20 =	smov.u32 s23;
	s19 =	sshra.s32 s22, $0x2;
	[sflag:s12] =	ssyncset.done $0x0  }
0x2d: {  	s20 =	sadd.s32 $0x14000, s19;
	[sflag:s12] =	ssyncadd.s32 $0xFFFFC000  }
0x2e: {  	[tilespmem:s16], [sflag:$0x1] =	stream.indirect.gather [hbm4b:s8+s15], $0x80, s20, s15, $0xb8;
	[tilespmem:$0x1D000] =	vst v63  }
0x2f: {  	_ =	swait.ge [sflag:s17], $0x4000  }
0x30: {  	[sflag:s17] =	ssyncset.done $0x0  }
0x31: {  	s31 =	sadd.s32 $0x16800, s19;
	[sflag:s17] =	ssyncadd.s32 $0xFFFFC000  }
0x32: {  	[spmem:s1] =	stream.indirect.scatter.add.f32 [tilespmem:s16], [sflag:$0x2], $0x80, s31, s15, $0xb8;
	[tilespmem:$0x1D000] =	vst v63  }
0x33: {  	_ =	swait.ge [sflag:s12], $0x4000  }
0x34: {  	s18 =	sadd.s32 $0x1, s18;
	[sflag:s12] =	ssyncset.done $0x0  }
0x35: {  	p0 =	sne.s32 s18, s10;
	[sflag:s12] =	ssyncadd.s32 $0xFFFFC000  }
.Ltmp1:
0x36: {  	[bflag:$0x0] =	sbarrier.arrive $0xFFFF;
	(pc) =	sbr.rel @p0 .LBB2_1-.Ltmp1, $4  }
0x37: {  	[hbm:s9], [sflag:s5] =	dma.local [spmem:s11], $0x2800  }
0x38: {  	_ =	swait.ge [sflag:s12], $0x2800  }
0x39: {  	[sflag:s12] =	ssyncset.done $0x0  }
0x3a: {  	[sflag:s12] =	ssyncadd.s32 $0xFFFFD800  }
0x3b: {  	_ =	sfence.sel $0x180000  }
0x3c: {  	[bflag:$0x0] =	sbarrier.arrive $0xFFFF  }
0x3d: {  	p0 =	sne.s32 s2, $0x0;
	_ =	strace $0x9000004A  }
0x3e: {  	s0 =	sadd.s32 @!p0 $0x100000, s0;
	[bflag:$0x2] =	sbarrier.arrive $0xFFFF  }
0x3f: {  	[sflag:s0] =	ssyncadd.tile.s32 @!p0 $0x1;
	_ =	shalt  }
.Lfunc_end2:
_tile_overlayer_lowered:
.L_overlay_start_2:
0x40: {  	(tag) =	ssettag $0x2  }
0x41: {  	s0 =	rddreg [dreg:$0x0];
	s2 =	stileid.u32  }
0x42: {  	s1 =	rddreg [dreg:$0x1];
	p0 =	sne.s32 s2, $0x0  }
0x43: {  	s3 =	rddreg [dreg:$0x2];
	[bflag:$0x3] =	sbarrier.arrive $0xFFFF;
	s2 =	simm.s32 @!p0 $0x1C02  }
0x44: {  	[timem:s3], [sflag:s2] =	dma.local @!p0 [hbm:s0], s1  }
0x45: {  	s0 =	simm.s32 @!p0 $0x2  }
0x46: {  	_ =	swait.ge @!p0 [sflag:s0], s1  }
0x47: {  	s1 =	ssub.s32 @!p0 $0x0, s1;
	[sflag:s0] =	ssyncset.done @!p0 $0x0  }
0x48: {  	[sflag:s0] =	ssyncadd.s32 @!p0 s1  }
0x49: {  	[bflag:$0x3] =	sbarrier.arrive $0xFFFF  }
0x4a: {  	_ =	shalt  }

// kernel: kernel.16.cloned.1.call-start
scs
__scs_entry_jumppad:
0x0: {  	(pc) =	sbr.rel $0x88, $3  }
0x1: {  	(tag) =	ssettag $0x0;
	lr =	simm.s32 $0x1  }
0x2: {  	[smem:$0x3F9A] =	sst lr;
	_ =	strace $0xD0000000  }
0x3: {  	_ = 	snop  }
0x4: {  	_ = 	snop  }
0x5: {  	_ = 	snop  }
0x6: {  	_ = 	snop  }
0x7: {  	_ = 	snop  }
__scs_overlays_trampoline_lowered:
0x8: {  	[smem:$0x3FA9] =	sst s0  }
0x9: {  	[smem:$0x3FAA] =	sst s1  }
0xa: {  	[smem:$0x3FAB] =	sst s2  }
0xb: {  	[smem:$0x3FAC] =	sst s3  }
0xc: {  	[smem:$0x3FAD] =	sst s4  }
0xd: {  	[smem:$0x3FAE] =	sst s5  }
0xe: {  	[smem:$0x3FAF] =	sst s6  }
0xf: {  	[smem:$0x3FB0] =	sst s7  }
0x10: {  	[smem:$0x3FB1] =	sst s8  }
0x11: {  	[smem:$0x3FB2] =	sst s9;
	s0 =	simm.s32 @!p0 $0x0  }
0x12: {  	s1 =	sld [smem:$0x3F98];
	s0 =	simm.s32 @p0 $0x1  }
0x13: {  	[smem:$0x3FB3] =	sst s0;
	s0 =	simm.s32 @!p1 $0x0  }
0x14: {  	s2 =	sld [smem:$0x3F97];
	s0 =	simm.s32 @p1 $0x1  }
0x15: {  	[smem:$0x3FB4] =	sst s0;
	s0 =	simm.s32 @!p2 $0x0  }
0x16: {  	s3 =	sld [smem:$0x3FDB];
	s0 =	simm.s32 @p2 $0x1  }
0x17: {  	s4 =	simm.s32 $0x1BF5;
	[smem:$0x3FB6] =	sst s0  }
0x18: {  	s0 =	sld [smem:$0x3F99];
	_ =	swait.ge [sflag:s4], $0x0  }
0x19: {  	s7 =	sld [smem:$0x3F9A]  }
0x1a: {  	s8 =	sadd.s32 $0xFFFFE003, lr  }
0x1b: {  	s9 =	sadd.s32 $0xFFFFFEF7, lr;
	s5 =	simm.s32 $0xFFFFFFFF;
	p2 =	slt.u32 s8, $0xFFFFF086  }
0x1c: {  	p1 =	slt.u32 s9, $0xF7A;
	s5 =	simm.s32 @!p2 $0x0  }
0x1d: {  	s5 =	simm.s32 @p1 $0x1;
	p0 =	seq.s32 s7, s2  }
0x1e: {  	s7 =	smul.u32 @!p0 $0xF7A, s2;
	p2 =	seq.s32 @!p0 s5, $0x0  }
0x1f: {  	s9 =	smul.u32 $0xF7A, s1;
	s8 =	simm.s32 @!p0 $0x1BF5;
	p2 =	por !p2, p0  }
0x20: {  	[sflag:s8] =	ssyncset.s32 @!p0 $0xFFFFF086;
	s6 =	sadd.s32 @!p0 s3, s7;
	s7 =	simm.s32 @!p0 $0x108  }
0x21: {  	s3 =	sadd.s32 s3, s9;
	s6 =	sadd.s32 @!p0 $0x88, s6;
	s7 =	simm.s32 @p2 $0x1082  }
0x22: {  	[simem:s7], [sflag:s8] =	dma.local @!p0 [hbm:s6], $0xF7A  }
0x23: {  	s9 =	sor.u32 $0xD0000000, s2;
	s6 =	simm.s32 $0x108;
	_ =	swait.ge @!p0 [sflag:s8], $0x0  }
0x24: {  	s3 =	sadd.s32 $0x88, s3;
	s6 =	simm.s32 @!p1 $0x1082;
	[sflag:s4] =	ssyncset.s32 $0xFFFFF086  }
0x25: {  	[simem:s6], [sflag:s4] =	dma.local [hbm:s3], $0xF7A  }
0x26: {  	[smem:$0x3F9A] =	sst s1;
	(tag) =	ssettag s2;
	_ =	strace s9  }
0x27: {  	s1 =	sld [smem:$0x3FAA]  }
0x28: {  	s2 =	sld [smem:$0x3FAB]  }
0x29: {  	s4 =	sld [smem:$0x3FAD]  }
0x2a: {  	p0 =	seq.s32 s5, $0x0;
	s5 =	sld [smem:$0x3FAE]  }
0x2b: {  	s6 =	sld [smem:$0x3FAF]  }
0x2c: {  	s7 =	sld [smem:$0x3FB0]  }
0x2d: {  	s3 =	simm.s32 $0x108;
	s8 =	sld [smem:$0x3FB1]  }
0x2e: {  	s3 =	simm.s32 @!p0 $0x1082;
	s9 =	sld [smem:$0x3FB2]  }
0x2f: {  	lr =	sadd.s32 s0, s3;
	s0 =	sld [smem:$0x3FA9]  }
0x30: {  	s3 =	sld [smem:$0x3FAC]  }
0x31: {  	[smem:$0x3FB5] =	sst s10  }
0x32: {  	s10 =	sld [smem:$0x3FB3];
	_ =	sdelay $0x3  }
0x33: {  	p0 =	seq.s32 s10, $0x1;
	s10 =	sld [smem:$0x3FB5];
	_ =	sdelay $0x3  }
0x34: {  	[smem:$0x3FB5] =	sst s10  }
0x35: {  	s10 =	sld [smem:$0x3FB4];
	_ =	sdelay $0x3  }
0x36: {  	p1 =	seq.s32 s10, $0x1;
	s10 =	sld [smem:$0x3FB5];
	_ =	sdelay $0x3  }
0x37: {  	[smem:$0x3FB5] =	sst s10  }
0x38: {  	s10 =	sld [smem:$0x3FB6]  }
0x39: {  	_ = 	snop;
	(pc) =	sbr.ind lr, $3  }
0x3a: {  	_ = 	snop  }
0x3b: {  	_ = 	snop  }
0x3c: {  	p2 =	seq.s32 s10, $0x1;
	s10 =	sld [smem:$0x3FB5]  }
0x3d: {  	_ =	shalt  }
0x3e: {  	_ =	shalt  }
0x3f: {  	_ =	shalt  }
0x40: {  	_ =	shalt  }
0x41: {  	_ =	shalt  }
0x42: {  	_ =	shalt  }
0x43: {  	_ =	shalt  }
0x44: {  	_ =	shalt  }
0x45: {  	_ =	shalt  }
0x46: {  	_ =	shalt  }
0x47: {  	_ =	shalt  }
0x48: {  	_ =	shalt  }
0x49: {  	_ =	shalt  }
0x4a: {  	_ =	shalt  }
0x4b: {  	_ =	shalt  }
0x4c: {  	_ =	shalt  }
0x4d: {  	_ =	shalt  }
0x4e: {  	_ =	shalt  }
0x4f: {  	_ =	shalt  }
0x50: {  	_ =	shalt  }
0x51: {  	_ =	shalt  }
0x52: {  	_ =	shalt  }
0x53: {  	_ =	shalt  }
0x54: {  	_ =	shalt  }
0x55: {  	_ =	shalt  }
0x56: {  	_ =	shalt  }
0x57: {  	_ =	shalt  }
0x58: {  	_ =	shalt  }
0x59: {  	_ =	shalt  }
0x5a: {  	_ =	shalt  }
0x5b: {  	_ =	shalt  }
0x5c: {  	_ =	shalt  }
0x5d: {  	_ =	shalt  }
0x5e: {  	_ =	shalt  }
0x5f: {  	_ =	shalt  }
0x60: {  	_ =	shalt  }
0x61: {  	_ =	shalt  }
0x62: {  	_ =	shalt  }
0x63: {  	_ =	shalt  }
0x64: {  	_ =	shalt  }
0x65: {  	_ =	shalt  }
0x66: {  	_ =	shalt  }
0x67: {  	_ =	shalt  }
0x68: {  	_ =	shalt  }
0x69: {  	_ =	shalt  }
0x6a: {  	_ =	shalt  }
0x6b: {  	_ =	shalt  }
0x6c: {  	_ =	shalt  }
0x6d: {  	_ =	shalt  }
0x6e: {  	_ =	shalt  }
0x6f: {  	_ =	shalt  }
0x70: {  	_ =	shalt  }
0x71: {  	_ =	shalt  }
0x72: {  	_ =	shalt  }
0x73: {  	_ =	shalt  }
0x74: {  	_ =	shalt  }
0x75: {  	_ =	shalt  }
0x76: {  	_ =	shalt  }
0x77: {  	_ =	shalt  }
0x78: {  	_ =	shalt  }
0x79: {  	_ =	shalt  }
0x7a: {  	_ =	shalt  }
0x7b: {  	_ =	shalt  }
0x7c: {  	_ =	shalt  }
0x7d: {  	_ =	shalt  }
0x7e: {  	_ =	shalt  }
0x7f: {  	_ =	shalt  }
0x80: {  	_ =	shalt  }
0x81: {  	_ =	shalt  }
0x82: {  	_ =	shalt  }
0x83: {  	_ =	shalt  }
0x84: {  	_ =	shalt  }
0x85: {  	_ =	shalt  }
0x86: {  	_ =	shalt  }
0x87: {  	_ =	shalt  }
.Lfunc_end0:
.L_simem_size_0:
called_computation.2_lowered:
.L_overlay_start_0:
0x88: {  	s2 =	sld [smem:$0x3FD9]  }
0x89: {  	s3 =	sld [smem:$0x3FFE];
	_ =	sdelay $0x1  }
0x8a: {  	s1 =	srdreg.scid  }
0x8b: {  	s0 =	sand.u32 $0x1, s1  }
0x8c: {  	s16 =	sshll.u32 s0, $0xA;
	s2 =	sadd.s32 s3, s2  }
0x8d: {  	s2 =	sadd.s32 s2, s16  }
0x8e: {  	[smem:$0x3FC1] =	sst s2  }
0x8f: {  	_ = 	snop  }
0x90: {  	(tm) =	ssettm $0x1  }
0x91: {  	s17 =	sld [smem:$0x3FFB];
	_ =	sdelay $0x3  }
0x92: {  	_ =	strace s17  }
0x93: {  	s2 =	sld [smem:$0x3FFC];
	_ =	sdelay $0x3  }
0x94: {  	_ =	strace s2  }
0x95: {  	s2 =	sld [smem:$0x3FFD];
	_ =	sdelay $0x3  }
0x96: {  	_ =	strace s2  }
0x97: {  	_ =	strace $0x8FFFFFFF  }
0x98: {  	s18 =	sld [smem:$0x3FDB];
	_ =	sdelay $0x1  }
0x99: {  	s19 =	simm.s32 $_scs_section_size  }
0x9a: {  	s4 =	simm.s32 $_size__tile_overlayer_lowered;
	s5 =	simm.s32 $_tile_overlayer_lowered  }
0x9b: {  	s22 =	simm.s32 $0x1BFF;
	s21 =	sshll.u32 s5, $0x1;
	s2 =	sadd.s32 s19, s18  }
0x9c: {  	s6 =	simm.s32 $0x0;
	s20 =	sshll.u32 s4, $0x1;
	s4 =	sadd.s32 s21, s2  }
0x9d: {  	[timem:s6], [sflag:s22] =	dma.local [hbm:s4], s20  }
0x9e: {  	_ =	swait.ge [sflag:s22], s20  }
0x9f: {  	s3 =	ssub.s32 $0x0, s20;
	[sflag:s22] =	ssyncset.done $0x0  }
0xa0: {  	[sflag:s22] =	ssyncadd.s32 s3;
	_ =	sdelay $0x1  }
0xa1: {  	s23 =	simm.s32 $0x1B8B  }
0xa2: {  	_ =	swait.ge [sflag:s23], $0x1  }
0xa3: {  	[sflag:s23] =	ssyncset.done $0x0  }
0xa4: {  	s25 =	simm.s32 $0x1B8E;
	s24 =	sld [smem:$0x3FFE];
	[sflag:s23] =	ssyncadd.s32 $0xFFFFFFFF  }
0xa5: {  	s26 =	simm.s32 $execute0_lowered;
	[smem:$0x3FD2] =	sst s25  }
0xa6: {  	s4 =	sshll.u32 s26, $0x1;
	_ =	strace $0x8000004C;
	[dreg:$0x1] =	wrdreg $0xFFFFFFFF  }
0xa7: {  	s28 =	simm.s32 $_size_execute0_lowered;
	s2 =	sadd.s32 s2, s4;
	[dreg:$0x0] =	wrdreg $0x0  }
0xa8: {  	s4 =	sshll.u32 s28, $0x1;
	[dreg:$0x2] =	wrdreg s2  }
0xa9: {  	[dreg:$0x3] =	wrdreg s4  }
0xaa: {  	[dreg:$0x4] =	wrdreg $0xC0  }
0xab: {  	_ =	task [dreg:s6], $0x5FFFF  }
0xac: {  	[dreg:$0x1] =	wrdreg $0xFFFFFFFF  }
0xad: {  	[dreg:$0x0] =	wrdreg $0x60  }
0xae: {  	[dreg:$0x2] =	wrdreg s24  }
0xaf: {  	[dreg:$0x3] =	wrdreg $0x0  }
0xb0: {  	[dreg:$0x4] =	wrdreg $0x9  }
0xb1: {  	_ =	task.clear_ibuf [dreg:s6], $0x5FFFF;
	_ =	strace $0x9000004C  }
0xb2: {  	s29 =	simm.s32 $0x9;
	_ =	strace $0x8000004E  }
0xb3: {  	_ =	swait.ge [sflag:s29], $0x1  }
0xb4: {  	[sflag:s29] =	ssyncadd.s32 $0xFFFFFFFF  }
0xb5: {  	_ =	strace $0x9000004E  }
0xb6: {  	_ =	sfence  }
0xb7: {  	s30 =	sld [smem:$0x0];
	_ =	sdelay $0x2  }
0xb8: {  	s31 =	sshll.u32 s1, $0xD;
	s1 =	sshrl.u32 s1, $0x2  }
0xb9: {  	s3 =	sand.u32 $0x4000, s31;
	s1 =	sadd.s32 s1, s30  }
0xba: {  	s0 =	sor.u32 s3, s0;
	s1 =	sshll.u32 s1, $0x11  }
0xbb: {  	s0 =	sor.u32 s1, s0  }
0xbc: {  	s0 =	sadd.s32 $0x8F2B, s0  }
0xbd: {  	[sflag:s0] =	ssyncadd.remote.s32 $0x1  }
0xbe: {  	_ =	sfence.sel $0xFFFF  }
0xbf: {  	[dreg:$0x0] =	wrdreg $0xFFFFFFFF;
	(pc) =	sbr.abs _section_cstart, $3  }
0xc0: {  	[dreg:$0x1] =	wrdreg $0xFFFFFFFF  }
0xc1: {  	_ =	task.clear_ibuf [dreg:s6], $0x2FFFF;
	_ =	strace $0x9FFFFFFF  }
0xc2: {  	(tm) =	ssettm $0x7FFFFFFF  }
0xc3: {  	_ =	shalt  }
tec
execute0_lowered:
.L_overlay_start_1:
0x0: {  	(tag) =	ssettag $0x1  }
0x1: {  	s4 =	rddreg [dreg:$0x0]  }
0x2: {  	s1 =	rddreg [dreg:$0x1]  }
0x3: {  	s2 =	srdreg.scid;
	s0 =	rddreg [dreg:$0x2]  }
0x4: {  	s3 =	simm.s32 $0x0;
	s14 =	simm.s32 $0x16800;
	s15 =	simm.s32 $0x80  }
0x5: {  	s16 =	simm.s32 $0x19000;
	s17 =	simm.s32 $0x1;
	s5 =	sand.u32 $0x1, s2  }
0x6: {  	s18 =	simm.s32 $0x0;
	s2 =	stileid.u32;
	s7 =	smul.u32 $0x140000, s5  }
0x7: {  	[smem:$0x7FF] =	sst s3;
	s8 =	sadd.s32 $0x5D200, s4;
	s6 =	smul.u32 $0x14000, s2  }
0x8: {  	_ =	strace $0x8000004D;
	s9 =	smul.u32 $0x500, s2;
	s5 =	ssub.s32 $0x2, s5  }
0x9: {  	s10 =	smul.u32 $0x50000, s2;
	s30 =	sshll.u32 s2, $0x6;
	s11 =	sshrl.u32 s5, $0x1  }
0xa: {  	s6 =	sadd.s32 s6, s7;
	s9 =	sadd.s32 s9, s4;
	s11 =	ssub.s32 s5, s11  }
0xb: {  	s29 =	sshrl.u32 s10, $0x2;
	s5 =	sor.u32 $0x1C02, s30;
	s31 =	sshrl.u32 s7, $0x3  }
0xc: {  	s6 =	sshrl.u32 s6, $0x3;
	s13 =	sadd.s32 s29, s1;
	s7 =	sadd.s32 $0x53200, s9  }
0xd: {  	s10 =	smax.u32 s11, $0x1;
	s12 =	sadd.s32 s6, s4;
	s4 =	sadd.s32 s8, s6  }
0xe: {  	s6 =	sadd.s32 $0x58200, s9;
	s8 =	sadd.s32 s8, s31;
	s11 =	sshrl.u32 s13, $0x3  }
0xf: {  	s13 =	simm.s32 $0x14000;
	s9 =	sadd.s32 $0xAD200, s12;
	s12 =	simm.s32 $0x2  }
.LBB2_1:
0x10: {  	[spmem:s11], [sflag:s5] =	dma.local [hbm:s4], $0x2800  }
0x11: {  	_ =	swait.ge [sflag:s12], $0x2800  }
0x12: {  	[sflag:s12] =	ssyncset.done $0x0  }
0x13: {  	[sflag:s12] =	ssyncadd.s32 $0xFFFFD800  }
0x14: {  	[tilespmem:s13], [sflag:$0x2] =	stream.linear.gather [hbm4b:s6+s3], $0x2780, $0x38;
	[tilespmem:$0x1D000] =	vst v63  }
0x15: {  	_ =	swait.ge [sflag:s12], $0x2780  }
0x16: {  	[sflag:s12] =	ssyncset.done $0x0  }
0x17: {  	[sflag:s12] =	ssyncadd.s32 $0xFFFFD880  }
0x18: {  	[tilespmem:s14], [sflag:$0x2] =	stream.linear.gather [hbm4b:s7+s3], $0x2780, $0x38;
	[tilespmem:$0x1D000] =	vst v63  }
0x19: {  	_ =	swait.ge [sflag:s12], $0x2780  }
0x1a: {  	[sflag:s12] =	ssyncset.done $0x0  }
0x1b: {  	[sflag:s12] =	ssyncadd.s32 $0xFFFFD880  }
0x1c: {  	s19 =	simm.s32 $0x14000;
	[bflag:$0x0] =	sbarrier.arrive $0xFFFF  }
0x1d: {  	[tilespmem:s16], [sflag:$0x1] =	stream.indirect.gather [hbm4b:s8+s15], $0x80, s19, s15, $0xb8;
	[tilespmem:$0x1D000] =	vst v63  }
0x1e: {  	_ =	swait.ge [sflag:s17], $0x4000  }
0x1f: {  	[sflag:s17] =	ssyncset.done $0x0  }
0x20: {  	s31 =	simm.s32 $0x16800;
	[sflag:s17] =	ssyncadd.s32 $0xFFFFC000  }
0x21: {  	[spmem:s1] =	stream.indirect.scatter.add.f32 [tilespmem:s16], [sflag:$0x2], $0x80, s31, s15, $0xb8;
	[tilespmem:$0x1D000] =	vst v63  }
0x22: {  	_ =	swait.ge [sflag:s12], $0x4000  }
0x23: {  	s20 =	simm.s32 $0x400;
	s19 =	simm.s32 $0x80;
	[sflag:s12] =	ssyncset.done $0x0  }
.LBB2_2:
0x24: {  	s21 =	sadd.s32 $0x14000, s19  }
0x25: {  	[sflag:s12] =	ssyncadd.s32 $0xFFFFC000;
	s22 =	smov.u32 s20;
	s23 =	sadd.s32 $0x200, s20  }
0x26: {  	[tilespmem:s16], [sflag:$0x1] =	stream.indirect.gather [hbm4b:s8+s15], $0x80, s21, s15, $0xb8;
	[tilespmem:$0x1D000] =	vst v63  }
0x27: {  	p0 =	sne.s32 s20, $0x9C00;
	_ =	swait.ge [sflag:s17], $0x4000  }
.Ltmp0:
0x28: {  	[sflag:s17] =	ssyncset.done $0x0;
	(pc) =	sbr.rel @p0 .LBB2_2-.Ltmp0, $4  }
0x29: {  	s19 =	sadd.s32 $0x16800, s19;
	[sflag:s17] =	ssyncadd.s32 $0xFFFFC000  }
0x2a: {  	[spmem:s1] =	stream.indirect.scatter.add.f32 [tilespmem:s16], [sflag:$0x2], $0x80, s19, s15, $0xb8;
	[tilespmem:$0x1D000] =	vst v63  }
0x2b: {  	_ =	swait.ge [sflag:s12], $0x4000  }
0x2c: {  	s20 =	smov.u32 s23;
	s19 =	sshra.s32 s22, $0x2;
	[sflag:s12] =	ssyncset.done $0x0  }
0x2d: {  	s20 =	sadd.s32 $0x14000, s19;
	[sflag:s12] =	ssyncadd.s32 $0xFFFFC000  }
0x2e: {  	[tilespmem:s16], [sflag:$0x1] =	stream.indirect.gather [hbm4b:s8+s15], $0x80, s20, s15, $0xb8;
	[tilespmem:$0x1D000] =	vst v63  }
0x2f: {  	_ =	swait.ge [sflag:s17], $0x4000  }
0x30: {  	[sflag:s17] =	ssyncset.done $0x0  }
0x31: {  	s31 =	sadd.s32 $0x16800, s19;
	[sflag:s17] =	ssyncadd.s32 $0xFFFFC000  }
0x32: {  	[spmem:s1] =	stream.indirect.scatter.add.f32 [tilespmem:s16], [sflag:$0x2], $0x80, s31, s15, $0xb8;
	[tilespmem:$0x1D000] =	vst v63  }
0x33: {  	_ =	swait.ge [sflag:s12], $0x4000  }
0x34: {  	s18 =	sadd.s32 $0x1, s18;
	[sflag:s12] =	ssyncset.done $0x0  }
0x35: {  	p0 =	sne.s32 s18, s10;
	[sflag:s12] =	ssyncadd.s32 $0xFFFFC000  }
.Ltmp1:
0x36: {  	[bflag:$0x0] =	sbarrier.arrive $0xFFFF;
	(pc) =	sbr.rel @p0 .LBB2_1-.Ltmp1, $4  }
0x37: {  	[hbm:s9], [sflag:s5] =	dma.local [spmem:s11], $0x2800  }
0x38: {  	_ =	swait.ge [sflag:s12], $0x2800  }
0x39: {  	[sflag:s12] =	ssyncset.done $0x0  }
0x3a: {  	[sflag:s12] =	ssyncadd.s32 $0xFFFFD800  }
0x3b: {  	_ =	sfence.sel $0x180000  }
0x3c: {  	[bflag:$0x0] =	sbarrier.arrive $0xFFFF  }
0x3d: {  	p0 =	sne.s32 s2, $0x0;
	_ =	strace $0x9000004D  }
0x3e: {  	s0 =	sadd.s32 @!p0 $0x100000, s0;
	[bflag:$0x2] =	sbarrier.arrive $0xFFFF  }
0x3f: {  	[sflag:s0] =	ssyncadd.tile.s32 @!p0 $0x1;
	_ =	shalt  }
.Lfunc_end2:
_tile_overlayer_lowered:
.L_overlay_start_2:
0x40: {  	(tag) =	ssettag $0x2  }
0x41: {  	s0 =	rddreg [dreg:$0x0];
	s2 =	stileid.u32  }
0x42: {  	s1 =	rddreg [dreg:$0x1];
	p0 =	sne.s32 s2, $0x0  }
0x43: {  	s3 =	rddreg [dreg:$0x2];
	[bflag:$0x3] =	sbarrier.arrive $0xFFFF;
	s2 =	simm.s32 @!p0 $0x1C02  }
0x44: {  	[timem:s3], [sflag:s2] =	dma.local @!p0 [hbm:s0], s1  }
0x45: {  	s0 =	simm.s32 @!p0 $0x2  }
0x46: {  	_ =	swait.ge @!p0 [sflag:s0], s1  }
0x47: {  	s1 =	ssub.s32 @!p0 $0x0, s1;
	[sflag:s0] =	ssyncset.done @!p0 $0x0  }
0x48: {  	[sflag:s0] =	ssyncadd.s32 @!p0 s1  }
0x49: {  	[bflag:$0x3] =	sbarrier.arrive $0xFFFF  }
0x4a: {  	_ =	shalt  }

// kernel: kernel.19.cloned.1.call-start
scs
__scs_entry_jumppad:
0x0: {  	(pc) =	sbr.rel $0x88, $3  }
0x1: {  	(tag) =	ssettag $0x0;
	lr =	simm.s32 $0x1  }
0x2: {  	[smem:$0x3F9A] =	sst lr;
	_ =	strace $0xD0000000  }
0x3: {  	_ = 	snop  }
0x4: {  	_ = 	snop  }
0x5: {  	_ = 	snop  }
0x6: {  	_ = 	snop  }
0x7: {  	_ = 	snop  }
__scs_overlays_trampoline_lowered:
0x8: {  	[smem:$0x3FA9] =	sst s0  }
0x9: {  	[smem:$0x3FAA] =	sst s1  }
0xa: {  	[smem:$0x3FAB] =	sst s2  }
0xb: {  	[smem:$0x3FAC] =	sst s3  }
0xc: {  	[smem:$0x3FAD] =	sst s4  }
0xd: {  	[smem:$0x3FAE] =	sst s5  }
0xe: {  	[smem:$0x3FAF] =	sst s6  }
0xf: {  	[smem:$0x3FB0] =	sst s7  }
0x10: {  	[smem:$0x3FB1] =	sst s8  }
0x11: {  	[smem:$0x3FB2] =	sst s9;
	s0 =	simm.s32 @!p0 $0x0  }
0x12: {  	s1 =	sld [smem:$0x3F98];
	s0 =	simm.s32 @p0 $0x1  }
0x13: {  	[smem:$0x3FB3] =	sst s0;
	s0 =	simm.s32 @!p1 $0x0  }
0x14: {  	s2 =	sld [smem:$0x3F97];
	s0 =	simm.s32 @p1 $0x1  }
0x15: {  	[smem:$0x3FB4] =	sst s0;
	s0 =	simm.s32 @!p2 $0x0  }
0x16: {  	s3 =	sld [smem:$0x3FDB];
	s0 =	simm.s32 @p2 $0x1  }
0x17: {  	s4 =	simm.s32 $0x1BF5;
	[smem:$0x3FB6] =	sst s0  }
0x18: {  	s0 =	sld [smem:$0x3F99];
	_ =	swait.ge [sflag:s4], $0x0  }
0x19: {  	s7 =	sld [smem:$0x3F9A]  }
0x1a: {  	s8 =	sadd.s32 $0xFFFFE003, lr  }
0x1b: {  	s9 =	sadd.s32 $0xFFFFFEF7, lr;
	s5 =	simm.s32 $0xFFFFFFFF;
	p2 =	slt.u32 s8, $0xFFFFF086  }
0x1c: {  	p1 =	slt.u32 s9, $0xF7A;
	s5 =	simm.s32 @!p2 $0x0  }
0x1d: {  	s5 =	simm.s32 @p1 $0x1;
	p0 =	seq.s32 s7, s2  }
0x1e: {  	s7 =	smul.u32 @!p0 $0xF7A, s2;
	p2 =	seq.s32 @!p0 s5, $0x0  }
0x1f: {  	s9 =	smul.u32 $0xF7A, s1;
	s8 =	simm.s32 @!p0 $0x1BF5;
	p2 =	por !p2, p0  }
0x20: {  	[sflag:s8] =	ssyncset.s32 @!p0 $0xFFFFF086;
	s6 =	sadd.s32 @!p0 s3, s7;
	s7 =	simm.s32 @!p0 $0x108  }
0x21: {  	s3 =	sadd.s32 s3, s9;
	s6 =	sadd.s32 @!p0 $0x88, s6;
	s7 =	simm.s32 @p2 $0x1082  }
0x22: {  	[simem:s7], [sflag:s8] =	dma.local @!p0 [hbm:s6], $0xF7A  }
0x23: {  	s9 =	sor.u32 $0xD0000000, s2;
	s6 =	simm.s32 $0x108;
	_ =	swait.ge @!p0 [sflag:s8], $0x0  }
0x24: {  	s3 =	sadd.s32 $0x88, s3;
	s6 =	simm.s32 @!p1 $0x1082;
	[sflag:s4] =	ssyncset.s32 $0xFFFFF086  }
0x25: {  	[simem:s6], [sflag:s4] =	dma.local [hbm:s3], $0xF7A  }
0x26: {  	[smem:$0x3F9A] =	sst s1;
	(tag) =	ssettag s2;
	_ =	strace s9  }
0x27: {  	s1 =	sld [smem:$0x3FAA]  }
0x28: {  	s2 =	sld [smem:$0x3FAB]  }
0x29: {  	s4 =	sld [smem:$0x3FAD]  }
0x2a: {  	p0 =	seq.s32 s5, $0x0;
	s5 =	sld [smem:$0x3FAE]  }
0x2b: {  	s6 =	sld [smem:$0x3FAF]  }
0x2c: {  	s7 =	sld [smem:$0x3FB0]  }
0x2d: {  	s3 =	simm.s32 $0x108;
	s8 =	sld [smem:$0x3FB1]  }
0x2e: {  	s3 =	simm.s32 @!p0 $0x1082;
	s9 =	sld [smem:$0x3FB2]  }
0x2f: {  	lr =	sadd.s32 s0, s3;
	s0 =	sld [smem:$0x3FA9]  }
0x30: {  	s3 =	sld [smem:$0x3FAC]  }
0x31: {  	[smem:$0x3FB5] =	sst s10  }
0x32: {  	s10 =	sld [smem:$0x3FB3];
	_ =	sdelay $0x3  }
0x33: {  	p0 =	seq.s32 s10, $0x1;
	s10 =	sld [smem:$0x3FB5];
	_ =	sdelay $0x3  }
0x34: {  	[smem:$0x3FB5] =	sst s10  }
0x35: {  	s10 =	sld [smem:$0x3FB4];
	_ =	sdelay $0x3  }
0x36: {  	p1 =	seq.s32 s10, $0x1;
	s10 =	sld [smem:$0x3FB5];
	_ =	sdelay $0x3  }
0x37: {  	[smem:$0x3FB5] =	sst s10  }
0x38: {  	s10 =	sld [smem:$0x3FB6]  }
0x39: {  	_ = 	snop;
	(pc) =	sbr.ind lr, $3  }
0x3a: {  	_ = 	snop  }
0x3b: {  	_ = 	snop  }
0x3c: {  	p2 =	seq.s32 s10, $0x1;
	s10 =	sld [smem:$0x3FB5]  }
0x3d: {  	_ =	shalt  }
0x3e: {  	_ =	shalt  }
0x3f: {  	_ =	shalt  }
0x40: {  	_ =	shalt  }
0x41: {  	_ =	shalt  }
0x42: {  	_ =	shalt  }
0x43: {  	_ =	shalt  }
0x44: {  	_ =	shalt  }
0x45: {  	_ =	shalt  }
0x46: {  	_ =	shalt  }
0x47: {  	_ =	shalt  }
0x48: {  	_ =	shalt  }
0x49: {  	_ =	shalt  }
0x4a: {  	_ =	shalt  }
0x4b: {  	_ =	shalt  }
0x4c: {  	_ =	shalt  }
0x4d: {  	_ =	shalt  }
0x4e: {  	_ =	shalt  }
0x4f: {  	_ =	shalt  }
0x50: {  	_ =	shalt  }
0x51: {  	_ =	shalt  }
0x52: {  	_ =	shalt  }
0x53: {  	_ =	shalt  }
0x54: {  	_ =	shalt  }
0x55: {  	_ =	shalt  }
0x56: {  	_ =	shalt  }
0x57: {  	_ =	shalt  }
0x58: {  	_ =	shalt  }
0x59: {  	_ =	shalt  }
0x5a: {  	_ =	shalt  }
0x5b: {  	_ =	shalt  }
0x5c: {  	_ =	shalt  }
0x5d: {  	_ =	shalt  }
0x5e: {  	_ =	shalt  }
0x5f: {  	_ =	shalt  }
0x60: {  	_ =	shalt  }
0x61: {  	_ =	shalt  }
0x62: {  	_ =	shalt  }
0x63: {  	_ =	shalt  }
0x64: {  	_ =	shalt  }
0x65: {  	_ =	shalt  }
0x66: {  	_ =	shalt  }
0x67: {  	_ =	shalt  }
0x68: {  	_ =	shalt  }
0x69: {  	_ =	shalt  }
0x6a: {  	_ =	shalt  }
0x6b: {  	_ =	shalt  }
0x6c: {  	_ =	shalt  }
0x6d: {  	_ =	shalt  }
0x6e: {  	_ =	shalt  }
0x6f: {  	_ =	shalt  }
0x70: {  	_ =	shalt  }
0x71: {  	_ =	shalt  }
0x72: {  	_ =	shalt  }
0x73: {  	_ =	shalt  }
0x74: {  	_ =	shalt  }
0x75: {  	_ =	shalt  }
0x76: {  	_ =	shalt  }
0x77: {  	_ =	shalt  }
0x78: {  	_ =	shalt  }
0x79: {  	_ =	shalt  }
0x7a: {  	_ =	shalt  }
0x7b: {  	_ =	shalt  }
0x7c: {  	_ =	shalt  }
0x7d: {  	_ =	shalt  }
0x7e: {  	_ =	shalt  }
0x7f: {  	_ =	shalt  }
0x80: {  	_ =	shalt  }
0x81: {  	_ =	shalt  }
0x82: {  	_ =	shalt  }
0x83: {  	_ =	shalt  }
0x84: {  	_ =	shalt  }
0x85: {  	_ =	shalt  }
0x86: {  	_ =	shalt  }
0x87: {  	_ =	shalt  }
.Lfunc_end0:
.L_simem_size_0:
called_computation.3_lowered:
.L_overlay_start_0:
0x88: {  	s2 =	sld [smem:$0x3FD9]  }
0x89: {  	s3 =	sld [smem:$0x3FFE];
	_ =	sdelay $0x1  }
0x8a: {  	s1 =	srdreg.scid  }
0x8b: {  	s0 =	sand.u32 $0x1, s1  }
0x8c: {  	s16 =	sshll.u32 s0, $0xA;
	s2 =	sadd.s32 s3, s2  }
0x8d: {  	s2 =	sadd.s32 s2, s16  }
0x8e: {  	[smem:$0x3FC1] =	sst s2  }
0x8f: {  	_ = 	snop  }
0x90: {  	(tm) =	ssettm $0x1  }
0x91: {  	s17 =	sld [smem:$0x3FFB];
	_ =	sdelay $0x3  }
0x92: {  	_ =	strace s17  }
0x93: {  	s2 =	sld [smem:$0x3FFC];
	_ =	sdelay $0x3  }
0x94: {  	_ =	strace s2  }
0x95: {  	s2 =	sld [smem:$0x3FFD];
	_ =	sdelay $0x3  }
0x96: {  	_ =	strace s2  }
0x97: {  	_ =	strace $0x8FFFFFFF  }
0x98: {  	s18 =	sld [smem:$0x3FDB];
	_ =	sdelay $0x1  }
0x99: {  	s19 =	simm.s32 $_scs_section_size  }
0x9a: {  	s4 =	simm.s32 $_size__tile_overlayer_lowered;
	s5 =	simm.s32 $_tile_overlayer_lowered  }
0x9b: {  	s22 =	simm.s32 $0x1BFF;
	s21 =	sshll.u32 s5, $0x1;
	s2 =	sadd.s32 s19, s18  }
0x9c: {  	s6 =	simm.s32 $0x0;
	s20 =	sshll.u32 s4, $0x1;
	s4 =	sadd.s32 s21, s2  }
0x9d: {  	[timem:s6], [sflag:s22] =	dma.local [hbm:s4], s20  }
0x9e: {  	_ =	swait.ge [sflag:s22], s20  }
0x9f: {  	s3 =	ssub.s32 $0x0, s20;
	[sflag:s22] =	ssyncset.done $0x0  }
0xa0: {  	[sflag:s22] =	ssyncadd.s32 s3;
	_ =	sdelay $0x1  }
0xa1: {  	s23 =	simm.s32 $0x1B8B  }
0xa2: {  	_ =	swait.ge [sflag:s23], $0x1  }
0xa3: {  	[sflag:s23] =	ssyncset.done $0x0  }
0xa4: {  	s25 =	simm.s32 $0x1B8E;
	s24 =	sld [smem:$0x3FFE];
	[sflag:s23] =	ssyncadd.s32 $0xFFFFFFFF  }
0xa5: {  	s26 =	simm.s32 $execute0_lowered;
	[smem:$0x3FD2] =	sst s25  }
0xa6: {  	s4 =	sshll.u32 s26, $0x1;
	_ =	strace $0x8000004F;
	[dreg:$0x1] =	wrdreg $0xFFFFFFFF  }
0xa7: {  	s28 =	simm.s32 $_size_execute0_lowered;
	s2 =	sadd.s32 s2, s4;
	[dreg:$0x0] =	wrdreg $0x0  }
0xa8: {  	s4 =	sshll.u32 s28, $0x1;
	[dreg:$0x2] =	wrdreg s2  }
0xa9: {  	[dreg:$0x3] =	wrdreg s4  }
0xaa: {  	[dreg:$0x4] =	wrdreg $0xC0  }
0xab: {  	_ =	task [dreg:s6], $0x5FFFF  }
0xac: {  	[dreg:$0x1] =	wrdreg $0xFFFFFFFF  }
0xad: {  	[dreg:$0x0] =	wrdreg $0x60  }
0xae: {  	[dreg:$0x2] =	wrdreg s24  }
0xaf: {  	[dreg:$0x3] =	wrdreg $0x9  }
0xb0: {  	_ =	task.clear_ibuf [dreg:s6], $0x4FFFF;
	_ =	strace $0x9000004F  }
0xb1: {  	s29 =	simm.s32 $0x9;
	_ =	strace $0x80000051  }
0xb2: {  	_ =	swait.ge [sflag:s29], $0x1  }
0xb3: {  	[sflag:s29] =	ssyncadd.s32 $0xFFFFFFFF  }
0xb4: {  	_ =	strace $0x90000051  }
0xb5: {  	_ =	sfence  }
0xb6: {  	s30 =	sld [smem:$0x0];
	_ =	sdelay $0x2  }
0xb7: {  	s31 =	sshll.u32 s1, $0xD;
	s1 =	sshrl.u32 s1, $0x2  }
0xb8: {  	s3 =	sand.u32 $0x4000, s31;
	s1 =	sadd.s32 s1, s30  }
0xb9: {  	s0 =	sor.u32 s3, s0;
	s1 =	sshll.u32 s1, $0x11  }
0xba: {  	s0 =	sor.u32 s1, s0  }
0xbb: {  	s0 =	sadd.s32 $0x8F2B, s0  }
0xbc: {  	[sflag:s0] =	ssyncadd.remote.s32 $0x1  }
0xbd: {  	_ =	sfence.sel $0xFFFF  }
0xbe: {  	[dreg:$0x0] =	wrdreg $0xFFFFFFFF;
	(pc) =	sbr.abs _section_cstart, $3  }
0xbf: {  	[dreg:$0x1] =	wrdreg $0xFFFFFFFF  }
0xc0: {  	_ =	task.clear_ibuf [dreg:s6], $0x2FFFF;
	_ =	strace $0x9FFFFFFF  }
0xc1: {  	(tm) =	ssettm $0x7FFFFFFF  }
tec
execute0_lowered:
.L_overlay_start_1:
0x0: {  	(tag) =	ssettag $0x1  }
0x1: {  	s0 =	srdreg.scid;
	s1 =	rddreg [dreg:$0x0]  }
0x2: {  	s5 =	stileid.u32;
	s2 =	simm.s32 $0x0;
	v0 =	vimm.s32 $0xFEDCBA98;
	v1 =	vimm.s32 $0x76543210;
	s25 =	simm.s32 $0x3  }
0x3: {  	v3 =	vimm.s32 $0xBA98FEDC;
	s9 =	simm.s32 $0x16000;
	s11 =	simm.s32 $0x16800;
	s12 =	simm.s32 $0x17000  }
0x4: {  	v4 =	vimm.s32 $0x32107654;
	s13 =	simm.s32 $0x17800;
	s14 =	simm.s32 $0x18000;
	s15 =	simm.s32 $0x18800;
	v0 =	vunpack.c.l.s4.s8 v0  }
0x5: {  	v5 =	vimm.s32 $0xDCFE98BA;
	v6 =	vimm.s32 $0x54761032;
	s16 =	simm.s32 $0x19000;
	s17 =	simm.s32 $0x19800;
	s18 =	simm.s32 $0x1;
	v1 =	vunpack.c.l.s4.s8 v1  }
0x6: {  	v7 =	vimm.s32 $0x67452301;
	vm0 =	vmmov $0xffff;
	s19 =	simm.s32 $0x1A000;
	s20 =	simm.s32 $0x2;
	s0 =	sand.u32 $0x1, s0;
	v2 =	vunpack.c.0.s8.s32 v0  }
0x7: {  	s21 =	simm.s32 $0x1A080;
	[smem:$0x7FF] =	sst s2;
	v3 =	vunpack.c.l.s4.s8 v3;
	v4 =	vunpack.c.l.s4.s8 v4;
	s3 =	sshll.u32 s0, $0x4;
	v1 =	vunpack.c.0.s8.s32 v1  }
0x8: {  	v5 =	vunpack.c.l.s4.s8 v5;
	v6 =	vunpack.c.l.s4.s8 v6;
	s4 =	smul.u32 $0x50000, s0;
	s0 =	ssub.s32 $0x2, s0;
	s5 =	sor.u32 s5, s3;
	v2 =	vand.u32 $0xF, v2  }
0x9: {  	s8 =	sadd.s32 $0xA2A08, s1;
	s6 =	sshrl.u32 s0, $0x1;
	s3 =	smul.u32 $0xA00, s5;
	v1 =	vcombine.low v2, v1;
	v2 =	vunpack.c.0.s8.s32 v3;
	v3 =	vimm.s32 $0xEFCDAB89  }
.Ltmp0:
0xa: {  	v7 =	vunpack.c.l.s4.s8 v7;
	_ =	strace $0x80000050;
	v0 =	vlaneseq.u32;
	s0 =	ssub.s32 s0, s6;
	v3 =	vunpack.c.l.s4.s8 v3;
	(pc) =	sbr.rel .LBB2_1-.Ltmp0, $4  }
0xb: {  	v4 =	vunpack.c.0.s8.s32 v4;
	v5 =	vunpack.c.0.s8.s32 v5;
	v6 =	vunpack.c.0.s8.s32 v6;
	s4 =	sadd.s32 s4, s1;
	s0 =	smax.u32 s0, $0x1;
	s7 =	sadd.s32 s3, s1  }
0xc: {  	v7 =	vunpack.c.0.s8.s32 v7;
	v8 =	vshrl.u32 v0, $0x3;
	s6 =	sadd.s32 $0x2A00, s4;
	[dreg:$0x4] =	wrdreg s0;
	s30 =	sadd.s32 $0xFD200, s7;
	v9 =	vunpack.c.0.s8.s32 v3  }
0xd: {  	v5 =	vcombine.low v6, v5;
	v6 =	vor.u32 $0x8, v0;
	s3 =	sadd.s32 $0xA2A00, s1;
	s31 =	sadd.s32 $0x111200, s7;
	[dreg:$0x2] =	wrdreg s30;
	v2 =	vcombine.low v4, v2  }
0xe: {  	s1 =	simm.s32 $0x0;
	s7 =	smul.u32 $0x500, s5;
	[dreg:$0x3] =	wrdreg s31;
	v4 =	vmul.u32 $0x8, v8;
	v3 =	vand.u32 $0x7, v0;
	v7 =	vcombine.low v7, v9  }
.LBB2_15:
0xf: {  	s1 =	rddreg [dreg:$0x5]  }
0x10: {  	s0 =	rddreg [dreg:$0x4];
	s1 =	sadd.s32 $0x1, s1  }
0x11: {  	p0 =	sne.s32 s1, s0  }
.Ltmp1:
0x12: {  	_ = 	snop;
	(pc) =	sbr.rel @!p0 .LBB2_16-.Ltmp1, $1  }
0x13: {  	_ =	sdelay $0x3  }
.LBB2_1:
0x14: {  	[dreg:$0x5] =	wrdreg s1  }
0x15: {  	s0 =	rddreg [dreg:$0x2]  }
0x16: {  	[tilespmem:s2], [sflag:$0x3] =	stream.linear.gather [hbm4b:s0+s2], $0x5000, $0x38;
	[tilespmem:$0x1A100] =	vst v63  }
0x17: {  	_ =	swait.ge [sflag:s25], $0x5000  }
0x18: {  	[sflag:s25] =	ssyncset.done $0x0  }
0x19: {  	s31 =	simm.s32 $0x5000;
	s30 =	rddreg [dreg:$0x3];
	[sflag:s25] =	ssyncadd.s32 $0xFFFFB000  }
0x1a: {  	[tilespmem:s31], [sflag:$0x3] =	stream.linear.gather [hbm4b:s30+s2], $0x5000, $0x38;
	[tilespmem:$0x1A100] =	vst v63  }
0x1b: {  	_ =	swait.ge [sflag:s25], $0x5000  }
0x1c: {  	[sflag:s25] =	ssyncset.done $0x0  }
0x1d: {  	[sflag:s25] =	ssyncadd.s32 $0xFFFFB000  }
0x1e: {  	v8 =	vld [tilespmem:$0x0];
	_ =	sdelay $0x4  }
0x1f: {  	v9 =	vshll.u32 v8, $0x1  }
0x20: {  	v8 =	vand.u32 $0x7, v8;
	v9 =	vand.u32 $0xFFFFFFF0, v9  }
0x21: {  	v8 =	vor.u32 v8, v9  }
0x22: {  	v9 =	vperm.xlane v8, v3;
	_ =	sdelay $0x1  }
0x23: {  	v8 =	vperm.xlane v8, v6;
	v9 =	vadd.s32 v4, v9;
	_ =	sdelay $0x1  }
0x24: {  	v8 =	vadd.s32 v4, v8;
	_ =	sdelay $0x1  }
0x25: {  	s1 =	simm.s32 $0xA000  }
0x26: {  	[tilespmem:s1], [sflag:$0x1] =	stream.indirect_vreg.gather [hbm4b:s6+s2], $0x80, v9, vm0, $0xb8;
	[tilespmem:$0x1A100] =	vst v63  }
0x27: {  	s4 =	simm.s32 $0xA800  }
0x28: {  	[tilespmem:s4], [sflag:$0x1] =	stream.indirect_vreg.gather [hbm4b:s6+s2], $0x80, v8, vm0, $0xb8;
	[tilespmem:$0x1A100] =	vst v63  }
0x29: {  	v8 =	vld [tilespmem:$0x10];
	_ =	sdelay $0x4  }
0x2a: {  	v49 =	vshll.u32 v8, $0x1  }
0x2b: {  	v8 =	vand.u32 $0x7, v8;
	v9 =	vand.u32 $0xFFFFFFF0, v49  }
0x2c: {  	v8 =	vor.u32 v8, v9  }
0x2d: {  	v9 =	vperm.xlane v8, v3;
	_ =	sdelay $0x1  }
0x2e: {  	v8 =	vperm.xlane v8, v6;
	v9 =	vadd.s32 v4, v9;
	_ =	sdelay $0x1  }
0x2f: {  	v8 =	vadd.s32 v4, v8;
	_ =	sdelay $0x1  }
0x30: {  	s5 =	simm.s32 $0xB000  }
0x31: {  	[tilespmem:s5], [sflag:$0x1] =	stream.indirect_vreg.gather [hbm4b:s6+s2], $0x80, v9, vm0, $0xb8;
	[tilespmem:$0x1A100] =	vst v63  }
0x32: {  	s10 =	simm.s32 $0xB800  }
0x33: {  	[tilespmem:s10], [sflag:$0x1] =	stream.indirect_vreg.gather [hbm4b:s6+s2], $0x80, v8, vm0, $0xb8;
	[tilespmem:$0x1A100] =	vst v63  }
0x34: {  	v8 =	vld [tilespmem:$0x20];
	_ =	sdelay $0x4  }
0x35: {  	v50 =	vshll.u32 v8, $0x1  }
0x36: {  	v8 =	vand.u32 $0x7, v8;
	v9 =	vand.u32 $0xFFFFFFF0, v50  }
0x37: {  	v8 =	vor.u32 v8, v9  }
0x38: {  	v9 =	vperm.xlane v8, v3;
	_ =	sdelay $0x1  }
0x39: {  	v8 =	vperm.xlane v8, v6;
	v9 =	vadd.s32 v4, v9;
	_ =	sdelay $0x1  }
0x3a: {  	v8 =	vadd.s32 v4, v8;
	_ =	sdelay $0x1  }
0x3b: {  	s22 =	simm.s32 $0xC000  }
0x3c: {  	[tilespmem:s22], [sflag:$0x1] =	stream.indirect_vreg.gather [hbm4b:s6+s2], $0x80, v9, vm0, $0xb8;
	[tilespmem:$0x1A100] =	vst v63  }
0x3d: {  	s23 =	simm.s32 $0xC800  }
0x3e: {  	[tilespmem:s23], [sflag:$0x1] =	stream.indirect_vreg.gather [hbm4b:s6+s2], $0x80, v8, vm0, $0xb8;
	[tilespmem:$0x1A100] =	vst v63  }
0x3f: {  	v8 =	vld [tilespmem:$0x30];
	_ =	sdelay $0x4  }
0x40: {  	v51 =	vshll.u32 v8, $0x1  }
0x41: {  	v8 =	vand.u32 $0x7, v8;
	v9 =	vand.u32 $0xFFFFFFF0, v51  }
0x42: {  	v8 =	vor.u32 v8, v9  }
0x43: {  	v9 =	vperm.xlane v8, v3;
	_ =	sdelay $0x1  }
0x44: {  	v8 =	vperm.xlane v8, v6;
	v9 =	vadd.s32 v4, v9;
	_ =	sdelay $0x1  }
0x45: {  	v8 =	vadd.s32 v4, v8;
	_ =	sdelay $0x1  }
0x46: {  	s24 =	simm.s32 $0xD000  }
0x47: {  	[tilespmem:s24], [sflag:$0x1] =	stream.indirect_vreg.gather [hbm4b:s6+s2], $0x80, v9, vm0, $0xb8;
	[tilespmem:$0x1A100] =	vst v63  }
0x48: {  	s26 =	simm.s32 $0xD800  }
0x49: {  	[tilespmem:s26], [sflag:$0x1] =	stream.indirect_vreg.gather [hbm4b:s6+s2], $0x80, v8, vm0, $0xb8;
	[tilespmem:$0x1A100] =	vst v63  }
0x4a: {  	v8 =	vld [tilespmem:$0x5000];
	_ =	sdelay $0x4  }
0x4b: {  	v52 =	vshll.u32 v8, $0x1  }
0x4c: {  	v8 =	vand.u32 $0x7, v8;
	v9 =	vand.u32 $0xFFFFFFF0, v52  }
0x4d: {  	v8 =	vor.u32 v8, v9  }
0x4e: {  	v9 =	vperm.xlane v8, v3;
	_ =	sdelay $0x1  }
0x4f: {  	v8 =	vperm.xlane v8, v6;
	v9 =	vadd.s32 v4, v9;
	_ =	sdelay $0x1  }
0x50: {  	v8 =	vadd.s32 v4, v8;
	_ =	sdelay $0x1  }
0x51: {  	s28 =	simm.s32 $0xE000  }
0x52: {  	[tilespmem:s28], [sflag:$0x1] =	stream.indirect_vreg.gather [hbm4b:s6+s2], $0x80, v9, vm0, $0xb8;
	[tilespmem:$0x1A100] =	vst v63  }
0x53: {  	s29 =	simm.s32 $0xE800  }
0x54: {  	[tilespmem:s29], [sflag:$0x1] =	stream.indirect_vreg.gather [hbm4b:s6+s2], $0x80, v8, vm0, $0xb8;
	[tilespmem:$0x1A100] =	vst v63  }
0x55: {  	v8 =	vld [tilespmem:$0x5010];
	_ =	sdelay $0x4  }
0x56: {  	v53 =	vshll.u32 v8, $0x1  }
0x57: {  	v8 =	vand.u32 $0x7, v8;
	v9 =	vand.u32 $0xFFFFFFF0, v53  }
0x58: {  	v8 =	vor.u32 v8, v9  }
0x59: {  	v9 =	vperm.xlane v8, v3;
	_ =	sdelay $0x1  }
0x5a: {  	v8 =	vperm.xlane v8, v6;
	v9 =	vadd.s32 v4, v9;
	_ =	sdelay $0x1  }
0x5b: {  	v8 =	vadd.s32 v4, v8;
	_ =	sdelay $0x1  }
0x5c: {  	s30 =	simm.s32 $0xF000  }
0x5d: {  	[tilespmem:s30], [sflag:$0x1] =	stream.indirect_vreg.gather [hbm4b:s6+s2], $0x80, v9, vm0, $0xb8;
	[tilespmem:$0x1A100] =	vst v63  }
0x5e: {  	s31 =	simm.s32 $0xF800  }
0x5f: {  	[tilespmem:s31], [sflag:$0x1] =	stream.indirect_vreg.gather [hbm4b:s6+s2], $0x80, v8, vm0, $0xb8;
	[tilespmem:$0x1A100] =	vst v63  }
0x60: {  	v8 =	vld [tilespmem:$0x5020];
	_ =	sdelay $0x4  }
0x61: {  	v54 =	vshll.u32 v8, $0x1  }
0x62: {  	v8 =	vand.u32 $0x7, v8;
	v9 =	vand.u32 $0xFFFFFFF0, v54  }
0x63: {  	v8 =	vor.u32 v8, v9  }
0x64: {  	v9 =	vperm.xlane v8, v3;
	_ =	sdelay $0x1  }
0x65: {  	v8 =	vperm.xlane v8, v6;
	v9 =	vadd.s32 v4, v9;
	_ =	sdelay $0x1  }
0x66: {  	v8 =	vadd.s32 v4, v8;
	_ =	sdelay $0x1  }
0x67: {  	s1 =	simm.s32 $0x10000  }
0x68: {  	[tilespmem:s1], [sflag:$0x1] =	stream.indirect_vreg.gather [hbm4b:s6+s2], $0x80, v9, vm0, $0xb8;
	[tilespmem:$0x1A100] =	vst v63  }
0x69: {  	s4 =	simm.s32 $0x10800  }
0x6a: {  	[tilespmem:s4], [sflag:$0x1] =	stream.indirect_vreg.gather [hbm4b:s6+s2], $0x80, v8, vm0, $0xb8;
	[tilespmem:$0x1A100] =	vst v63  }
0x6b: {  	v8 =	vld [tilespmem:$0x5030];
	_ =	sdelay $0x4  }
0x6c: {  	v55 =	vshll.u32 v8, $0x1  }
0x6d: {  	v8 =	vand.u32 $0x7, v8;
	v9 =	vand.u32 $0xFFFFFFF0, v55  }
0x6e: {  	v8 =	vor.u32 v8, v9  }
0x6f: {  	v9 =	vperm.xlane v8, v3;
	_ =	sdelay $0x1  }
0x70: {  	v8 =	vperm.xlane v8, v6;
	v9 =	vadd.s32 v4, v9;
	_ =	sdelay $0x1  }
0x71: {  	v8 =	vadd.s32 v4, v8;
	_ =	sdelay $0x1  }
0x72: {  	s5 =	simm.s32 $0x11000  }
0x73: {  	[tilespmem:s5], [sflag:$0x1] =	stream.indirect_vreg.gather [hbm4b:s6+s2], $0x80, v9, vm0, $0xb8;
	[tilespmem:$0x1A100] =	vst v63  }
0x74: {  	s10 =	simm.s32 $0x11800  }
0x75: {  	[tilespmem:s10], [sflag:$0x1] =	stream.indirect_vreg.gather [hbm4b:s6+s2], $0x80, v8, vm0, $0xb8;
	[tilespmem:$0x1A100] =	vst v63  }
0x76: {  	v8 =	vld [tilespmem:$0x80];
	_ =	sdelay $0x4  }
0x77: {  	v56 =	vshll.u32 v8, $0x1  }
0x78: {  	v8 =	vand.u32 $0x7, v8;
	v9 =	vand.u32 $0xFFFFFFF0, v56  }
0x79: {  	v8 =	vor.u32 v8, v9  }
0x7a: {  	v9 =	vperm.xlane v8, v3;
	_ =	sdelay $0x1  }
0x7b: {  	v8 =	vperm.xlane v8, v6;
	v9 =	vadd.s32 v4, v9;
	_ =	sdelay $0x1  }
0x7c: {  	v8 =	vadd.s32 v4, v8;
	_ =	sdelay $0x1  }
0x7d: {  	s22 =	simm.s32 $0x12000  }
0x7e: {  	[tilespmem:s22], [sflag:$0x2] =	stream.indirect_vreg.gather [hbm4b:s6+s2], $0x80, v9, vm0, $0xb8;
	[tilespmem:$0x1A100] =	vst v63  }
0x7f: {  	s23 =	simm.s32 $0x12800  }
0x80: {  	[tilespmem:s23], [sflag:$0x2] =	stream.indirect_vreg.gather [hbm4b:s6+s2], $0x80, v8, vm0, $0xb8;
	[tilespmem:$0x1A100] =	vst v63  }
0x81: {  	v8 =	vld [tilespmem:$0x90];
	_ =	sdelay $0x4  }
0x82: {  	v57 =	vshll.u32 v8, $0x1  }
0x83: {  	v8 =	vand.u32 $0x7, v8;
	v9 =	vand.u32 $0xFFFFFFF0, v57  }
0x84: {  	v8 =	vor.u32 v8, v9  }
0x85: {  	v9 =	vperm.xlane v8, v3;
	_ =	sdelay $0x1  }
0x86: {  	v8 =	vperm.xlane v8, v6;
	v9 =	vadd.s32 v4, v9;
	_ =	sdelay $0x1  }
0x87: {  	v8 =	vadd.s32 v4, v8;
	_ =	sdelay $0x1  }
0x88: {  	s24 =	simm.s32 $0x13000  }
0x89: {  	[tilespmem:s24], [sflag:$0x2] =	stream.indirect_vreg.gather [hbm4b:s6+s2], $0x80, v9, vm0, $0xb8;
	[tilespmem:$0x1A100] =	vst v63  }
0x8a: {  	s26 =	simm.s32 $0x13800  }
0x8b: {  	[tilespmem:s26], [sflag:$0x2] =	stream.indirect_vreg.gather [hbm4b:s6+s2], $0x80, v8, vm0, $0xb8;
	[tilespmem:$0x1A100] =	vst v63  }
0x8c: {  	v8 =	vld [tilespmem:$0xA0];
	_ =	sdelay $0x4  }
0x8d: {  	v58 =	vshll.u32 v8, $0x1  }
0x8e: {  	v8 =	vand.u32 $0x7, v8;
	v9 =	vand.u32 $0xFFFFFFF0, v58  }
0x8f: {  	v8 =	vor.u32 v8, v9  }
0x90: {  	v9 =	vperm.xlane v8, v3;
	_ =	sdelay $0x1  }
0x91: {  	v8 =	vperm.xlane v8, v6;
	v9 =	vadd.s32 v4, v9;
	_ =	sdelay $0x1  }
0x92: {  	v8 =	vadd.s32 v4, v8;
	_ =	sdelay $0x1  }
0x93: {  	s28 =	simm.s32 $0x14000  }
0x94: {  	[tilespmem:s28], [sflag:$0x2] =	stream.indirect_vreg.gather [hbm4b:s6+s2], $0x80, v9, vm0, $0xb8;
	[tilespmem:$0x1A100] =	vst v63  }
0x95: {  	s29 =	simm.s32 $0x14800  }
0x96: {  	[tilespmem:s29], [sflag:$0x2] =	stream.indirect_vreg.gather [hbm4b:s6+s2], $0x80, v8, vm0, $0xb8;
	[tilespmem:$0x1A100] =	vst v63  }
0x97: {  	v8 =	vld [tilespmem:$0xB0];
	_ =	sdelay $0x4  }
0x98: {  	v59 =	vshll.u32 v8, $0x1  }
0x99: {  	v8 =	vand.u32 $0x7, v8;
	v9 =	vand.u32 $0xFFFFFFF0, v59  }
0x9a: {  	v8 =	vor.u32 v8, v9  }
0x9b: {  	v9 =	vperm.xlane v8, v3;
	_ =	sdelay $0x1  }
0x9c: {  	v8 =	vperm.xlane v8, v6;
	v9 =	vadd.s32 v4, v9;
	_ =	sdelay $0x1  }
0x9d: {  	v8 =	vadd.s32 v4, v8;
	_ =	sdelay $0x1  }
0x9e: {  	s30 =	simm.s32 $0x15000  }
0x9f: {  	[tilespmem:s30], [sflag:$0x2] =	stream.indirect_vreg.gather [hbm4b:s6+s2], $0x80, v9, vm0, $0xb8;
	[tilespmem:$0x1A100] =	vst v63  }
0xa0: {  	s31 =	simm.s32 $0x15800  }
0xa1: {  	[tilespmem:s31], [sflag:$0x2] =	stream.indirect_vreg.gather [hbm4b:s6+s2], $0x80, v8, vm0, $0xb8;
	[tilespmem:$0x1A100] =	vst v63  }
0xa2: {  	v8 =	vld [tilespmem:$0x5080];
	_ =	sdelay $0x4  }
0xa3: {  	v60 =	vshll.u32 v8, $0x1  }
0xa4: {  	v8 =	vand.u32 $0x7, v8;
	v9 =	vand.u32 $0xFFFFFFF0, v60  }
0xa5: {  	v8 =	vor.u32 v8, v9  }
0xa6: {  	v9 =	vperm.xlane v8, v3;
	_ =	sdelay $0x1  }
0xa7: {  	v8 =	vperm.xlane v8, v6;
	v9 =	vadd.s32 v4, v9;
	_ =	sdelay $0x1  }
0xa8: {  	v8 =	vadd.s32 v4, v8;
	_ =	sdelay $0x2  }
0xa9: {  	[tilespmem:s9], [sflag:$0x2] =	stream.indirect_vreg.gather [hbm4b:s6+s2], $0x80, v9, vm0, $0xb8;
	[tilespmem:$0x1A100] =	vst v63  }
0xaa: {  	_ = 	snop  }
0xab: {  	[tilespmem:s11], [sflag:$0x2] =	stream.indirect_vreg.gather [hbm4b:s6+s2], $0x80, v8, vm0, $0xb8;
	[tilespmem:$0x1A100] =	vst v63  }
0xac: {  	v8 =	vld [tilespmem:$0x5090];
	_ =	sdelay $0x4  }
0xad: {  	v61 =	vshll.u32 v8, $0x1  }
0xae: {  	v8 =	vand.u32 $0x7, v8;
	v9 =	vand.u32 $0xFFFFFFF0, v61  }
0xaf: {  	v8 =	vor.u32 v8, v9  }
0xb0: {  	v9 =	vperm.xlane v8, v3;
	_ =	sdelay $0x1  }
0xb1: {  	v8 =	vperm.xlane v8, v6;
	v9 =	vadd.s32 v4, v9;
	_ =	sdelay $0x1  }
0xb2: {  	v8 =	vadd.s32 v4, v8;
	_ =	sdelay $0x2  }
0xb3: {  	[tilespmem:s12], [sflag:$0x2] =	stream.indirect_vreg.gather [hbm4b:s6+s2], $0x80, v9, vm0, $0xb8;
	[tilespmem:$0x1A100] =	vst v63  }
0xb4: {  	_ = 	snop  }
0xb5: {  	[tilespmem:s13], [sflag:$0x2] =	stream.indirect_vreg.gather [hbm4b:s6+s2], $0x80, v8, vm0, $0xb8;
	[tilespmem:$0x1A100] =	vst v63  }
0xb6: {  	v8 =	vld [tilespmem:$0x50A0];
	_ =	sdelay $0x4  }
0xb7: {  	v62 =	vshll.u32 v8, $0x1  }
0xb8: {  	v8 =	vand.u32 $0x7, v8;
	v9 =	vand.u32 $0xFFFFFFF0, v62  }
0xb9: {  	v8 =	vor.u32 v8, v9  }
0xba: {  	v9 =	vperm.xlane v8, v3;
	_ =	sdelay $0x1  }
0xbb: {  	v8 =	vperm.xlane v8, v6;
	v9 =	vadd.s32 v4, v9;
	_ =	sdelay $0x1  }
0xbc: {  	v8 =	vadd.s32 v4, v8;
	_ =	sdelay $0x2  }
0xbd: {  	[tilespmem:s14], [sflag:$0x2] =	stream.indirect_vreg.gather [hbm4b:s6+s2], $0x80, v9, vm0, $0xb8;
	[tilespmem:$0x1A100] =	vst v63  }
0xbe: {  	_ = 	snop  }
0xbf: {  	[tilespmem:s15], [sflag:$0x2] =	stream.indirect_vreg.gather [hbm4b:s6+s2], $0x80, v8, vm0, $0xb8;
	[tilespmem:$0x1A100] =	vst v63  }
0xc0: {  	v8 =	vld [tilespmem:$0x50B0];
	_ =	sdelay $0x4  }
0xc1: {  	v63 =	vshll.u32 v8, $0x1  }
0xc2: {  	v8 =	vand.u32 $0x7, v8;
	v9 =	vand.u32 $0xFFFFFFF0, v63  }
0xc3: {  	v8 =	vor.u32 v8, v9  }
0xc4: {  	v9 =	vperm.xlane v8, v3;
	_ =	sdelay $0x1  }
0xc5: {  	v8 =	vperm.xlane v8, v6;
	v9 =	vadd.s32 v4, v9;
	_ =	sdelay $0x1  }
0xc6: {  	v8 =	vadd.s32 v4, v8  }
.Ltmp2:
0xc7: {  	_ = 	snop;
	(pc) =	sbr.rel .LBB2_2-.Ltmp2, $4  }
0xc8: {  	_ = 	snop  }
0xc9: {  	[tilespmem:s16], [sflag:$0x2] =	stream.indirect_vreg.gather [hbm4b:s6+s2], $0x80, v9, vm0, $0xb8;
	[tilespmem:$0x1A100] =	vst v63  }
0xca: {  	s22 =	simm.s32 $0x0  }
0xcb: {  	[tilespmem:s17], [sflag:$0x2] =	stream.indirect_vreg.gather [hbm4b:s6+s2], $0x80, v8, vm0, $0xb8;
	[tilespmem:$0x1A100] =	vst v63  }
.LBB2_14:
0xcc: {  	s22 =	sadd.s32 $0x1, s22  }
0xcd: {  	p0 =	sne.s32 s22, $0x50  }
.Ltmp3:
0xce: {  	s0 =	sadd.s32 s23, s8;
	(pc) =	sbr.rel @!p0 .LBB2_15-.Ltmp3, $4  }
0xcf: {  	[hbm4b:s0+s2] =	stream.linear.scatter [tilespmem:s21], [sflag:$0x3], $0x40, $0x38;
	[tilespmem:$0x1A100] =	vst v63  }
0xd0: {  	_ =	swait.ge [sflag:s25], $0x40  }
0xd1: {  	[sflag:s25] =	ssyncset.done $0x0  }
0xd2: {  	[sflag:s25] =	ssyncadd.s32 $0xFFFFFFC0  }
.LBB2_2:
0xd3: {  	_ =	swait.ge [sflag:s18], $0x4000  }
0xd4: {  	[sflag:s18] =	ssyncset.done $0x0  }
0xd5: {  	[sflag:s18] =	ssyncadd.s32 $0xFFFFC000  }
0xd6: {  	_ =	swait.ge [sflag:s18], $0x4000  }
0xd7: {  	[sflag:s18] =	ssyncset.done $0x0  }
0xd8: {  	s23 =	simm.s32 $0x0;
	s24 =	simm.s32 $0x0;
	[sflag:s18] =	ssyncadd.s32 $0xFFFFC000  }
.LBB2_3:
0xd9: {  	s29 =	sshll.u32 s24, $0xC;
	s0 =	sand.u32 $0x800, s23  }
0xda: {  	s1 =	sand.u32 $0x380, s23;
	s0 =	sor.u32 s29, s0  }
0xdb: {  	s1 =	sor.u32 s1, s0  }
0xdc: {  	v8 =	vld [tilespmem:s1+$0xA000]  }
0xdd: {  	v9 =	vld [tilespmem:s1+$0xE000]  }
0xde: {  	v10 =	vld [tilespmem:s1+$0xA010]  }
0xdf: {  	v11 =	vld [tilespmem:s1+$0xE010]  }
0xe0: {  	v12 =	vld [tilespmem:s1+$0xA020]  }
0xe1: {  	v13 =	vld [tilespmem:s1+$0xE020]  }
0xe2: {  	v14 =	vld [tilespmem:s1+$0xA030]  }
0xe3: {  	v15 =	vld [tilespmem:s1+$0xE030]  }
0xe4: {  	v8 =	vmul.f32 v9, v8;
	v9 =	vmul.f32 v11, v10;
	v10 =	vld [tilespmem:s1+$0xA040]  }
0xe5: {  	v11 =	vld [tilespmem:s1+$0xE040]  }
0xe6: {  	v8 =	vadd.f32 v9, v8;
	v9 =	vmul.f32 v13, v12;
	v12 =	vld [tilespmem:s1+$0xA050]  }
0xe7: {  	v13 =	vld [tilespmem:s1+$0xE050]  }
0xe8: {  	v8 =	vadd.f32 v9, v8;
	v9 =	vmul.f32 v15, v14;
	v14 =	vld [tilespmem:s1+$0xA060]  }
0xe9: {  	v15 =	vld [tilespmem:s1+$0xE060]  }
0xea: {  	v8 =	vadd.f32 v9, v8;
	v9 =	vmul.f32 v11, v10;
	v10 =	vld [tilespmem:s1+$0xA070]  }
0xeb: {  	v11 =	vld [tilespmem:s1+$0xE070]  }
0xec: {  	v8 =	vadd.f32 v9, v8;
	v9 =	vmul.f32 v13, v12;
	v12 =	vld [tilespmem:s1+$0xA400]  }
0xed: {  	v13 =	vld [tilespmem:s1+$0xE400]  }
0xee: {  	v8 =	vadd.f32 v9, v8;
	v9 =	vmul.f32 v15, v14;
	v14 =	vld [tilespmem:s1+$0xA410]  }
0xef: {  	v15 =	vld [tilespmem:s1+$0xE410]  }
0xf0: {  	v8 =	vadd.f32 v9, v8;
	v9 =	vmul.f32 v11, v10;
	v10 =	vld [tilespmem:s1+$0xA420]  }
0xf1: {  	v11 =	vld [tilespmem:s1+$0xE420]  }
0xf2: {  	v8 =	vadd.f32 v9, v8;
	v9 =	vmul.f32 v13, v12;
	v12 =	vld [tilespmem:s1+$0xA430]  }
0xf3: {  	v13 =	vld [tilespmem:s1+$0xE430]  }
0xf4: {  	v8 =	vadd.f32 v9, v8;
	v9 =	vmul.f32 v15, v14;
	v14 =	vld [tilespmem:s1+$0xA440]  }
0xf5: {  	v15 =	vld [tilespmem:s1+$0xE440]  }
0xf6: {  	v16 =	vld [tilespmem:s1+$0xA450];
	v8 =	vadd.f32 v9, v8;
	v9 =	vmul.f32 v11, v10  }
0xf7: {  	v17 =	vld [tilespmem:s1+$0xE450]  }
0xf8: {  	s31 =	simm.s32 $0x100;
	v10 =	vld [tilespmem:s1+$0xE460];
	v11 =	vmul.f32 v13, v12;
	v8 =	vadd.f32 v9, v8  }
0xf9: {  	s10 =	sand.u32 $0x800, s31;
	s0 =	simm.s32 $0x80;
	v9 =	vld [tilespmem:s1+$0xA460]  }
0xfa: {  	s10 =	sor.u32 s29, s10;
	s26 =	sand.u32 $0x380, s0;
	v12 =	vld [tilespmem:s1+$0xE470];
	v14 =	vmul.f32 v15, v14;
	v13 =	vadd.f32 v11, v8  }
0xfb: {  	s30 =	sor.u32 s26, s10;
	v11 =	vld [tilespmem:s1+$0xA470]  }
0xfc: {  	s28 =	simm.s32 $0x0;
	s26 =	simm.s32 $0x1;
	v15 =	vld [tilespmem:s30+$0xA000];
	v8 =	vimm.f32 $0.0e+00;
	s1 =	simm.s32 $0x2;
	v13 =	vadd.f32 v14, v13;
	v14 =	vmul.f32 v17, v16  }
.LBB2_4:
0xfd: {  	p0 =	sne.s32 s1, $0xF;
	v16 =	vld [tilespmem:s30+$0xE000]  }
0xfe: {  	v17 =	vld [tilespmem:s30+$0xA010];
	v13 =	vadd.f32 v14, v13;
	v9 =	vmul.f32 v10, v9  }
0xff: {  	v10 =	vld [tilespmem:s30+$0xE010]  }
0x100: {  	v14 =	vld [tilespmem:s30+$0xA020];
	v9 =	vadd.f32 v9, v13;
	v11 =	vmul.f32 v12, v11  }
0x101: {  	v12 =	vld [tilespmem:s30+$0xE020]  }
0x102: {  	v13 =	vld [tilespmem:s30+$0xA030];
	v9 =	vadd.f32 v11, v9  }
0x103: {  	v11 =	vmul.f32 v16, v15;
	v15 =	vld [tilespmem:s30+$0xE030]  }
0x104: {  	v10 =	vmul.f32 v10, v17;
	v16 =	vld [tilespmem:s30+$0xA040];
	v17 =	vperm.xlane v9, v1  }
0x105: {  	v18 =	vld [tilespmem:s30+$0xE040]  }
0x106: {  	v10 =	vadd.f32 v10, v11;
	v11 =	vmul.f32 v12, v14;
	v12 =	vld [tilespmem:s30+$0xA050];
	v9 =	vadd.f32 v9, v17  }
0x107: {  	v14 =	vld [tilespmem:s30+$0xE050]  }
0x108: {  	v10 =	vadd.f32 v11, v10;
	v11 =	vmul.f32 v15, v13;
	v13 =	vld [tilespmem:s30+$0xA060];
	v15 =	vperm.xlane v9, v2  }
0x109: {  	v17 =	vld [tilespmem:s30+$0xE060]  }
0x10a: {  	v10 =	vadd.f32 v11, v10;
	v11 =	vmul.f32 v18, v16;
	v16 =	vld [tilespmem:s30+$0xA070];
	v9 =	vadd.f32 v9, v15  }
0x10b: {  	v15 =	vld [tilespmem:s30+$0xE070]  }
0x10c: {  	v10 =	vadd.f32 v11, v10;
	v11 =	vmul.f32 v14, v12;
	v12 =	vld [tilespmem:s30+$0xA400];
	v14 =	vperm.xlane v9, v5  }
0x10d: {  	v18 =	vld [tilespmem:s30+$0xE400]  }
0x10e: {  	v10 =	vadd.f32 v11, v10;
	v11 =	vmul.f32 v17, v13;
	v13 =	vld [tilespmem:s30+$0xA410];
	v9 =	vadd.f32 v9, v14  }
0x10f: {  	v14 =	vld [tilespmem:s30+$0xE410]  }
0x110: {  	v10 =	vadd.f32 v11, v10;
	v11 =	vmul.f32 v15, v16;
	v15 =	vld [tilespmem:s30+$0xA420];
	v16 =	vperm.xlane v9, v7  }
0x111: {  	v19 =	vmov s28;
	s28 =	smov.u32 s26;
	s26 =	smov.u32 s1;
	v17 =	vld [tilespmem:s30+$0xE420]  }
0x112: {  	v10 =	vadd.f32 v11, v10;
	v11 =	vmul.f32 v18, v12;
	v12 =	vld [tilespmem:s30+$0xA430];
	v9 =	vadd.f32 v9, v16  }
0x113: {  	vm1 =	veq.s32 v19, v0;
	v16 =	vld [tilespmem:s30+$0xE430]  }
0x114: {  	v10 =	vadd.f32 v11, v10;
	v11 =	vmul.f32 v14, v13;
	v13 =	vld [tilespmem:s30+$0xA440];
	v8 =	vsel vm1, v9, v8  }
0x115: {  	v14 =	vld [tilespmem:s30+$0xE440]  }
0x116: {  	v9 =	vadd.f32 v11, v10;
	v10 =	vmul.f32 v17, v15;
	v17 =	vld [tilespmem:s30+$0xA450]  }
0x117: {  	v18 =	vld [tilespmem:s30+$0xE450]  }
.Ltmp4:
0x118: {  	s31 =	sadd.s32 $0x100, s31;
	v11 =	vadd.f32 v10, v9;
	v12 =	vmul.f32 v16, v12;
	v9 =	vld [tilespmem:s30+$0xA460];
	(pc) =	sbr.rel @p0 .LBB2_4-.Ltmp4, $4  }
0x119: {  	s0 =	sadd.s32 $0x80, s0;
	s10 =	sand.u32 $0x800, s31;
	v10 =	vld [tilespmem:s30+$0xE460]  }
0x11a: {  	s4 =	sand.u32 $0x380, s0;
	s10 =	sor.u32 s29, s10;
	v16 =	vadd.f32 v12, v11;
	v13 =	vmul.f32 v14, v13;
	v11 =	vld [tilespmem:s30+$0xA470]  }
0x11b: {  	v12 =	vld [tilespmem:s30+$0xE470];
	s30 =	sor.u32 s4, s10  }
0x11c: {  	s1 =	sadd.s32 $0x1, s1;
	v15 =	vld [tilespmem:s30+$0xA000];
	v13 =	vadd.f32 v13, v16;
	v14 =	vmul.f32 v18, v17  }
0x11d: {  	v16 =	vld [tilespmem:s30+$0xE000]  }
0x11e: {  	v17 =	vld [tilespmem:s30+$0xA010]  }
0x11f: {  	v18 =	vld [tilespmem:s30+$0xE010]  }
0x120: {  	v19 =	vld [tilespmem:s30+$0xA020]  }
0x121: {  	v20 =	vld [tilespmem:s30+$0xE020]  }
0x122: {  	v21 =	vld [tilespmem:s30+$0xA030]  }
0x123: {  	v22 =	vld [tilespmem:s30+$0xE030]  }
0x124: {  	v63 =	vld [tilespmem:s30+$0xA040];
	v15 =	vmul.f32 v16, v15;
	v62 =	vmul.f32 v18, v17  }
0x125: {  	v24 =	vld [tilespmem:s30+$0xE040]  }
0x126: {  	v26 =	vld [tilespmem:s30+$0xA050];
	v25 =	vmul.f32 v20, v19;
	v15 =	vadd.f32 v62, v15  }
0x127: {  	v27 =	vld [tilespmem:s30+$0xE050]  }
0x128: {  	v29 =	vld [tilespmem:s30+$0xA060];
	v28 =	vmul.f32 v22, v21;
	v15 =	vadd.f32 v25, v15  }
0x129: {  	v30 =	vld [tilespmem:s30+$0xE060]  }
0x12a: {  	v32 =	vld [tilespmem:s30+$0xA070];
	v31 =	vmul.f32 v24, v63;
	v15 =	vadd.f32 v28, v15  }
0x12b: {  	v33 =	vld [tilespmem:s30+$0xE070]  }
0x12c: {  	v35 =	vld [tilespmem:s30+$0xA400];
	v34 =	vmul.f32 v27, v26;
	v15 =	vadd.f32 v31, v15  }
0x12d: {  	v36 =	vld [tilespmem:s30+$0xE400]  }
0x12e: {  	v38 =	vld [tilespmem:s30+$0xA410];
	v37 =	vmul.f32 v30, v29;
	v15 =	vadd.f32 v34, v15  }
0x12f: {  	v39 =	vld [tilespmem:s30+$0xE410]  }
0x130: {  	v41 =	vld [tilespmem:s30+$0xA420];
	v40 =	vmul.f32 v33, v32;
	v15 =	vadd.f32 v37, v15  }
0x131: {  	v42 =	vld [tilespmem:s30+$0xE420]  }
0x132: {  	v44 =	vld [tilespmem:s30+$0xA430];
	v43 =	vmul.f32 v36, v35;
	v15 =	vadd.f32 v40, v15  }
0x133: {  	v45 =	vld [tilespmem:s30+$0xE430]  }
0x134: {  	v47 =	vld [tilespmem:s30+$0xA440];
	v46 =	vmul.f32 v39, v38;
	v15 =	vadd.f32 v43, v15  }
0x135: {  	v48 =	vld [tilespmem:s30+$0xE440]  }
0x136: {  	v50 =	vld [tilespmem:s30+$0xA450];
	v49 =	vmul.f32 v42, v41;
	v15 =	vadd.f32 v46, v15  }
0x137: {  	v51 =	vld [tilespmem:s30+$0xE450]  }
0x138: {  	v53 =	vld [tilespmem:s30+$0xA460];
	v52 =	vmul.f32 v45, v44;
	v15 =	vadd.f32 v49, v15  }
0x139: {  	v54 =	vld [tilespmem:s30+$0xE460]  }
0x13a: {  	v56 =	vld [tilespmem:s30+$0xA470];
	v55 =	vmul.f32 v48, v47;
	v15 =	vadd.f32 v52, v15  }
0x13b: {  	v57 =	vld [tilespmem:s30+$0xE470]  }
0x13c: {  	v58 =	vmul.f32 v51, v50;
	v15 =	vadd.f32 v55, v15  }
0x13d: {  	v13 =	vadd.f32 v14, v13;
	v9 =	vmul.f32 v10, v9  }
0x13e: {  	v60 =	vmul.f32 v54, v53;
	v59 =	vadd.f32 v58, v15  }
0x13f: {  	v9 =	vadd.f32 v9, v13;
	v11 =	vmul.f32 v12, v11  }
0x140: {  	v61 =	vmul.f32 v57, v56;
	v10 =	vadd.f32 v60, v59  }
0x141: {  	v9 =	vadd.f32 v11, v9  }
0x142: {  	v10 =	vadd.f32 v61, v10  }
0x143: {  	v11 =	vperm.xlane v9, v1  }
0x144: {  	v12 =	vperm.xlane v10, v1  }
0x145: {  	v9 =	vadd.f32 v9, v11  }
0x146: {  	v10 =	vadd.f32 v10, v12  }
0x147: {  	v11 =	vperm.xlane v9, v2  }
0x148: {  	v12 =	vperm.xlane v10, v2  }
0x149: {  	v9 =	vadd.f32 v9, v11  }
0x14a: {  	v10 =	vadd.f32 v10, v12  }
0x14b: {  	v11 =	vperm.xlane v9, v5  }
0x14c: {  	v12 =	vperm.xlane v10, v5  }
0x14d: {  	v9 =	vadd.f32 v9, v11  }
0x14e: {  	v10 =	vadd.f32 v10, v12  }
0x14f: {  	s0 =	sshll.u32 s24, $0x4;
	s24 =	sadd.s32 $0x1, s24;
	v11 =	vperm.xlane v9, v7  }
0x150: {  	p0 =	sne.s32 s24, $0x4;
	v12 =	vperm.xlane v10, v7  }
.Ltmp5:
0x151: {  	v62 =	vmov s28;
	v9 =	vadd.f32 v9, v11;
	(pc) =	sbr.rel @p0 .LBB2_3-.Ltmp5, $4  }
0x152: {  	v63 =	vmov s26;
	vm1 =	veq.s32 v62, v0;
	v10 =	vadd.f32 v10, v12  }
0x153: {  	v8 =	vsel vm1, v9, v8;
	vm1 =	veq.s32 v63, v0  }
0x154: {  	s0 =	sand.u32 $0x3FFFFFF0, s0;
	v8 =	vsel vm1, v10, v8  }
0x155: {  	[tilespmem:s0+$0x1A000] =	vst v8  }
0x156: {  	p0 =	seq.s32 s22, $0x4F  }
.Ltmp6:
0x157: {  	_ = 	snop;
	(pc) =	sbr.rel @p0 .LBB2_8-.Ltmp6, $1  }
0x158: {  	_ =	sdelay $0x3  }
0x159: {  	s0 =	sshll.u32 s22, $0x8  }
0x15a: {  	v8 =	vld [tilespmem:s0+$0x100];
	_ =	sdelay $0x4  }
0x15b: {  	v9 =	vshll.u32 v8, $0x1  }
0x15c: {  	v8 =	vand.u32 $0x7, v8;
	v9 =	vand.u32 $0xFFFFFFF0, v9  }
0x15d: {  	v8 =	vor.u32 v8, v9  }
0x15e: {  	v9 =	vperm.xlane v8, v3;
	_ =	sdelay $0x1  }
0x15f: {  	v8 =	vperm.xlane v8, v6;
	v9 =	vadd.s32 v4, v9;
	_ =	sdelay $0x1  }
0x160: {  	v8 =	vadd.s32 v4, v8;
	_ =	sdelay $0x1  }
0x161: {  	s1 =	simm.s32 $0xA000  }
0x162: {  	[tilespmem:s1], [sflag:$0x1] =	stream.indirect_vreg.gather [hbm4b:s6+s2], $0x80, v9, vm0, $0xb8;
	[tilespmem:$0x1A100] =	vst v63  }
0x163: {  	s26 =	simm.s32 $0xA800  }
0x164: {  	[tilespmem:s26], [sflag:$0x1] =	stream.indirect_vreg.gather [hbm4b:s6+s2], $0x80, v8, vm0, $0xb8;
	[tilespmem:$0x1A100] =	vst v63  }
0x165: {  	v8 =	vld [tilespmem:s0+$0x110];
	_ =	sdelay $0x4  }
0x166: {  	v57 =	vshll.u32 v8, $0x1  }
0x167: {  	v8 =	vand.u32 $0x7, v8;
	v9 =	vand.u32 $0xFFFFFFF0, v57  }
0x168: {  	v8 =	vor.u32 v8, v9  }
0x169: {  	v9 =	vperm.xlane v8, v3;
	_ =	sdelay $0x1  }
0x16a: {  	v8 =	vperm.xlane v8, v6;
	v9 =	vadd.s32 v4, v9;
	_ =	sdelay $0x1  }
0x16b: {  	v8 =	vadd.s32 v4, v8;
	_ =	sdelay $0x1  }
0x16c: {  	s28 =	simm.s32 $0xB000  }
0x16d: {  	[tilespmem:s28], [sflag:$0x1] =	stream.indirect_vreg.gather [hbm4b:s6+s2], $0x80, v9, vm0, $0xb8;
	[tilespmem:$0x1A100] =	vst v63  }
0x16e: {  	s29 =	simm.s32 $0xB800  }
0x16f: {  	[tilespmem:s29], [sflag:$0x1] =	stream.indirect_vreg.gather [hbm4b:s6+s2], $0x80, v8, vm0, $0xb8;
	[tilespmem:$0x1A100] =	vst v63  }
0x170: {  	v8 =	vld [tilespmem:s0+$0x120];
	_ =	sdelay $0x4  }
0x171: {  	v58 =	vshll.u32 v8, $0x1  }
0x172: {  	v8 =	vand.u32 $0x7, v8;
	v9 =	vand.u32 $0xFFFFFFF0, v58  }
0x173: {  	v8 =	vor.u32 v8, v9  }
0x174: {  	v9 =	vperm.xlane v8, v3;
	_ =	sdelay $0x1  }
0x175: {  	v8 =	vperm.xlane v8, v6;
	v9 =	vadd.s32 v4, v9;
	_ =	sdelay $0x1  }
0x176: {  	v8 =	vadd.s32 v4, v8;
	_ =	sdelay $0x1  }
0x177: {  	s30 =	simm.s32 $0xC000  }
0x178: {  	[tilespmem:s30], [sflag:$0x1] =	stream.indirect_vreg.gather [hbm4b:s6+s2], $0x80, v9, vm0, $0xb8;
	[tilespmem:$0x1A100] =	vst v63  }
0x179: {  	s31 =	simm.s32 $0xC800  }
0x17a: {  	[tilespmem:s31], [sflag:$0x1] =	stream.indirect_vreg.gather [hbm4b:s6+s2], $0x80, v8, vm0, $0xb8;
	[tilespmem:$0x1A100] =	vst v63  }
0x17b: {  	v8 =	vld [tilespmem:s0+$0x130];
	_ =	sdelay $0x4  }
0x17c: {  	v59 =	vshll.u32 v8, $0x1  }
0x17d: {  	v8 =	vand.u32 $0x7, v8;
	v9 =	vand.u32 $0xFFFFFFF0, v59  }
0x17e: {  	v8 =	vor.u32 v8, v9  }
0x17f: {  	v9 =	vperm.xlane v8, v3;
	_ =	sdelay $0x1  }
0x180: {  	v8 =	vperm.xlane v8, v6;
	v9 =	vadd.s32 v4, v9;
	_ =	sdelay $0x1  }
0x181: {  	v8 =	vadd.s32 v4, v8;
	_ =	sdelay $0x1  }
0x182: {  	s4 =	simm.s32 $0xD000  }
0x183: {  	[tilespmem:s4], [sflag:$0x1] =	stream.indirect_vreg.gather [hbm4b:s6+s2], $0x80, v9, vm0, $0xb8;
	[tilespmem:$0x1A100] =	vst v63  }
0x184: {  	s5 =	simm.s32 $0xD800  }
0x185: {  	[tilespmem:s5], [sflag:$0x1] =	stream.indirect_vreg.gather [hbm4b:s6+s2], $0x80, v8, vm0, $0xb8;
	[tilespmem:$0x1A100] =	vst v63  }
0x186: {  	v8 =	vld [tilespmem:s0+$0x5100];
	_ =	sdelay $0x4  }
0x187: {  	v60 =	vshll.u32 v8, $0x1  }
0x188: {  	v8 =	vand.u32 $0x7, v8;
	v9 =	vand.u32 $0xFFFFFFF0, v60  }
0x189: {  	v8 =	vor.u32 v8, v9  }
0x18a: {  	v9 =	vperm.xlane v8, v3;
	_ =	sdelay $0x1  }
0x18b: {  	v8 =	vperm.xlane v8, v6;
	v9 =	vadd.s32 v4, v9;
	_ =	sdelay $0x1  }
0x18c: {  	v8 =	vadd.s32 v4, v8;
	_ =	sdelay $0x1  }
0x18d: {  	s10 =	simm.s32 $0xE000  }
0x18e: {  	[tilespmem:s10], [sflag:$0x1] =	stream.indirect_vreg.gather [hbm4b:s6+s2], $0x80, v9, vm0, $0xb8;
	[tilespmem:$0x1A100] =	vst v63  }
0x18f: {  	s23 =	simm.s32 $0xE800  }
0x190: {  	[tilespmem:s23], [sflag:$0x1] =	stream.indirect_vreg.gather [hbm4b:s6+s2], $0x80, v8, vm0, $0xb8;
	[tilespmem:$0x1A100] =	vst v63  }
0x191: {  	v8 =	vld [tilespmem:s0+$0x5110];
	_ =	sdelay $0x4  }
0x192: {  	v61 =	vshll.u32 v8, $0x1  }
0x193: {  	v8 =	vand.u32 $0x7, v8;
	v9 =	vand.u32 $0xFFFFFFF0, v61  }
0x194: {  	v8 =	vor.u32 v8, v9  }
0x195: {  	v9 =	vperm.xlane v8, v3;
	_ =	sdelay $0x1  }
0x196: {  	v8 =	vperm.xlane v8, v6;
	v9 =	vadd.s32 v4, v9;
	_ =	sdelay $0x1  }
0x197: {  	v8 =	vadd.s32 v4, v8;
	_ =	sdelay $0x1  }
0x198: {  	s24 =	simm.s32 $0xF000  }
0x199: {  	[tilespmem:s24], [sflag:$0x1] =	stream.indirect_vreg.gather [hbm4b:s6+s2], $0x80, v9, vm0, $0xb8;
	[tilespmem:$0x1A100] =	vst v63  }
0x19a: {  	s26 =	simm.s32 $0xF800  }
0x19b: {  	[tilespmem:s26], [sflag:$0x1] =	stream.indirect_vreg.gather [hbm4b:s6+s2], $0x80, v8, vm0, $0xb8;
	[tilespmem:$0x1A100] =	vst v63  }
0x19c: {  	v8 =	vld [tilespmem:s0+$0x5120];
	_ =	sdelay $0x4  }
0x19d: {  	v62 =	vshll.u32 v8, $0x1  }
0x19e: {  	v8 =	vand.u32 $0x7, v8;
	v9 =	vand.u32 $0xFFFFFFF0, v62  }
0x19f: {  	v8 =	vor.u32 v8, v9  }
0x1a0: {  	v9 =	vperm.xlane v8, v3;
	_ =	sdelay $0x1  }
0x1a1: {  	v8 =	vperm.xlane v8, v6;
	v9 =	vadd.s32 v4, v9;
	_ =	sdelay $0x1  }
0x1a2: {  	v8 =	vadd.s32 v4, v8;
	_ =	sdelay $0x1  }
0x1a3: {  	s28 =	simm.s32 $0x10000  }
0x1a4: {  	[tilespmem:s28], [sflag:$0x1] =	stream.indirect_vreg.gather [hbm4b:s6+s2], $0x80, v9, vm0, $0xb8;
	[tilespmem:$0x1A100] =	vst v63  }
0x1a5: {  	s29 =	simm.s32 $0x10800  }
0x1a6: {  	[tilespmem:s29], [sflag:$0x1] =	stream.indirect_vreg.gather [hbm4b:s6+s2], $0x80, v8, vm0, $0xb8;
	[tilespmem:$0x1A100] =	vst v63  }
0x1a7: {  	v8 =	vld [tilespmem:s0+$0x5130];
	_ =	sdelay $0x4  }
0x1a8: {  	v63 =	vshll.u32 v8, $0x1  }
0x1a9: {  	v8 =	vand.u32 $0x7, v8;
	v9 =	vand.u32 $0xFFFFFFF0, v63  }
0x1aa: {  	v8 =	vor.u32 v8, v9  }
0x1ab: {  	v9 =	vperm.xlane v8, v3;
	_ =	sdelay $0x1  }
0x1ac: {  	v8 =	vperm.xlane v8, v6;
	v9 =	vadd.s32 v4, v9;
	_ =	sdelay $0x1  }
0x1ad: {  	v8 =	vadd.s32 v4, v8;
	_ =	sdelay $0x1  }
0x1ae: {  	s30 =	simm.s32 $0x11000  }
0x1af: {  	[tilespmem:s30], [sflag:$0x1] =	stream.indirect_vreg.gather [hbm4b:s6+s2], $0x80, v9, vm0, $0xb8;
	[tilespmem:$0x1A100] =	vst v63  }
0x1b0: {  	s31 =	simm.s32 $0x11800  }
0x1b1: {  	[tilespmem:s31], [sflag:$0x1] =	stream.indirect_vreg.gather [hbm4b:s6+s2], $0x80, v8, vm0, $0xb8;
	[tilespmem:$0x1A100] =	vst v63  }
.LBB2_8:
0x1b2: {  	s0 =	sshll.u32 s22, $0x4  }
0x1b3: {  	s23 =	sadd.s32 s7, s0  }
0x1b4: {  	s24 =	simm.s32 $0x0;
	s0 =	sadd.s32 s3, s23  }
0x1b5: {  	[hbm4b:s0+s24] =	stream.linear.scatter [tilespmem:s19], [sflag:$0x3], $0x40, $0x38;
	[tilespmem:$0x1A100] =	vst v63  }
0x1b6: {  	_ =	swait.ge [sflag:s25], $0x40  }
0x1b7: {  	[sflag:s25] =	ssyncset.done $0x0  }
0x1b8: {  	[sflag:s25] =	ssyncadd.s32 $0xFFFFFFC0  }
0x1b9: {  	_ =	swait.ge [sflag:s20], $0x4000  }
0x1ba: {  	[sflag:s20] =	ssyncset.done $0x0  }
0x1bb: {  	[sflag:s20] =	ssyncadd.s32 $0xFFFFC000  }
0x1bc: {  	_ =	swait.ge [sflag:s20], $0x4000  }
0x1bd: {  	[sflag:s20] =	ssyncset.done $0x0  }
0x1be: {  	s26 =	simm.s32 $0x0;
	[sflag:s20] =	ssyncadd.s32 $0xFFFFC000  }
.LBB2_9:
0x1bf: {  	s30 =	sshll.u32 s26, $0xC;
	s0 =	sand.u32 $0x800, s24  }
0x1c0: {  	s1 =	sand.u32 $0x380, s24;
	s0 =	sor.u32 s30, s0  }
0x1c1: {  	s4 =	sor.u32 s1, s0  }
0x1c2: {  	v8 =	vld [tilespmem:s4+$0x12000]  }
0x1c3: {  	v9 =	vld [tilespmem:s4+$0x16000]  }
0x1c4: {  	v10 =	vld [tilespmem:s4+$0x12010]  }
0x1c5: {  	v11 =	vld [tilespmem:s4+$0x16010]  }
0x1c6: {  	v12 =	vld [tilespmem:s4+$0x12020]  }
0x1c7: {  	v13 =	vld [tilespmem:s4+$0x16020]  }
0x1c8: {  	v14 =	vld [tilespmem:s4+$0x12030]  }
0x1c9: {  	v15 =	vld [tilespmem:s4+$0x16030]  }
0x1ca: {  	v8 =	vmul.f32 v9, v8;
	v9 =	vmul.f32 v11, v10;
	v10 =	vld [tilespmem:s4+$0x12040]  }
0x1cb: {  	v11 =	vld [tilespmem:s4+$0x16040]  }
0x1cc: {  	v8 =	vadd.f32 v9, v8;
	v9 =	vmul.f32 v13, v12;
	v12 =	vld [tilespmem:s4+$0x12050]  }
0x1cd: {  	v13 =	vld [tilespmem:s4+$0x16050]  }
0x1ce: {  	v8 =	vadd.f32 v9, v8;
	v9 =	vmul.f32 v15, v14;
	v14 =	vld [tilespmem:s4+$0x12060]  }
0x1cf: {  	v15 =	vld [tilespmem:s4+$0x16060]  }
0x1d0: {  	v8 =	vadd.f32 v9, v8;
	v9 =	vmul.f32 v11, v10;
	v10 =	vld [tilespmem:s4+$0x12070]  }
0x1d1: {  	v11 =	vld [tilespmem:s4+$0x16070]  }
0x1d2: {  	v8 =	vadd.f32 v9, v8;
	v9 =	vmul.f32 v13, v12;
	v12 =	vld [tilespmem:s4+$0x12400]  }
0x1d3: {  	v13 =	vld [tilespmem:s4+$0x16400]  }
0x1d4: {  	v8 =	vadd.f32 v9, v8;
	v9 =	vmul.f32 v15, v14;
	v14 =	vld [tilespmem:s4+$0x12410]  }
0x1d5: {  	v15 =	vld [tilespmem:s4+$0x16410]  }
0x1d6: {  	v8 =	vadd.f32 v9, v8;
	v9 =	vmul.f32 v11, v10;
	v10 =	vld [tilespmem:s4+$0x12420]  }
0x1d7: {  	v11 =	vld [tilespmem:s4+$0x16420]  }
0x1d8: {  	v8 =	vadd.f32 v9, v8;
	v9 =	vmul.f32 v13, v12;
	v12 =	vld [tilespmem:s4+$0x12430]  }
0x1d9: {  	v13 =	vld [tilespmem:s4+$0x16430]  }
0x1da: {  	v8 =	vadd.f32 v9, v8;
	v9 =	vmul.f32 v15, v14;
	v14 =	vld [tilespmem:s4+$0x12440]  }
0x1db: {  	v15 =	vld [tilespmem:s4+$0x16440]  }
0x1dc: {  	v16 =	vld [tilespmem:s4+$0x12450];
	v8 =	vadd.f32 v9, v8;
	v9 =	vmul.f32 v11, v10  }
0x1dd: {  	v17 =	vld [tilespmem:s4+$0x16450]  }
0x1de: {  	s0 =	simm.s32 $0x100;
	v10 =	vld [tilespmem:s4+$0x16460];
	v11 =	vmul.f32 v13, v12;
	v8 =	vadd.f32 v9, v8  }
0x1df: {  	s1 =	simm.s32 $0x80;
	s10 =	sand.u32 $0x800, s0;
	v9 =	vld [tilespmem:s4+$0x12460]  }
0x1e0: {  	s28 =	sand.u32 $0x380, s1;
	s10 =	sor.u32 s30, s10;
	v12 =	vld [tilespmem:s4+$0x16470];
	v14 =	vmul.f32 v15, v14;
	v13 =	vadd.f32 v11, v8  }
0x1e1: {  	s31 =	sor.u32 s28, s10;
	v11 =	vld [tilespmem:s4+$0x12470]  }
0x1e2: {  	s29 =	simm.s32 $0x0;
	s28 =	simm.s32 $0x1;
	s10 =	simm.s32 $0x2;
	v15 =	vld [tilespmem:s31+$0x12000];
	v8 =	vimm.f32 $0.0e+00;
	v13 =	vadd.f32 v14, v13;
	v14 =	vmul.f32 v17, v16  }
.LBB2_10:
0x1e3: {  	p1 =	sne.s32 s10, $0xF;
	v16 =	vld [tilespmem:s31+$0x16000]  }
0x1e4: {  	v17 =	vld [tilespmem:s31+$0x12010];
	v13 =	vadd.f32 v14, v13;
	v9 =	vmul.f32 v10, v9  }
0x1e5: {  	v10 =	vld [tilespmem:s31+$0x16010]  }
0x1e6: {  	v14 =	vld [tilespmem:s31+$0x12020];
	v9 =	vadd.f32 v9, v13;
	v11 =	vmul.f32 v12, v11  }
0x1e7: {  	v12 =	vld [tilespmem:s31+$0x16020]  }
0x1e8: {  	v13 =	vld [tilespmem:s31+$0x12030];
	v9 =	vadd.f32 v11, v9  }
0x1e9: {  	v11 =	vmul.f32 v16, v15;
	v15 =	vld [tilespmem:s31+$0x16030]  }
0x1ea: {  	v10 =	vmul.f32 v10, v17;
	v16 =	vld [tilespmem:s31+$0x12040];
	v17 =	vperm.xlane v9, v1  }
0x1eb: {  	v18 =	vld [tilespmem:s31+$0x16040]  }
0x1ec: {  	v10 =	vadd.f32 v10, v11;
	v11 =	vmul.f32 v12, v14;
	v12 =	vld [tilespmem:s31+$0x12050];
	v9 =	vadd.f32 v9, v17  }
0x1ed: {  	v14 =	vld [tilespmem:s31+$0x16050]  }
0x1ee: {  	v10 =	vadd.f32 v11, v10;
	v11 =	vmul.f32 v15, v13;
	v13 =	vld [tilespmem:s31+$0x12060];
	v15 =	vperm.xlane v9, v2  }
0x1ef: {  	v17 =	vld [tilespmem:s31+$0x16060]  }
0x1f0: {  	v10 =	vadd.f32 v11, v10;
	v11 =	vmul.f32 v18, v16;
	v16 =	vld [tilespmem:s31+$0x12070];
	v9 =	vadd.f32 v9, v15  }
0x1f1: {  	v15 =	vld [tilespmem:s31+$0x16070]  }
0x1f2: {  	v10 =	vadd.f32 v11, v10;
	v11 =	vmul.f32 v14, v12;
	v12 =	vld [tilespmem:s31+$0x12400];
	v14 =	vperm.xlane v9, v5  }
0x1f3: {  	v18 =	vld [tilespmem:s31+$0x16400]  }
0x1f4: {  	v10 =	vadd.f32 v11, v10;
	v11 =	vmul.f32 v17, v13;
	v13 =	vld [tilespmem:s31+$0x12410];
	v9 =	vadd.f32 v9, v14  }
0x1f5: {  	v14 =	vld [tilespmem:s31+$0x16410]  }
0x1f6: {  	v10 =	vadd.f32 v11, v10;
	v11 =	vmul.f32 v15, v16;
	v15 =	vld [tilespmem:s31+$0x12420];
	v16 =	vperm.xlane v9, v7  }
0x1f7: {  	v19 =	vmov s29;
	s29 =	smov.u32 s28;
	s28 =	smov.u32 s10;
	v17 =	vld [tilespmem:s31+$0x16420]  }
0x1f8: {  	v10 =	vadd.f32 v11, v10;
	v11 =	vmul.f32 v18, v12;
	v12 =	vld [tilespmem:s31+$0x12430];
	v9 =	vadd.f32 v9, v16  }
0x1f9: {  	vm1 =	veq.s32 v19, v0;
	v16 =	vld [tilespmem:s31+$0x16430]  }
0x1fa: {  	v10 =	vadd.f32 v11, v10;
	v11 =	vmul.f32 v14, v13;
	v13 =	vld [tilespmem:s31+$0x12440];
	v8 =	vsel vm1, v9, v8  }
0x1fb: {  	v14 =	vld [tilespmem:s31+$0x16440]  }
0x1fc: {  	v9 =	vadd.f32 v11, v10;
	v10 =	vmul.f32 v17, v15;
	v17 =	vld [tilespmem:s31+$0x12450]  }
0x1fd: {  	v18 =	vld [tilespmem:s31+$0x16450]  }
.Ltmp7:
0x1fe: {  	s0 =	sadd.s32 $0x100, s0;
	v11 =	vadd.f32 v10, v9;
	v12 =	vmul.f32 v16, v12;
	v9 =	vld [tilespmem:s31+$0x12460];
	(pc) =	sbr.rel @p1 .LBB2_10-.Ltmp7, $4  }
0x1ff: {  	s1 =	sadd.s32 $0x80, s1;
	s4 =	sand.u32 $0x800, s0;
	v10 =	vld [tilespmem:s31+$0x16460]  }
0x200: {  	s5 =	sand.u32 $0x380, s1;
	s4 =	sor.u32 s30, s4;
	v16 =	vadd.f32 v12, v11;
	v13 =	vmul.f32 v14, v13;
	v11 =	vld [tilespmem:s31+$0x12470]  }
0x201: {  	v12 =	vld [tilespmem:s31+$0x16470];
	s31 =	sor.u32 s5, s4  }
0x202: {  	s10 =	sadd.s32 $0x1, s10;
	v15 =	vld [tilespmem:s31+$0x12000];
	v13 =	vadd.f32 v13, v16;
	v14 =	vmul.f32 v18, v17  }
0x203: {  	v16 =	vld [tilespmem:s31+$0x16000]  }
0x204: {  	v17 =	vld [tilespmem:s31+$0x12010]  }
0x205: {  	v18 =	vld [tilespmem:s31+$0x16010]  }
0x206: {  	v19 =	vld [tilespmem:s31+$0x12020]  }
0x207: {  	v20 =	vld [tilespmem:s31+$0x16020]  }
0x208: {  	v21 =	vld [tilespmem:s31+$0x12030]  }
0x209: {  	v22 =	vld [tilespmem:s31+$0x16030]  }
0x20a: {  	v63 =	vld [tilespmem:s31+$0x12040];
	v15 =	vmul.f32 v16, v15;
	v62 =	vmul.f32 v18, v17  }
0x20b: {  	v24 =	vld [tilespmem:s31+$0x16040]  }
0x20c: {  	v26 =	vld [tilespmem:s31+$0x12050];
	v25 =	vmul.f32 v20, v19;
	v15 =	vadd.f32 v62, v15  }
0x20d: {  	v27 =	vld [tilespmem:s31+$0x16050]  }
0x20e: {  	v29 =	vld [tilespmem:s31+$0x12060];
	v28 =	vmul.f32 v22, v21;
	v15 =	vadd.f32 v25, v15  }
0x20f: {  	v30 =	vld [tilespmem:s31+$0x16060]  }
0x210: {  	v32 =	vld [tilespmem:s31+$0x12070];
	v31 =	vmul.f32 v24, v63;
	v15 =	vadd.f32 v28, v15  }
0x211: {  	v33 =	vld [tilespmem:s31+$0x16070]  }
0x212: {  	v35 =	vld [tilespmem:s31+$0x12400];
	v34 =	vmul.f32 v27, v26;
	v15 =	vadd.f32 v31, v15  }
0x213: {  	v36 =	vld [tilespmem:s31+$0x16400]  }
0x214: {  	v38 =	vld [tilespmem:s31+$0x12410];
	v37 =	vmul.f32 v30, v29;
	v15 =	vadd.f32 v34, v15  }
0x215: {  	v39 =	vld [tilespmem:s31+$0x16410]  }
0x216: {  	v41 =	vld [tilespmem:s31+$0x12420];
	v40 =	vmul.f32 v33, v32;
	v15 =	vadd.f32 v37, v15  }
0x217: {  	v42 =	vld [tilespmem:s31+$0x16420]  }
0x218: {  	v44 =	vld [tilespmem:s31+$0x12430];
	v43 =	vmul.f32 v36, v35;
	v15 =	vadd.f32 v40, v15  }
0x219: {  	v45 =	vld [tilespmem:s31+$0x16430]  }
0x21a: {  	v47 =	vld [tilespmem:s31+$0x12440];
	v46 =	vmul.f32 v39, v38;
	v15 =	vadd.f32 v43, v15  }
0x21b: {  	v48 =	vld [tilespmem:s31+$0x16440]  }
0x21c: {  	v50 =	vld [tilespmem:s31+$0x12450];
	v49 =	vmul.f32 v42, v41;
	v15 =	vadd.f32 v46, v15  }
0x21d: {  	v51 =	vld [tilespmem:s31+$0x16450]  }
0x21e: {  	v53 =	vld [tilespmem:s31+$0x12460];
	v52 =	vmul.f32 v45, v44;
	v15 =	vadd.f32 v49, v15  }
0x21f: {  	v54 =	vld [tilespmem:s31+$0x16460]  }
0x220: {  	v56 =	vld [tilespmem:s31+$0x12470];
	v55 =	vmul.f32 v48, v47;
	v15 =	vadd.f32 v52, v15  }
0x221: {  	v57 =	vld [tilespmem:s31+$0x16470]  }
0x222: {  	v58 =	vmul.f32 v51, v50;
	v15 =	vadd.f32 v55, v15  }
0x223: {  	v13 =	vadd.f32 v14, v13;
	v9 =	vmul.f32 v10, v9  }
0x224: {  	v60 =	vmul.f32 v54, v53;
	v59 =	vadd.f32 v58, v15  }
0x225: {  	v9 =	vadd.f32 v9, v13;
	v11 =	vmul.f32 v12, v11  }
0x226: {  	v61 =	vmul.f32 v57, v56;
	v10 =	vadd.f32 v60, v59  }
0x227: {  	v9 =	vadd.f32 v11, v9  }
0x228: {  	v10 =	vadd.f32 v61, v10  }
0x229: {  	v11 =	vperm.xlane v9, v1  }
0x22a: {  	v12 =	vperm.xlane v10, v1  }
0x22b: {  	v9 =	vadd.f32 v9, v11  }
0x22c: {  	v10 =	vadd.f32 v10, v12  }
0x22d: {  	v11 =	vperm.xlane v9, v2  }
0x22e: {  	v12 =	vperm.xlane v10, v2  }
0x22f: {  	v9 =	vadd.f32 v9, v11  }
0x230: {  	v10 =	vadd.f32 v10, v12  }
0x231: {  	v11 =	vperm.xlane v9, v5  }
0x232: {  	v12 =	vperm.xlane v10, v5  }
0x233: {  	v9 =	vadd.f32 v9, v11  }
0x234: {  	v10 =	vadd.f32 v10, v12  }
0x235: {  	s0 =	sshll.u32 s26, $0x4;
	s26 =	sadd.s32 $0x1, s26;
	v11 =	vperm.xlane v9, v7  }
0x236: {  	p1 =	sne.s32 s26, $0x4;
	v12 =	vperm.xlane v10, v7  }
.Ltmp8:
0x237: {  	v62 =	vmov s29;
	v9 =	vadd.f32 v9, v11;
	(pc) =	sbr.rel @p1 .LBB2_9-.Ltmp8, $4  }
0x238: {  	v63 =	vmov s28;
	vm1 =	veq.s32 v62, v0;
	v10 =	vadd.f32 v10, v12  }
0x239: {  	v8 =	vsel vm1, v9, v8;
	vm1 =	veq.s32 v63, v0  }
0x23a: {  	s0 =	sand.u32 $0x3FFFFFF0, s0;
	v8 =	vsel vm1, v10, v8  }
0x23b: {  	[tilespmem:s0+$0x1A080] =	vst v8  }
.Ltmp9:
0x23c: {  	(pc) =	sbr.rel @p0 .LBB2_14-.Ltmp9, $1  }
0x23d: {  	_ =	sdelay $0x3  }
0x23e: {  	s0 =	sshll.u32 s22, $0x8  }
0x23f: {  	v8 =	vld [tilespmem:s0+$0x180];
	_ =	sdelay $0x4  }
0x240: {  	v9 =	vshll.u32 v8, $0x1  }
0x241: {  	v8 =	vand.u32 $0x7, v8;
	v9 =	vand.u32 $0xFFFFFFF0, v9  }
0x242: {  	v8 =	vor.u32 v8, v9  }
0x243: {  	v9 =	vperm.xlane v8, v3;
	_ =	sdelay $0x1  }
0x244: {  	v8 =	vperm.xlane v8, v6;
	v9 =	vadd.s32 v4, v9;
	_ =	sdelay $0x1  }
0x245: {  	v8 =	vadd.s32 v4, v8;
	_ =	sdelay $0x1  }
0x246: {  	s1 =	simm.s32 $0x12000  }
0x247: {  	[tilespmem:s1], [sflag:$0x2] =	stream.indirect_vreg.gather [hbm4b:s6+s2], $0x80, v9, vm0, $0xb8;
	[tilespmem:$0x1A100] =	vst v63  }
0x248: {  	s10 =	simm.s32 $0x12800  }
0x249: {  	[tilespmem:s10], [sflag:$0x2] =	stream.indirect_vreg.gather [hbm4b:s6+s2], $0x80, v8, vm0, $0xb8;
	[tilespmem:$0x1A100] =	vst v63  }
0x24a: {  	v8 =	vld [tilespmem:s0+$0x190];
	_ =	sdelay $0x4  }
0x24b: {  	v57 =	vshll.u32 v8, $0x1  }
0x24c: {  	v8 =	vand.u32 $0x7, v8;
	v9 =	vand.u32 $0xFFFFFFF0, v57  }
0x24d: {  	v8 =	vor.u32 v8, v9  }
0x24e: {  	v9 =	vperm.xlane v8, v3;
	_ =	sdelay $0x1  }
0x24f: {  	v8 =	vperm.xlane v8, v6;
	v9 =	vadd.s32 v4, v9;
	_ =	sdelay $0x1  }
0x250: {  	v8 =	vadd.s32 v4, v8;
	_ =	sdelay $0x1  }
0x251: {  	s24 =	simm.s32 $0x13000  }
0x252: {  	[tilespmem:s24], [sflag:$0x2] =	stream.indirect_vreg.gather [hbm4b:s6+s2], $0x80, v9, vm0, $0xb8;
	[tilespmem:$0x1A100] =	vst v63  }
0x253: {  	s26 =	simm.s32 $0x13800  }
0x254: {  	[tilespmem:s26], [sflag:$0x2] =	stream.indirect_vreg.gather [hbm4b:s6+s2], $0x80, v8, vm0, $0xb8;
	[tilespmem:$0x1A100] =	vst v63  }
0x255: {  	v8 =	vld [tilespmem:s0+$0x1A0];
	_ =	sdelay $0x4  }
0x256: {  	v58 =	vshll.u32 v8, $0x1  }
0x257: {  	v8 =	vand.u32 $0x7, v8;
	v9 =	vand.u32 $0xFFFFFFF0, v58  }
0x258: {  	v8 =	vor.u32 v8, v9  }
0x259: {  	v9 =	vperm.xlane v8, v3;
	_ =	sdelay $0x1  }
0x25a: {  	v8 =	vperm.xlane v8, v6;
	v9 =	vadd.s32 v4, v9;
	_ =	sdelay $0x1  }
0x25b: {  	v8 =	vadd.s32 v4, v8;
	_ =	sdelay $0x1  }
0x25c: {  	s28 =	simm.s32 $0x14000  }
0x25d: {  	[tilespmem:s28], [sflag:$0x2] =	stream.indirect_vreg.gather [hbm4b:s6+s2], $0x80, v9, vm0, $0xb8;
	[tilespmem:$0x1A100] =	vst v63  }
0x25e: {  	s29 =	simm.s32 $0x14800  }
0x25f: {  	[tilespmem:s29], [sflag:$0x2] =	stream.indirect_vreg.gather [hbm4b:s6+s2], $0x80, v8, vm0, $0xb8;
	[tilespmem:$0x1A100] =	vst v63  }
0x260: {  	v8 =	vld [tilespmem:s0+$0x1B0];
	_ =	sdelay $0x4  }
0x261: {  	v59 =	vshll.u32 v8, $0x1  }
0x262: {  	v8 =	vand.u32 $0x7, v8;
	v9 =	vand.u32 $0xFFFFFFF0, v59  }
0x263: {  	v8 =	vor.u32 v8, v9  }
0x264: {  	v9 =	vperm.xlane v8, v3;
	_ =	sdelay $0x1  }
0x265: {  	v8 =	vperm.xlane v8, v6;
	v9 =	vadd.s32 v4, v9;
	_ =	sdelay $0x1  }
0x266: {  	v8 =	vadd.s32 v4, v8;
	_ =	sdelay $0x1  }
0x267: {  	s30 =	simm.s32 $0x15000  }
0x268: {  	[tilespmem:s30], [sflag:$0x2] =	stream.indirect_vreg.gather [hbm4b:s6+s2], $0x80, v9, vm0, $0xb8;
	[tilespmem:$0x1A100] =	vst v63  }
0x269: {  	s31 =	simm.s32 $0x15800  }
0x26a: {  	[tilespmem:s31], [sflag:$0x2] =	stream.indirect_vreg.gather [hbm4b:s6+s2], $0x80, v8, vm0, $0xb8;
	[tilespmem:$0x1A100] =	vst v63  }
0x26b: {  	v8 =	vld [tilespmem:s0+$0x5180];
	_ =	sdelay $0x4  }
0x26c: {  	v60 =	vshll.u32 v8, $0x1  }
0x26d: {  	v8 =	vand.u32 $0x7, v8;
	v9 =	vand.u32 $0xFFFFFFF0, v60  }
0x26e: {  	v8 =	vor.u32 v8, v9  }
0x26f: {  	v9 =	vperm.xlane v8, v3;
	_ =	sdelay $0x1  }
0x270: {  	v8 =	vperm.xlane v8, v6;
	v9 =	vadd.s32 v4, v9;
	_ =	sdelay $0x1  }
0x271: {  	v8 =	vadd.s32 v4, v8;
	_ =	sdelay $0x2  }
0x272: {  	[tilespmem:s9], [sflag:$0x2] =	stream.indirect_vreg.gather [hbm4b:s6+s2], $0x80, v9, vm0, $0xb8;
	[tilespmem:$0x1A100] =	vst v63  }
0x273: {  	_ = 	snop  }
0x274: {  	[tilespmem:s11], [sflag:$0x2] =	stream.indirect_vreg.gather [hbm4b:s6+s2], $0x80, v8, vm0, $0xb8;
	[tilespmem:$0x1A100] =	vst v63  }
0x275: {  	v8 =	vld [tilespmem:s0+$0x5190];
	_ =	sdelay $0x4  }
0x276: {  	v61 =	vshll.u32 v8, $0x1  }
0x277: {  	v8 =	vand.u32 $0x7, v8;
	v9 =	vand.u32 $0xFFFFFFF0, v61  }
0x278: {  	v8 =	vor.u32 v8, v9  }
0x279: {  	v9 =	vperm.xlane v8, v3;
	_ =	sdelay $0x1  }
0x27a: {  	v8 =	vperm.xlane v8, v6;
	v9 =	vadd.s32 v4, v9;
	_ =	sdelay $0x1  }
0x27b: {  	v8 =	vadd.s32 v4, v8;
	_ =	sdelay $0x2  }
0x27c: {  	[tilespmem:s12], [sflag:$0x2] =	stream.indirect_vreg.gather [hbm4b:s6+s2], $0x80, v9, vm0, $0xb8;
	[tilespmem:$0x1A100] =	vst v63  }
0x27d: {  	_ = 	snop  }
0x27e: {  	[tilespmem:s13], [sflag:$0x2] =	stream.indirect_vreg.gather [hbm4b:s6+s2], $0x80, v8, vm0, $0xb8;
	[tilespmem:$0x1A100] =	vst v63  }
0x27f: {  	v8 =	vld [tilespmem:s0+$0x51A0];
	_ =	sdelay $0x4  }
0x280: {  	v62 =	vshll.u32 v8, $0x1  }
0x281: {  	v8 =	vand.u32 $0x7, v8;
	v9 =	vand.u32 $0xFFFFFFF0, v62  }
0x282: {  	v8 =	vor.u32 v8, v9  }
0x283: {  	v9 =	vperm.xlane v8, v3;
	_ =	sdelay $0x1  }
0x284: {  	v8 =	vperm.xlane v8, v6;
	v9 =	vadd.s32 v4, v9;
	_ =	sdelay $0x1  }
0x285: {  	v8 =	vadd.s32 v4, v8;
	_ =	sdelay $0x2  }
0x286: {  	[tilespmem:s14], [sflag:$0x2] =	stream.indirect_vreg.gather [hbm4b:s6+s2], $0x80, v9, vm0, $0xb8;
	[tilespmem:$0x1A100] =	vst v63  }
0x287: {  	_ = 	snop  }
0x288: {  	[tilespmem:s15], [sflag:$0x2] =	stream.indirect_vreg.gather [hbm4b:s6+s2], $0x80, v8, vm0, $0xb8;
	[tilespmem:$0x1A100] =	vst v63  }
0x289: {  	v8 =	vld [tilespmem:s0+$0x51B0];
	_ =	sdelay $0x4  }
0x28a: {  	v63 =	vshll.u32 v8, $0x1  }
0x28b: {  	v8 =	vand.u32 $0x7, v8;
	v9 =	vand.u32 $0xFFFFFFF0, v63  }
0x28c: {  	v8 =	vor.u32 v8, v9  }
0x28d: {  	v9 =	vperm.xlane v8, v3;
	_ =	sdelay $0x1  }
0x28e: {  	v8 =	vperm.xlane v8, v6;
	v9 =	vadd.s32 v4, v9;
	_ =	sdelay $0x1  }
0x28f: {  	v8 =	vadd.s32 v4, v8  }
.Ltmp10:
0x290: {  	_ = 	snop;
	(pc) =	sbr.rel .LBB2_14-.Ltmp10, $4  }
0x291: {  	_ = 	snop  }
0x292: {  	[tilespmem:s16], [sflag:$0x2] =	stream.indirect_vreg.gather [hbm4b:s6+s2], $0x80, v9, vm0, $0xb8;
	[tilespmem:$0x1A100] =	vst v63  }
0x293: {  	_ = 	snop  }
0x294: {  	[tilespmem:s17], [sflag:$0x2] =	stream.indirect_vreg.gather [hbm4b:s6+s2], $0x80, v8, vm0, $0xb8;
	[tilespmem:$0x1A100] =	vst v63  }
.LBB2_16:
0x295: {  	_ =	sfence.sel $0x180000  }
0x296: {  	[bflag:$0x0] =	sbarrier.arrive $0xFFFF  }
0x297: {  	_ =	strace $0x90000050  }
0x298: {  	s0 =	stileid.u32;
	[bflag:$0x2] =	sbarrier.arrive $0xFFFF  }
0x299: {  	p0 =	sne.s32 s0, $0x0;
	s0 =	rddreg [dreg:$0x1]  }
0x29a: {  	s0 =	sadd.s32 @!p0 $0x100000, s0  }
0x29b: {  	[sflag:s0] =	ssyncadd.tile.s32 @!p0 $0x1;
	_ =	shalt  }
.Lfunc_end2:
_tile_overlayer_lowered:
.L_overlay_start_2:
0x29c: {  	(tag) =	ssettag $0x2  }
0x29d: {  	s0 =	rddreg [dreg:$0x0];
	s2 =	stileid.u32  }
0x29e: {  	s1 =	rddreg [dreg:$0x1];
	p0 =	sne.s32 s2, $0x0  }
0x29f: {  	s3 =	rddreg [dreg:$0x2];
	[bflag:$0x3] =	sbarrier.arrive $0xFFFF;
	s2 =	simm.s32 @!p0 $0x1C03  }
0x2a0: {  	[timem:s3], [sflag:s2] =	dma.local @!p0 [hbm:s0], s1  }
0x2a1: {  	s0 =	simm.s32 @!p0 $0x3  }
0x2a2: {  	_ =	swait.ge @!p0 [sflag:s0], s1  }
0x2a3: {  	s1 =	ssub.s32 @!p0 $0x0, s1;
	[sflag:s0] =	ssyncset.done @!p0 $0x0  }
0x2a4: {  	[sflag:s0] =	ssyncadd.s32 @!p0 s1  }
0x2a5: {  	[bflag:$0x3] =	sbarrier.arrive $0xFFFF  }
0x2a6: {  	_ =	shalt  }

</sc_bundles>
